<compile_context>
chip_gen: v7x
topology: tpu7x:2x2x1
jax: 0.10.2.dev20260603
libtpu: 0.0.44.dev20260713+nightly
codegen_flags: <defaults>
</compile_context>

<pallas_src>
import functools

import jax
import jax.numpy as jnp
from jax import lax
from jax.experimental import pallas as pl
from jax.experimental.pallas import tpu as pltpu
from jax.experimental.pallas import tpu_sc as plsc

N = 10000
NFEAT = 128
NHID = 64
E = 320000

NC = 2
NS = 16
NW = NC * NS
CHUNK = 128
NCH_W = 80
EPAD = NW * NCH_W * CHUNK
NPAD = 10240
RPT = NPAD // NS

_MESH = plsc.VectorSubcoreMesh(core_axis_name="c", subcore_axis_name="s")


def _make_prop(D):

    @functools.partial(
        pl.kernel,
        mesh=_MESH,
        out_type=jax.ShapeDtypeStruct((NC, NPAD, D), jnp.float32),
        scratch_types=[
            pltpu.VMEM((NCH_W, CHUNK), jnp.int32),
            pltpu.VMEM((NCH_W, CHUNK), jnp.int32),
            pltpu.VMEM((CHUNK, D), jnp.float32),
            pltpu.VMEM_SHARED((NPAD, D), jnp.float32),
            pltpu.SemaphoreType.DMA,
        ],
    )
    def prop(g_hbm, src_hbm, dst_hbm, out_hbm, srcv, dstv, rows, acc, sem):
        c = lax.axis_index("c")
        s = lax.axis_index("s")
        wid = c * NS + s
        zero16 = jnp.zeros((16,), jnp.float32)

        def zrow(i, _):
            for cc in range(D // 16):
                rows[i, pl.ds(cc * 16, 16)] = zero16
            return 0

        lax.fori_loop(0, CHUNK, zrow, 0)
        base = s * RPT

        def zacc(k, _):
            pltpu.sync_copy(rows, acc.at[pl.ds(base + k * CHUNK, CHUNK)])
            return 0

        lax.fori_loop(0, RPT // CHUNK, zacc, 0)
        pltpu.sync_copy(src_hbm.at[wid], srcv)
        pltpu.sync_copy(dst_hbm.at[wid], dstv)
        plsc.subcore_barrier()

        def body(j, _):
            pltpu.async_copy(g_hbm.at[srcv.at[j]], rows, sem).wait()
            pltpu.sync_copy(rows, acc.at[dstv.at[j]], add=True)
            return 0

        lax.fori_loop(0, NCH_W, body, 0)
        plsc.subcore_barrier()
        pltpu.sync_copy(acc.at[pl.ds(base, RPT)],
                        out_hbm.at[c, pl.ds(base, RPT)])

    return prop


DDEG = 16


@functools.partial(
    pl.kernel,
    mesh=_MESH,
    out_type=jax.ShapeDtypeStruct((NC, NPAD, DDEG), jnp.float32),
    scratch_types=[
        pltpu.VMEM((NCH_W, CHUNK), jnp.int32),
        pltpu.VMEM((CHUNK, DDEG), jnp.float32),
        pltpu.VMEM_SHARED((NPAD, DDEG), jnp.float32),
    ],
)
def _deg_kernel(dst_hbm, out_hbm, dstv, ones, acc):
    c = lax.axis_index("c")
    s = lax.axis_index("s")
    wid = c * NS + s
    zero16 = jnp.zeros((16,), jnp.float32)

    def zrow(i, _):
        ones[i, pl.ds(0, 16)] = zero16
        return 0

    lax.fori_loop(0, CHUNK, zrow, 0)
    base = s * RPT

    def zacc(k, _):
        pltpu.sync_copy(ones, acc.at[pl.ds(base + k * CHUNK, CHUNK)])
        return 0

    lax.fori_loop(0, RPT // CHUNK, zacc, 0)

    one16 = jnp.ones((16,), jnp.float32)

    def orow(i, _):
        ones[i, pl.ds(0, 16)] = one16
        return 0

    lax.fori_loop(0, CHUNK, orow, 0)
    pltpu.sync_copy(dst_hbm.at[wid], dstv)
    plsc.subcore_barrier()

    def body(j, _):
        pltpu.sync_copy(ones, acc.at[dstv.at[j]], add=True)
        return 0

    lax.fori_loop(0, NCH_W, body, 0)
    plsc.subcore_barrier()
    pltpu.sync_copy(acc.at[pl.ds(base, RPT)], out_hbm.at[c, pl.ds(base, RPT)])



RB = 1024
NB = NPAD // RB


def _dinv(d0, d1):
    return lax.rsqrt(d0[:, :1] + d1[:, :1] + 1.0)


def _k1_body(x_ref, w_ref, d0, d1, out_ref):
    out_ref[...] = _dinv(d0, d1) * jnp.dot(
        x_ref[...], w_ref[...], preferred_element_type=jnp.float32)


def _k2_body(t0, t1, g, w, b, d0, d1, out_ref):
    dinv = _dinv(d0, d1)
    h = jnp.maximum(dinv * (t0[...] + t1[...] + g[...]) + b[...], 0.0)
    out_ref[...] = dinv * jnp.dot(h, w[...], preferred_element_type=jnp.float32)


def _k4_body(t0, t1, g, ba1, bs1, d0, d1, g4_ref, s_ref):
    dinv = _dinv(d0, d1)
    pa = dinv * (t0[:, :NHID] + t1[:, :NHID] + g[:, :NHID])
    xa = dinv * jnp.maximum(pa + ba1[...], 0.0)
    g4_ref[...] = jnp.concatenate(
        [xa, jnp.zeros_like(xa)], axis=1)
    ps = dinv * (t0[:, NHID:] + t1[:, NHID:] + g[:, NHID:])
    s_ref[...] = jnp.maximum(ps + bs1[...], 0.0)


def _k5_body(t0, t1, g, w, b, d0, d1, out_ref):
    dinv = _dinv(d0, d1)
    p = dinv * (t0[...] + t1[...] + g[...])
    out_ref[...] = jnp.maximum(
        jnp.dot(p, w[...], preferred_element_type=jnp.float32) + b[...], 0.0)


def _mm_body(a_ref, b_ref, o_ref):
    o_ref[...] = lax.dot_general(
        a_ref[...], b_ref[...], (((1,), (1,)), ((), ())),
        preferred_element_type=jnp.float32)


def _row_spec(w):
    return pl.BlockSpec((RB, w), lambda i: (i, 0))


def _full_spec(shape):
    return pl.BlockSpec(shape, lambda i: tuple(0 for _ in shape))


def _tc_stage(body, n_out, out_w, ins, widths, fulls):
    in_specs = []
    for a, w, f in zip(ins, widths, fulls):
        in_specs.append(_full_spec(a.shape) if f else _row_spec(w))
    if n_out == 1:
        out_shape = jax.ShapeDtypeStruct((NPAD, out_w[0]), jnp.float32)
        out_specs = _row_spec(out_w[0])
    else:
        out_shape = tuple(
            jax.ShapeDtypeStruct((NPAD, w), jnp.float32) for w in out_w)
        out_specs = tuple(_row_spec(w) for w in out_w)
    return pl.pallas_call(
        body, grid=(NB,), in_specs=in_specs,
        out_specs=out_specs, out_shape=out_shape)(*ins)


MMB = 400


def _struct_mm(s):
    nb = N // MMB
    return pl.pallas_call(
        _mm_body,
        grid=(nb,),
        in_specs=[
            pl.BlockSpec((MMB, NHID), lambda i: (i, 0)),
            pl.BlockSpec((N, NHID), lambda i: (0, 0)),
        ],
        out_specs=pl.BlockSpec((MMB, N), lambda i: (i, 0)),
        out_shape=jax.ShapeDtypeStruct((N, N), jnp.float32),
    )(s, s)


DP = 128
_prop = _make_prop(DP)


def kernel(x, edge_index, W_e1, b_e1, W_e2, b_e2, W_a1, b_a1, W_a2, b_a2,
           W_s1, b_s1):
    pad = jnp.full((EPAD - E,), NPAD - 1, dtype=jnp.int32)
    srcp = jnp.concatenate([edge_index[0], pad]).reshape(NW, NCH_W, CHUNK)
    dstp = jnp.concatenate([edge_index[1], pad]).reshape(NW, NCH_W, CHUNK)
    x_pad = jnp.zeros((NPAD, NFEAT), jnp.float32).at[:N].set(x)

    deg = _deg_kernel(dstp)
    d0, d1 = deg[0], deg[1]

    zc = jnp.zeros((1, NHID), jnp.float32)
    zw = jnp.zeros((NHID, DP), jnp.float32)
    W1p = jnp.concatenate([W_e1, jnp.zeros((NFEAT, NHID), jnp.float32)],
                          axis=1)
    W2p = jnp.concatenate(
        [jnp.concatenate([W_e2, jnp.zeros((NHID, NHID), jnp.float32)],
                         axis=1), zw], axis=0)
    Wap = jnp.concatenate(
        [jnp.concatenate([W_a1, W_s1], axis=1), zw], axis=0)
    Wa2p = jnp.concatenate([W_a2, jnp.zeros((NHID, NFEAT), jnp.float32)],
                           axis=0)
    b_e1r = jnp.concatenate([b_e1.reshape(1, NHID), zc], axis=1)
    b_e2r = jnp.concatenate([b_e2.reshape(1, NHID), zc], axis=1)
    b_a1r = b_a1.reshape(1, NHID)
    b_a2r = b_a2.reshape(1, NFEAT)
    b_s1r = b_s1.reshape(1, NHID)

    g1 = _tc_stage(_k1_body, 1, (DP,),
                   (x_pad, W1p, d0, d1),
                   (NFEAT, None, DDEG, DDEG),
                   (False, True, False, False))
    t1 = _prop(g1, srcp, dstp)
    g2 = _tc_stage(_k2_body, 1, (DP,),
                   (t1[0], t1[1], g1, W2p, b_e1r, d0, d1),
                   (DP, DP, DP, None, None, DDEG, DDEG),
                   (False, False, False, True, True, False, False))
    t2 = _prop(g2, srcp, dstp)
    gas = _tc_stage(_k2_body, 1, (DP,),
                    (t2[0], t2[1], g2, Wap, b_e2r, d0, d1),
                    (DP, DP, DP, None, None, DDEG, DDEG),
                    (False, False, False, True, True, False, False))
    t3 = _prop(gas, srcp, dstp)
    g4, s_full = _tc_stage(_k4_body, 2, (DP, NHID),
                           (t3[0], t3[1], gas, b_a1r, b_s1r, d0, d1),
                           (DP, DP, DP, None, None, DDEG, DDEG),
                           (False, False, False, True, True, False, False))
    t4 = _prop(g4, srcp, dstp)
    xh_full = _tc_stage(_k5_body, 1, (NFEAT,),
                        (t4[0], t4[1], g4, Wa2p, b_a2r, d0, d1),
                        (DP, DP, DP, None, None, DDEG, DDEG),
                        (False, False, False, True, True, False, False))
    s = s_full[:N]
    A_hat = _struct_mm(s)
    return (A_hat, xh_full[:N])

# --- scband reference (transcript-rebuilt; emitter-appended) ---
"""Pipeline reference for scband-dominant-31181462569206 (READ-ONLY COPY).

The authoritative reference and input builder live on the scoring server;
editing this copy changes nothing except your own understanding.
"""

import jax, jax.numpy as jnp
import numpy as np

N = 10000
NFEAT = 128
NHID = 64
NEDGE = 320000

def gcn_conv(x, edge_index, W, b):
    n = x.shape[0]
    sl = jnp.arange(n, dtype=edge_index.dtype)
    src = jnp.concatenate([edge_index[0], sl])
    dst = jnp.concatenate([edge_index[1], sl])
    deg = jnp.zeros((n,), jnp.float32).at[dst].add(1.0)
    dinv = jnp.where(deg > 0, 1.0 / jnp.sqrt(deg), 0.0)
    norm = dinv[src] * dinv[dst]
    h = x @ W
    msg = h[src] * norm[:, None]
    out = jnp.zeros((n, W.shape[1]), jnp.float32).at[dst].add(msg)
    return out + b

def setup_inputs(seed: int = 0):
    key = jax.random.key(seed)
    ks = jax.random.split(key, 12)
    inp = {}
    inp["x"] = jax.random.normal(ks[0], (N, NFEAT), jnp.float32)
    inp["edge_index"] = jax.random.randint(ks[1], (2, NEDGE), 0, N, dtype=jnp.int32)
    inp["W_e1"] = jax.random.normal(ks[2], (NFEAT, NHID), jnp.float32) * (1.0 / np.sqrt(NFEAT))
    inp["b_e1"] = jnp.zeros((NHID,), jnp.float32)
    inp["W_e2"] = jax.random.normal(ks[3], (NHID, NHID), jnp.float32) * (1.0 / np.sqrt(NHID))
    inp["b_e2"] = jnp.zeros((NHID,), jnp.float32)
    inp["W_a1"] = jax.random.normal(ks[4], (NHID, NHID), jnp.float32) * (1.0 / np.sqrt(NHID))
    inp["b_a1"] = jnp.zeros((NHID,), jnp.float32)
    inp["W_a2"] = jax.random.normal(ks[5], (NHID, NFEAT), jnp.float32) * (1.0 / np.sqrt(NHID))
    inp["b_a2"] = jnp.zeros((NFEAT,), jnp.float32)
    inp["W_s1"] = jax.random.normal(ks[6], (NHID, NHID), jnp.float32) * (1.0 / np.sqrt(NHID))
    inp["b_s1"] = jnp.zeros((NHID,), jnp.float32)
    return inp

def reference(x, edge_index, W_e1, b_e1, W_e2, b_e2, W_a1, b_a1, W_a2, b_a2, W_s1, b_s1):
    # Encoder: two GCN layers with ReLU (dropout p=0.0 -> identity)
    h = jax.nn.relu(gcn_conv(x, edge_index, W_e1, b_e1))
    h = jax.nn.relu(gcn_conv(h, edge_index, W_e2, b_e2))
    # Attribute decoder: two GCN layers with ReLU
    xa = jax.nn.relu(gcn_conv(h, edge_index, W_a1, b_a1))
    x_hat = jax.nn.relu(gcn_conv(xa, edge_index, W_a2, b_a2))
    # Structure decoder: one GCN layer with ReLU, then inner product x @ x.T
    s = jax.nn.relu(gcn_conv(h, edge_index, W_s1, b_s1))
    A_hat = s @ s.T
    return (A_hat, x_hat)

if __name__ == "__main__":
    import jax
    _d = setup_inputs()
    print(jax.jit(kernel)(*tuple(_d.values())))

</pallas_src>

<mosaic_0001>
#map = affine_map<(d0, d1) -> (0, 0, 0)>
module attributes {stable_mosaic.version = 14 : i64} {
  func.func @_deg_kernel(%arg0: i32, %arg1: i32, %arg2: memref<32x80x128xi32, #tpu.memory_space<hbm>>, %arg3: memref<2x10240x16xf32, #tpu.memory_space<hbm>>, %arg4: memref<80x128xi32, #tpu.memory_space<vmem>>, %arg5: memref<128x16xf32, #tpu.memory_space<vmem>>, %arg6: memref<10240x16xf32, #tpu.memory_space<vmem_shared>>) attributes {dimension_semantics = [#tpu.dimension_semantics<core_parallel>, #tpu.dimension_semantics<subcore_parallel>], iteration_bounds = array<i64: 2, 16>, scalar_prefetch = 0 : i64, scratch_operands = 3 : i64, tpu.core_type = #tpu.core_type<sc_vector_subcore>, window_params = [{transform_indices = #map}, {transform_indices = #map}]} {
    %mul3A = arith.constant 16 : i32
    %mul3A_0 = arith.muli %arg0, %mul3A : i32
    %add3A = arith.addi %mul3A_0, %arg1 : i32
    %broadcast_in_dim3A = arith.constant 0.000000e+00 : f32
    %broadcast_in_dim3A_1 = vector.broadcast %broadcast_in_dim3A : f32 to vector<16xf32>
    %scan3A = arith.constant 0 : i32
    %scan3A_2 = arith.constant 0 : i32
    %scan3A_3 = arith.constant 128 : i32
    %scan3A_4 = arith.addi %scan3A_2, %scan3A_3 : i32
    %scan3A_5 = arith.constant 1 : i32
    %scan3A_6 = scf.for %scan3A_34 = %scan3A_2 to %scan3A_4 step %scan3A_5 iter_args(%scan3A_35 = %scan3A) -> (i32)  : i32 {
      %swap3A = arith.index_cast %scan3A_34 : i32 to index
      %swap3A_36 = arith.constant 0 : index
      %swap3A_37 = tpu.vector_load %arg5[%swap3A, %swap3A_36] {strides = array<i32>} : memref<128x16xf32, #tpu.memory_space<vmem>>, vector<1x16xf32>,
      %swap3A_38 = vector.shape_cast %swap3A_37 : vector<1x16xf32> to vector<16xf32>
      %swap3A_39 = vector.shape_cast %broadcast_in_dim3A_1 : vector<16xf32> to vector<1x16xf32>
      tpu.vector_store %arg5[%swap3A, %swap3A_36], %swap3A_39 {strides = array<i32>} : memref<128x16xf32, #tpu.memory_space<vmem>>, vector<1x16xf32>,
      %scan3A_40 = arith.constant 0 : i32
      scf.yield %scan3A_40 : i32
    }
    %scan3A_7 = arith.constant 128 : i32
    %mul3A_8 = arith.constant 640 : i32
    %mul3A_9 = arith.muli %arg1, %mul3A_8 : i32
    %scan3A_10 = arith.constant 0 : i32
    %scan3A_11 = arith.constant 0 : i32
    %scan3A_12 = arith.constant 5 : i32
    %scan3A_13 = arith.addi %scan3A_11, %scan3A_12 : i32
    %scan3A_14 = arith.constant 1 : i32
    %scan3A_15 = scf.for %scan3A_34 = %scan3A_11 to %scan3A_13 step %scan3A_14 iter_args(%scan3A_35 = %scan3A_10) -> (i32)  : i32 {
      %mul3A_36 = arith.constant 128 : i32
      %mul3A_37 = arith.muli %scan3A_34, %mul3A_36 : i32
      %add3A_38 = arith.addi %mul3A_9, %mul3A_37 : i32
      "tpu.region"() ({
        %run_scoped3A = tpu.sem_alloc : memref<!tpu.dma_semaphore, #tpu.memory_space<semaphore_mem>>
        %dma_start3A = arith.constant 0 : i32
        %dma_start3A_40 = tpu.memref_slice %arg6[%add3A_38, %dma_start3A] : memref<10240x16xf32, #tpu.memory_space<vmem_shared>> -> memref<128x16xf32, #tpu.memory_space<vmem_shared>>
        %dma_start3A_41 = arith.constant 0 : i32
        %dma_start3A_42 = tpu.memref_slice %arg6[%add3A_38, %dma_start3A_41] : memref<10240x16xf32, #tpu.memory_space<vmem_shared>> -> memref<128x16xf32, #tpu.memory_space<vmem_shared>>
        tpu.enqueue_dma source(%arg5 : memref<128x16xf32, #tpu.memory_space<vmem>>) target(%dma_start3A_42 : memref<128x16xf32, #tpu.memory_space<vmem_shared>>) target_semaphore(%run_scoped3A : memref<!tpu.dma_semaphore, #tpu.memory_space<semaphore_mem>>)
        %dma_wait3A = arith.constant 0 : i32
        %dma_wait3A_43 = tpu.memref_slice %arg6[%add3A_38, %dma_wait3A] : memref<10240x16xf32, #tpu.memory_space<vmem_shared>> -> memref<128x16xf32, #tpu.memory_space<vmem_shared>>
        %dma_wait3A_44 = arith.constant 0 : i32
        %dma_wait3A_45 = tpu.memref_slice %arg6[%add3A_38, %dma_wait3A_44] : memref<10240x16xf32, #tpu.memory_space<vmem_shared>> -> memref<128x16xf32, #tpu.memory_space<vmem_shared>>
        tpu.wait_dma2 semaphore(%run_scoped3A : memref<!tpu.dma_semaphore, #tpu.memory_space<semaphore_mem>>) src(%arg5 : memref<128x16xf32, #tpu.memory_space<vmem>>) dst(%dma_wait3A_45 : memref<128x16xf32, #tpu.memory_space<vmem_shared>>)
        tpu.yield
      }) : () -> ()
      %scan3A_39 = arith.constant 0 : i32
      scf.yield %scan3A_39 : i32
    }
    %scan3A_16 = arith.constant 5 : i32
    %broadcast_in_dim3A_17 = arith.constant 1.000000e+00 : f32
    %broadcast_in_dim3A_18 = vector.broadcast %broadcast_in_dim3A_17 : f32 to vector<16xf32>
    %scan3A_19 = arith.constant 0 : i32
    %scan3A_20 = arith.constant 0 : i32
    %scan3A_21 = arith.constant 128 : i32
    %scan3A_22 = arith.addi %scan3A_20, %scan3A_21 : i32
    %scan3A_23 = arith.constant 1 : i32
    %scan3A_24 = scf.for %scan3A_34 = %scan3A_20 to %scan3A_22 step %scan3A_23 iter_args(%scan3A_35 = %scan3A_19) -> (i32)  : i32 {
      %swap3A = arith.index_cast %scan3A_34 : i32 to index
      %swap3A_36 = arith.constant 0 : index
      %swap3A_37 = tpu.vector_load %arg5[%swap3A, %swap3A_36] {strides = array<i32>} : memref<128x16xf32, #tpu.memory_space<vmem>>, vector<1x16xf32>,
      %swap3A_38 = vector.shape_cast %swap3A_37 : vector<1x16xf32> to vector<16xf32>
      %swap3A_39 = vector.shape_cast %broadcast_in_dim3A_18 : vector<16xf32> to vector<1x16xf32>
      tpu.vector_store %arg5[%swap3A, %swap3A_36], %swap3A_39 {strides = array<i32>} : memref<128x16xf32, #tpu.memory_space<vmem>>, vector<1x16xf32>,
      %scan3A_40 = arith.constant 0 : i32
      scf.yield %scan3A_40 : i32
    }
    %scan3A_25 = arith.constant 128 : i32
    "tpu.region"() ({
      %run_scoped3A = tpu.sem_alloc : memref<!tpu.dma_semaphore, #tpu.memory_space<semaphore_mem>>
      %dma_start3A = arith.constant 0 : i32
      %dma_start3A_34 = arith.constant 0 : i32
      %dma_start3A_35 = tpu.memref_slice %arg2[%add3A, %dma_start3A, %dma_start3A_34] : memref<32x80x128xi32, #tpu.memory_space<hbm>> -> memref<1x80x128xi32, #tpu.memory_space<hbm>>
      %dma_start3A_36 = tpu.memref_squeeze %dma_start3A_35 : memref<1x80x128xi32, #tpu.memory_space<hbm>> -> memref<80x128xi32, #tpu.memory_space<hbm>>
      %dma_start3A_37 = arith.constant 0 : i32
      %dma_start3A_38 = arith.constant 0 : i32
      %dma_start3A_39 = tpu.memref_slice %arg2[%add3A, %dma_start3A_37, %dma_start3A_38] : memref<32x80x128xi32, #tpu.memory_space<hbm>> -> memref<1x80x128xi32, #tpu.memory_space<hbm>>
      %dma_start3A_40 = tpu.memref_squeeze %dma_start3A_39 : memref<1x80x128xi32, #tpu.memory_space<hbm>> -> memref<80x128xi32, #tpu.memory_space<hbm>>
      tpu.enqueue_dma source(%dma_start3A_40 : memref<80x128xi32, #tpu.memory_space<hbm>>) target(%arg4 : memref<80x128xi32, #tpu.memory_space<vmem>>) target_semaphore(%run_scoped3A : memref<!tpu.dma_semaphore, #tpu.memory_space<semaphore_mem>>)
      %dma_wait3A = arith.constant 0 : i32
      %dma_wait3A_41 = arith.constant 0 : i32
      %dma_wait3A_42 = tpu.memref_slice %arg2[%add3A, %dma_wait3A, %dma_wait3A_41] : memref<32x80x128xi32, #tpu.memory_space<hbm>> -> memref<1x80x128xi32, #tpu.memory_space<hbm>>
      %dma_wait3A_43 = tpu.memref_squeeze %dma_wait3A_42 : memref<1x80x128xi32, #tpu.memory_space<hbm>> -> memref<80x128xi32, #tpu.memory_space<hbm>>
      %dma_wait3A_44 = arith.constant 0 : i32
      %dma_wait3A_45 = arith.constant 0 : i32
      %dma_wait3A_46 = tpu.memref_slice %arg2[%add3A, %dma_wait3A_44, %dma_wait3A_45] : memref<32x80x128xi32, #tpu.memory_space<hbm>> -> memref<1x80x128xi32, #tpu.memory_space<hbm>>
      %dma_wait3A_47 = tpu.memref_squeeze %dma_wait3A_46 : memref<1x80x128xi32, #tpu.memory_space<hbm>> -> memref<80x128xi32, #tpu.memory_space<hbm>>
      tpu.wait_dma2 semaphore(%run_scoped3A : memref<!tpu.dma_semaphore, #tpu.memory_space<semaphore_mem>>) src(%dma_wait3A_47 : memref<80x128xi32, #tpu.memory_space<hbm>>) dst(%arg4 : memref<80x128xi32, #tpu.memory_space<vmem>>)
      tpu.yield
    }) : () -> ()
    %barrier3A = arith.constant 0 : index
    tpu.barrier barrier_id(%barrier3A)
    %scan3A_26 = arith.constant 0 : i32
    %scan3A_27 = arith.constant 0 : i32
    %scan3A_28 = arith.constant 80 : i32
    %scan3A_29 = arith.addi %scan3A_27, %scan3A_28 : i32
    %scan3A_30 = arith.constant 1 : i32
    %scan3A_31 = scf.for %scan3A_34 = %scan3A_27 to %scan3A_29 step %scan3A_30 iter_args(%scan3A_35 = %scan3A_26) -> (i32)  : i32 {
      "tpu.region"() ({
        %run_scoped3A = tpu.sem_alloc : memref<!tpu.dma_semaphore, #tpu.memory_space<semaphore_mem>>
        %dma_start3A = arith.constant 0 : i32
        %dma_start3A_37 = tpu.memref_slice %arg4[%scan3A_34, %dma_start3A] : memref<80x128xi32, #tpu.memory_space<vmem>> -> memref<1x128xi32, #tpu.memory_space<vmem>>
        %dma_start3A_38 = tpu.memref_squeeze %dma_start3A_37 : memref<1x128xi32, #tpu.memory_space<vmem>> -> memref<128xi32, #tpu.memory_space<vmem>>
        %dma_start3A_39 = arith.constant 0 : i32
        %dma_start3A_40 = arith.constant 0 : i32
        %dma_start3A_41 = tpu.memref_slice %arg6[%dma_start3A_39, %dma_start3A_40] : memref<10240x16xf32, #tpu.memory_space<vmem_shared>> -> memref<10240x16xf32, #tpu.memory_space<vmem_shared>>
        tpu.enqueue_indirect_dma source(%arg5 : memref<128x16xf32, #tpu.memory_space<vmem>>) target(%dma_start3A_41 : memref<10240x16xf32, #tpu.memory_space<vmem_shared>>) offsets(%dma_start3A_38 : memref<128xi32, #tpu.memory_space<vmem>>) semaphore(%run_scoped3A : memref<!tpu.dma_semaphore, #tpu.memory_space<semaphore_mem>>) {add = true}
        %dma_wait3A = arith.constant 0 : i32
        %dma_wait3A_42 = tpu.memref_slice %arg4[%scan3A_34, %dma_wait3A] : memref<80x128xi32, #tpu.memory_space<vmem>> -> memref<1x128xi32, #tpu.memory_space<vmem>>
        %dma_wait3A_43 = tpu.memref_squeeze %dma_wait3A_42 : memref<1x128xi32, #tpu.memory_space<vmem>> -> memref<128xi32, #tpu.memory_space<vmem>>
        %dma_wait3A_44 = arith.constant 0 : i32
        %dma_wait3A_45 = arith.constant 0 : i32
        %dma_wait3A_46 = tpu.memref_slice %arg6[%dma_wait3A_44, %dma_wait3A_45] : memref<10240x16xf32, #tpu.memory_space<vmem_shared>> -> memref<10240x16xf32, #tpu.memory_space<vmem_shared>>
        tpu.wait_indirect_dma semaphore(%run_scoped3A : memref<!tpu.dma_semaphore, #tpu.memory_space<semaphore_mem>>) src(%arg5 : memref<128x16xf32, #tpu.memory_space<vmem>>) dst(%dma_wait3A_46 : memref<10240x16xf32, #tpu.memory_space<vmem_shared>>)
        tpu.yield
      }) : () -> ()
      %scan3A_36 = arith.constant 0 : i32
      scf.yield %scan3A_36 : i32
    }
    %scan3A_32 = arith.constant 80 : i32
    %barrier3A_33 = arith.constant 0 : index
    tpu.barrier barrier_id(%barrier3A_33)
    "tpu.region"() ({
      %run_scoped3A = tpu.sem_alloc : memref<!tpu.dma_semaphore, #tpu.memory_space<semaphore_mem>>
      %dma_start3A = arith.constant 0 : i32
      %dma_start3A_34 = tpu.memref_slice %arg3[%arg0, %mul3A_9, %dma_start3A] : memref<2x10240x16xf32, #tpu.memory_space<hbm>> -> memref<1x640x16xf32, #tpu.memory_space<hbm>>
      %dma_start3A_35 = tpu.memref_squeeze %dma_start3A_34 : memref<1x640x16xf32, #tpu.memory_space<hbm>> -> memref<640x16xf32, #tpu.memory_space<hbm>>
      %dma_start3A_36 = arith.constant 0 : i32
      %dma_start3A_37 = tpu.memref_slice %arg6[%mul3A_9, %dma_start3A_36] : memref<10240x16xf32, #tpu.memory_space<vmem_shared>> -> memref<640x16xf32, #tpu.memory_space<vmem_shared>>
      tpu.enqueue_dma source(%dma_start3A_37 : memref<640x16xf32, #tpu.memory_space<vmem_shared>>) target(%dma_start3A_35 : memref<640x16xf32, #tpu.memory_space<hbm>>) target_semaphore(%run_scoped3A : memref<!tpu.dma_semaphore, #tpu.memory_space<semaphore_mem>>)
      %dma_wait3A = arith.constant 0 : i32
      %dma_wait3A_38 = tpu.memref_slice %arg3[%arg0, %mul3A_9, %dma_wait3A] : memref<2x10240x16xf32, #tpu.memory_space<hbm>> -> memref<1x640x16xf32, #tpu.memory_space<hbm>>
      %dma_wait3A_39 = tpu.memref_squeeze %dma_wait3A_38 : memref<1x640x16xf32, #tpu.memory_space<hbm>> -> memref<640x16xf32, #tpu.memory_space<hbm>>
      %dma_wait3A_40 = arith.constant 0 : i32
      %dma_wait3A_41 = tpu.memref_slice %arg6[%mul3A_9, %dma_wait3A_40] : memref<10240x16xf32, #tpu.memory_space<vmem_shared>> -> memref<640x16xf32, #tpu.memory_space<vmem_shared>>
      tpu.wait_dma2 semaphore(%run_scoped3A : memref<!tpu.dma_semaphore, #tpu.memory_space<semaphore_mem>>) src(%dma_wait3A_41 : memref<640x16xf32, #tpu.memory_space<vmem_shared>>) dst(%dma_wait3A_39 : memref<640x16xf32, #tpu.memory_space<hbm>>)
      tpu.yield
    }) : () -> ()
    return
  }
}

#map = affine_map<(d0, d1) -> (0, 0)>
#map1 = affine_map<(d0, d1) -> (0, 0, 0)>
module attributes {stable_mosaic.version = 14 : i64} {
  func.func @prop(%arg0: i32, %arg1: i32, %arg2: memref<10240x128xf32, #tpu.memory_space<hbm>>, %arg3: memref<32x80x128xi32, #tpu.memory_space<hbm>>, %arg4: memref<32x80x128xi32, #tpu.memory_space<hbm>>, %arg5: memref<2x10240x128xf32, #tpu.memory_space<hbm>>, %arg6: memref<80x128xi32, #tpu.memory_space<vmem>>, %arg7: memref<80x128xi32, #tpu.memory_space<vmem>>, %arg8: memref<128x128xf32, #tpu.memory_space<vmem>>, %arg9: memref<10240x128xf32, #tpu.memory_space<vmem_shared>>, %arg10: memref<!tpu.dma_semaphore, #tpu.memory_space<semaphore_mem>>) attributes {dimension_semantics = [#tpu.dimension_semantics<core_parallel>, #tpu.dimension_semantics<subcore_parallel>], iteration_bounds = array<i64: 2, 16>, scalar_prefetch = 0 : i64, scratch_operands = 5 : i64, tpu.core_type = #tpu.core_type<sc_vector_subcore>, window_params = [{transform_indices = #map}, {transform_indices = #map1}, {transform_indices = #map1}, {transform_indices = #map1}]} {
    %mul3A = arith.constant 16 : i32
    %mul3A_0 = arith.muli %arg0, %mul3A : i32
    %add3A = arith.addi %mul3A_0, %arg1 : i32
    %broadcast_in_dim3A = arith.constant 0.000000e+00 : f32
    %broadcast_in_dim3A_1 = vector.broadcast %broadcast_in_dim3A : f32 to vector<16xf32>
    %scan3A = arith.constant 0 : i32
    %scan3A_2 = arith.constant 0 : i32
    %scan3A_3 = arith.constant 128 : i32
    %scan3A_4 = arith.addi %scan3A_2, %scan3A_3 : i32
    %scan3A_5 = arith.constant 1 : i32
    %scan3A_6 = scf.for %scan3A_25 = %scan3A_2 to %scan3A_4 step %scan3A_5 iter_args(%scan3A_26 = %scan3A) -> (i32)  : i32 {
      %swap3A = arith.index_cast %scan3A_25 : i32 to index
      %swap3A_27 = arith.constant 0 : index
      %swap3A_28 = tpu.vector_load %arg8[%swap3A, %swap3A_27] {strides = array<i32>} : memref<128x128xf32, #tpu.memory_space<vmem>>, vector<1x16xf32>,
      %swap3A_29 = vector.shape_cast %swap3A_28 : vector<1x16xf32> to vector<16xf32>
      %swap3A_30 = vector.shape_cast %broadcast_in_dim3A_1 : vector<16xf32> to vector<1x16xf32>
      tpu.vector_store %arg8[%swap3A, %swap3A_27], %swap3A_30 {strides = array<i32>} : memref<128x128xf32, #tpu.memory_space<vmem>>, vector<1x16xf32>,
      %swap3A_31 = arith.index_cast %scan3A_25 : i32 to index
      %swap3A_32 = arith.constant 16 : index
      %swap3A_33 = tpu.vector_load %arg8[%swap3A_31, %swap3A_32] {strides = array<i32>} : memref<128x128xf32, #tpu.memory_space<vmem>>, vector<1x16xf32>,
      %swap3A_34 = vector.shape_cast %swap3A_33 : vector<1x16xf32> to vector<16xf32>
      %swap3A_35 = vector.shape_cast %broadcast_in_dim3A_1 : vector<16xf32> to vector<1x16xf32>
      tpu.vector_store %arg8[%swap3A_31, %swap3A_32], %swap3A_35 {strides = array<i32>} : memref<128x128xf32, #tpu.memory_space<vmem>>, vector<1x16xf32>,
      %swap3A_36 = arith.index_cast %scan3A_25 : i32 to index
      %swap3A_37 = arith.constant 32 : index
      %swap3A_38 = tpu.vector_load %arg8[%swap3A_36, %swap3A_37] {strides = array<i32>} : memref<128x128xf32, #tpu.memory_space<vmem>>, vector<1x16xf32>,
      %swap3A_39 = vector.shape_cast %swap3A_38 : vector<1x16xf32> to vector<16xf32>
      %swap3A_40 = vector.shape_cast %broadcast_in_dim3A_1 : vector<16xf32> to vector<1x16xf32>
      tpu.vector_store %arg8[%swap3A_36, %swap3A_37], %swap3A_40 {strides = array<i32>} : memref<128x128xf32, #tpu.memory_space<vmem>>, vector<1x16xf32>,
      %swap3A_41 = arith.index_cast %scan3A_25 : i32 to index
      %swap3A_42 = arith.constant 48 : index
      %swap3A_43 = tpu.vector_load %arg8[%swap3A_41, %swap3A_42] {strides = array<i32>} : memref<128x128xf32, #tpu.memory_space<vmem>>, vector<1x16xf32>,
      %swap3A_44 = vector.shape_cast %swap3A_43 : vector<1x16xf32> to vector<16xf32>
      %swap3A_45 = vector.shape_cast %broadcast_in_dim3A_1 : vector<16xf32> to vector<1x16xf32>
      tpu.vector_store %arg8[%swap3A_41, %swap3A_42], %swap3A_45 {strides = array<i32>} : memref<128x128xf32, #tpu.memory_space<vmem>>, vector<1x16xf32>,
      %swap3A_46 = arith.index_cast %scan3A_25 : i32 to index
      %swap3A_47 = arith.constant 64 : index
      %swap3A_48 = tpu.vector_load %arg8[%swap3A_46, %swap3A_47] {strides = array<i32>} : memref<128x128xf32, #tpu.memory_space<vmem>>, vector<1x16xf32>,
      %swap3A_49 = vector.shape_cast %swap3A_48 : vector<1x16xf32> to vector<16xf32>
      %swap3A_50 = vector.shape_cast %broadcast_in_dim3A_1 : vector<16xf32> to vector<1x16xf32>
      tpu.vector_store %arg8[%swap3A_46, %swap3A_47], %swap3A_50 {strides = array<i32>} : memref<128x128xf32, #tpu.memory_space<vmem>>, vector<1x16xf32>,
      %swap3A_51 = arith.index_cast %scan3A_25 : i32 to index
      %swap3A_52 = arith.constant 80 : index
      %swap3A_53 = tpu.vector_load %arg8[%swap3A_51, %swap3A_52] {strides = array<i32>} : memref<128x128xf32, #tpu.memory_space<vmem>>, vector<1x16xf32>,
      %swap3A_54 = vector.shape_cast %swap3A_53 : vector<1x16xf32> to vector<16xf32>
      %swap3A_55 = vector.shape_cast %broadcast_in_dim3A_1 : vector<16xf32> to vector<1x16xf32>
      tpu.vector_store %arg8[%swap3A_51, %swap3A_52], %swap3A_55 {strides = array<i32>} : memref<128x128xf32, #tpu.memory_space<vmem>>, vector<1x16xf32>,
      %swap3A_56 = arith.index_cast %scan3A_25 : i32 to index
      %swap3A_57 = arith.constant 96 : index
      %swap3A_58 = tpu.vector_load %arg8[%swap3A_56, %swap3A_57] {strides = array<i32>} : memref<128x128xf32, #tpu.memory_space<vmem>>, vector<1x16xf32>,
      %swap3A_59 = vector.shape_cast %swap3A_58 : vector<1x16xf32> to vector<16xf32>
      %swap3A_60 = vector.shape_cast %broadcast_in_dim3A_1 : vector<16xf32> to vector<1x16xf32>
      tpu.vector_store %arg8[%swap3A_56, %swap3A_57], %swap3A_60 {strides = array<i32>} : memref<128x128xf32, #tpu.memory_space<vmem>>, vector<1x16xf32>,
      %swap3A_61 = arith.index_cast %scan3A_25 : i32 to index
      %swap3A_62 = arith.constant 112 : index
      %swap3A_63 = tpu.vector_load %arg8[%swap3A_61, %swap3A_62] {strides = array<i32>} : memref<128x128xf32, #tpu.memory_space<vmem>>, vector<1x16xf32>,
      %swap3A_64 = vector.shape_cast %swap3A_63 : vector<1x16xf32> to vector<16xf32>
      %swap3A_65 = vector.shape_cast %broadcast_in_dim3A_1 : vector<16xf32> to vector<1x16xf32>
      tpu.vector_store %arg8[%swap3A_61, %swap3A_62], %swap3A_65 {strides = array<i32>} : memref<128x128xf32, #tpu.memory_space<vmem>>, vector<1x16xf32>,
      %scan3A_66 = arith.constant 0 : i32
      scf.yield %scan3A_66 : i32
    }
    %scan3A_7 = arith.constant 128 : i32
    %mul3A_8 = arith.constant 640 : i32
    %mul3A_9 = arith.muli %arg1, %mul3A_8 : i32
    %scan3A_10 = arith.constant 0 : i32
    %scan3A_11 = arith.constant 0 : i32
    %scan3A_12 = arith.constant 5 : i32
    %scan3A_13 = arith.addi %scan3A_11, %scan3A_12 : i32
    %scan3A_14 = arith.constant 1 : i32
    %scan3A_15 = scf.for %scan3A_25 = %scan3A_11 to %scan3A_13 step %scan3A_14 iter_args(%scan3A_26 = %scan3A_10) -> (i32)  : i32 {
      %mul3A_27 = arith.constant 128 : i32
      %mul3A_28 = arith.muli %scan3A_25, %mul3A_27 : i32
      %add3A_29 = arith.addi %mul3A_9, %mul3A_28 : i32
      "tpu.region"() ({
        %run_scoped3A = tpu.sem_alloc : memref<!tpu.dma_semaphore, #tpu.memory_space<semaphore_mem>>
        %dma_start3A = arith.constant 0 : i32
        %dma_start3A_31 = tpu.memref_slice %arg9[%add3A_29, %dma_start3A] : memref<10240x128xf32, #tpu.memory_space<vmem_shared>> -> memref<128x128xf32, #tpu.memory_space<vmem_shared>>
        %dma_start3A_32 = arith.constant 0 : i32
        %dma_start3A_33 = tpu.memref_slice %arg9[%add3A_29, %dma_start3A_32] : memref<10240x128xf32, #tpu.memory_space<vmem_shared>> -> memref<128x128xf32, #tpu.memory_space<vmem_shared>>
        tpu.enqueue_dma source(%arg8 : memref<128x128xf32, #tpu.memory_space<vmem>>) target(%dma_start3A_33 : memref<128x128xf32, #tpu.memory_space<vmem_shared>>) target_semaphore(%run_scoped3A : memref<!tpu.dma_semaphore, #tpu.memory_space<semaphore_mem>>)
        %dma_wait3A = arith.constant 0 : i32
        %dma_wait3A_34 = tpu.memref_slice %arg9[%add3A_29, %dma_wait3A] : memref<10240x128xf32, #tpu.memory_space<vmem_shared>> -> memref<128x128xf32, #tpu.memory_space<vmem_shared>>
        %dma_wait3A_35 = arith.constant 0 : i32
        %dma_wait3A_36 = tpu.memref_slice %arg9[%add3A_29, %dma_wait3A_35] : memref<10240x128xf32, #tpu.memory_space<vmem_shared>> -> memref<128x128xf32, #tpu.memory_space<vmem_shared>>
        tpu.wait_dma2 semaphore(%run_scoped3A : memref<!tpu.dma_semaphore, #tpu.memory_space<semaphore_mem>>) src(%arg8 : memref<128x128xf32, #tpu.memory_space<vmem>>) dst(%dma_wait3A_36 : memref<128x128xf32, #tpu.memory_space<vmem_shared>>)
        tpu.yield
      }) : () -> ()
      %scan3A_30 = arith.constant 0 : i32
      scf.yield %scan3A_30 : i32
    }
    %scan3A_16 = arith.constant 5 : i32
    "tpu.region"() ({
      %run_scoped3A = tpu.sem_alloc : memref<!tpu.dma_semaphore, #tpu.memory_space<semaphore_mem>>
      %dma_start3A = arith.constant 0 : i32
      %dma_start3A_25 = arith.constant 0 : i32
      %dma_start3A_26 = tpu.memref_slice %arg3[%add3A, %dma_start3A, %dma_start3A_25] : memref<32x80x128xi32, #tpu.memory_space<hbm>> -> memref<1x80x128xi32, #tpu.memory_space<hbm>>
      %dma_start3A_27 = tpu.memref_squeeze %dma_start3A_26 : memref<1x80x128xi32, #tpu.memory_space<hbm>> -> memref<80x128xi32, #tpu.memory_space<hbm>>
      %dma_start3A_28 = arith.constant 0 : i32
      %dma_start3A_29 = arith.constant 0 : i32
      %dma_start3A_30 = tpu.memref_slice %arg3[%add3A, %dma_start3A_28, %dma_start3A_29] : memref<32x80x128xi32, #tpu.memory_space<hbm>> -> memref<1x80x128xi32, #tpu.memory_space<hbm>>
      %dma_start3A_31 = tpu.memref_squeeze %dma_start3A_30 : memref<1x80x128xi32, #tpu.memory_space<hbm>> -> memref<80x128xi32, #tpu.memory_space<hbm>>
      tpu.enqueue_dma source(%dma_start3A_31 : memref<80x128xi32, #tpu.memory_space<hbm>>) target(%arg6 : memref<80x128xi32, #tpu.memory_space<vmem>>) target_semaphore(%run_scoped3A : memref<!tpu.dma_semaphore, #tpu.memory_space<semaphore_mem>>)
      %dma_wait3A = arith.constant 0 : i32
      %dma_wait3A_32 = arith.constant 0 : i32
      %dma_wait3A_33 = tpu.memref_slice %arg3[%add3A, %dma_wait3A, %dma_wait3A_32] : memref<32x80x128xi32, #tpu.memory_space<hbm>> -> memref<1x80x128xi32, #tpu.memory_space<hbm>>
      %dma_wait3A_34 = tpu.memref_squeeze %dma_wait3A_33 : memref<1x80x128xi32, #tpu.memory_space<hbm>> -> memref<80x128xi32, #tpu.memory_space<hbm>>
      %dma_wait3A_35 = arith.constant 0 : i32
      %dma_wait3A_36 = arith.constant 0 : i32
      %dma_wait3A_37 = tpu.memref_slice %arg3[%add3A, %dma_wait3A_35, %dma_wait3A_36] : memref<32x80x128xi32, #tpu.memory_space<hbm>> -> memref<1x80x128xi32, #tpu.memory_space<hbm>>
      %dma_wait3A_38 = tpu.memref_squeeze %dma_wait3A_37 : memref<1x80x128xi32, #tpu.memory_space<hbm>> -> memref<80x128xi32, #tpu.memory_space<hbm>>
      tpu.wait_dma2 semaphore(%run_scoped3A : memref<!tpu.dma_semaphore, #tpu.memory_space<semaphore_mem>>) src(%dma_wait3A_38 : memref<80x128xi32, #tpu.memory_space<hbm>>) dst(%arg6 : memref<80x128xi32, #tpu.memory_space<vmem>>)
      tpu.yield
    }) : () -> ()
    "tpu.region"() ({
      %run_scoped3A = tpu.sem_alloc : memref<!tpu.dma_semaphore, #tpu.memory_space<semaphore_mem>>
      %dma_start3A = arith.constant 0 : i32
      %dma_start3A_25 = arith.constant 0 : i32
      %dma_start3A_26 = tpu.memref_slice %arg4[%add3A, %dma_start3A, %dma_start3A_25] : memref<32x80x128xi32, #tpu.memory_space<hbm>> -> memref<1x80x128xi32, #tpu.memory_space<hbm>>
      %dma_start3A_27 = tpu.memref_squeeze %dma_start3A_26 : memref<1x80x128xi32, #tpu.memory_space<hbm>> -> memref<80x128xi32, #tpu.memory_space<hbm>>
      %dma_start3A_28 = arith.constant 0 : i32
      %dma_start3A_29 = arith.constant 0 : i32
      %dma_start3A_30 = tpu.memref_slice %arg4[%add3A, %dma_start3A_28, %dma_start3A_29] : memref<32x80x128xi32, #tpu.memory_space<hbm>> -> memref<1x80x128xi32, #tpu.memory_space<hbm>>
      %dma_start3A_31 = tpu.memref_squeeze %dma_start3A_30 : memref<1x80x128xi32, #tpu.memory_space<hbm>> -> memref<80x128xi32, #tpu.memory_space<hbm>>
      tpu.enqueue_dma source(%dma_start3A_31 : memref<80x128xi32, #tpu.memory_space<hbm>>) target(%arg7 : memref<80x128xi32, #tpu.memory_space<vmem>>) target_semaphore(%run_scoped3A : memref<!tpu.dma_semaphore, #tpu.memory_space<semaphore_mem>>)
      %dma_wait3A = arith.constant 0 : i32
      %dma_wait3A_32 = arith.constant 0 : i32
      %dma_wait3A_33 = tpu.memref_slice %arg4[%add3A, %dma_wait3A, %dma_wait3A_32] : memref<32x80x128xi32, #tpu.memory_space<hbm>> -> memref<1x80x128xi32, #tpu.memory_space<hbm>>
      %dma_wait3A_34 = tpu.memref_squeeze %dma_wait3A_33 : memref<1x80x128xi32, #tpu.memory_space<hbm>> -> memref<80x128xi32, #tpu.memory_space<hbm>>
      %dma_wait3A_35 = arith.constant 0 : i32
      %dma_wait3A_36 = arith.constant 0 : i32
      %dma_wait3A_37 = tpu.memref_slice %arg4[%add3A, %dma_wait3A_35, %dma_wait3A_36] : memref<32x80x128xi32, #tpu.memory_space<hbm>> -> memref<1x80x128xi32, #tpu.memory_space<hbm>>
      %dma_wait3A_38 = tpu.memref_squeeze %dma_wait3A_37 : memref<1x80x128xi32, #tpu.memory_space<hbm>> -> memref<80x128xi32, #tpu.memory_space<hbm>>
      tpu.wait_dma2 semaphore(%run_scoped3A : memref<!tpu.dma_semaphore, #tpu.memory_space<semaphore_mem>>) src(%dma_wait3A_38 : memref<80x128xi32, #tpu.memory_space<hbm>>) dst(%arg7 : memref<80x128xi32, #tpu.memory_space<vmem>>)
      tpu.yield
    }) : () -> ()
    %barrier3A = arith.constant 0 : index
    tpu.barrier barrier_id(%barrier3A)
    %scan3A_17 = arith.constant 0 : i32
    %scan3A_18 = arith.constant 0 : i32
    %scan3A_19 = arith.constant 80 : i32
    %scan3A_20 = arith.addi %scan3A_18, %scan3A_19 : i32
    %scan3A_21 = arith.constant 1 : i32
    %scan3A_22 = scf.for %scan3A_25 = %scan3A_18 to %scan3A_20 step %scan3A_21 iter_args(%scan3A_26 = %scan3A_17) -> (i32)  : i32 {
      %dma_start3A = arith.constant 0 : i32
      %dma_start3A_27 = tpu.memref_slice %arg6[%scan3A_25, %dma_start3A] : memref<80x128xi32, #tpu.memory_space<vmem>> -> memref<1x128xi32, #tpu.memory_space<vmem>>
      %dma_start3A_28 = tpu.memref_squeeze %dma_start3A_27 : memref<1x128xi32, #tpu.memory_space<vmem>> -> memref<128xi32, #tpu.memory_space<vmem>>
      %dma_start3A_29 = arith.constant 0 : i32
      %dma_start3A_30 = arith.constant 0 : i32
      %dma_start3A_31 = tpu.memref_slice %arg2[%dma_start3A_29, %dma_start3A_30] : memref<10240x128xf32, #tpu.memory_space<hbm>> -> memref<10240x128xf32, #tpu.memory_space<hbm>>
      tpu.enqueue_indirect_dma source(%dma_start3A_31 : memref<10240x128xf32, #tpu.memory_space<hbm>>) target(%arg8 : memref<128x128xf32, #tpu.memory_space<vmem>>) offsets(%dma_start3A_28 : memref<128xi32, #tpu.memory_space<vmem>>) semaphore(%arg10 : memref<!tpu.dma_semaphore, #tpu.memory_space<semaphore_mem>>)
      %dma_wait3A = arith.constant 0 : i32
      %dma_wait3A_32 = tpu.memref_slice %arg6[%scan3A_25, %dma_wait3A] : memref<80x128xi32, #tpu.memory_space<vmem>> -> memref<1x128xi32, #tpu.memory_space<vmem>>
      %dma_wait3A_33 = tpu.memref_squeeze %dma_wait3A_32 : memref<1x128xi32, #tpu.memory_space<vmem>> -> memref<128xi32, #tpu.memory_space<vmem>>
      %dma_wait3A_34 = arith.constant 0 : i32
      %dma_wait3A_35 = arith.constant 0 : i32
      %dma_wait3A_36 = tpu.memref_slice %arg2[%dma_wait3A_34, %dma_wait3A_35] : memref<10240x128xf32, #tpu.memory_space<hbm>> -> memref<10240x128xf32, #tpu.memory_space<hbm>>
      tpu.wait_indirect_dma semaphore(%arg10 : memref<!tpu.dma_semaphore, #tpu.memory_space<semaphore_mem>>) src(%dma_wait3A_36 : memref<10240x128xf32, #tpu.memory_space<hbm>>) dst(%arg8 : memref<128x128xf32, #tpu.memory_space<vmem>>)
      "tpu.region"() ({
        %run_scoped3A = tpu.sem_alloc : memref<!tpu.dma_semaphore, #tpu.memory_space<semaphore_mem>>
        %dma_start3A_38 = arith.constant 0 : i32
        %dma_start3A_39 = tpu.memref_slice %arg7[%scan3A_25, %dma_start3A_38] : memref<80x128xi32, #tpu.memory_space<vmem>> -> memref<1x128xi32, #tpu.memory_space<vmem>>
        %dma_start3A_40 = tpu.memref_squeeze %dma_start3A_39 : memref<1x128xi32, #tpu.memory_space<vmem>> -> memref<128xi32, #tpu.memory_space<vmem>>
        %dma_start3A_41 = arith.constant 0 : i32
        %dma_start3A_42 = arith.constant 0 : i32
        %dma_start3A_43 = tpu.memref_slice %arg9[%dma_start3A_41, %dma_start3A_42] : memref<10240x128xf32, #tpu.memory_space<vmem_shared>> -> memref<10240x128xf32, #tpu.memory_space<vmem_shared>>
        tpu.enqueue_indirect_dma source(%arg8 : memref<128x128xf32, #tpu.memory_space<vmem>>) target(%dma_start3A_43 : memref<10240x128xf32, #tpu.memory_space<vmem_shared>>) offsets(%dma_start3A_40 : memref<128xi32, #tpu.memory_space<vmem>>) semaphore(%run_scoped3A : memref<!tpu.dma_semaphore, #tpu.memory_space<semaphore_mem>>) {add = true}
        %dma_wait3A_44 = arith.constant 0 : i32
        %dma_wait3A_45 = tpu.memref_slice %arg7[%scan3A_25, %dma_wait3A_44] : memref<80x128xi32, #tpu.memory_space<vmem>> -> memref<1x128xi32, #tpu.memory_space<vmem>>
        %dma_wait3A_46 = tpu.memref_squeeze %dma_wait3A_45 : memref<1x128xi32, #tpu.memory_space<vmem>> -> memref<128xi32, #tpu.memory_space<vmem>>
        %dma_wait3A_47 = arith.constant 0 : i32
        %dma_wait3A_48 = arith.constant 0 : i32
        %dma_wait3A_49 = tpu.memref_slice %arg9[%dma_wait3A_47, %dma_wait3A_48] : memref<10240x128xf32, #tpu.memory_space<vmem_shared>> -> memref<10240x128xf32, #tpu.memory_space<vmem_shared>>
        tpu.wait_indirect_dma semaphore(%run_scoped3A : memref<!tpu.dma_semaphore, #tpu.memory_space<semaphore_mem>>) src(%arg8 : memref<128x128xf32, #tpu.memory_space<vmem>>) dst(%dma_wait3A_49 : memref<10240x128xf32, #tpu.memory_space<vmem_shared>>)
        tpu.yield
      }) : () -> ()
      %scan3A_37 = arith.constant 0 : i32
      scf.yield %scan3A_37 : i32
    }
    %scan3A_23 = arith.constant 80 : i32
    %barrier3A_24 = arith.constant 0 : index
    tpu.barrier barrier_id(%barrier3A_24)
    "tpu.region"() ({
      %run_scoped3A = tpu.sem_alloc : memref<!tpu.dma_semaphore, #tpu.memory_space<semaphore_mem>>
      %dma_start3A = arith.constant 0 : i32
      %dma_start3A_25 = tpu.memref_slice %arg5[%arg0, %mul3A_9, %dma_start3A] : memref<2x10240x128xf32, #tpu.memory_space<hbm>> -> memref<1x640x128xf32, #tpu.memory_space<hbm>>
      %dma_start3A_26 = tpu.memref_squeeze %dma_start3A_25 : memref<1x640x128xf32, #tpu.memory_space<hbm>> -> memref<640x128xf32, #tpu.memory_space<hbm>>
      %dma_start3A_27 = arith.constant 0 : i32
      %dma_start3A_28 = tpu.memref_slice %arg9[%mul3A_9, %dma_start3A_27] : memref<10240x128xf32, #tpu.memory_space<vmem_shared>> -> memref<640x128xf32, #tpu.memory_space<vmem_shared>>
      tpu.enqueue_dma source(%dma_start3A_28 : memref<640x128xf32, #tpu.memory_space<vmem_shared>>) target(%dma_start3A_26 : memref<640x128xf32, #tpu.memory_space<hbm>>) target_semaphore(%run_scoped3A : memref<!tpu.dma_semaphore, #tpu.memory_space<semaphore_mem>>)
      %dma_wait3A = arith.constant 0 : i32
      %dma_wait3A_29 = tpu.memref_slice %arg5[%arg0, %mul3A_9, %dma_wait3A] : memref<2x10240x128xf32, #tpu.memory_space<hbm>> -> memref<1x640x128xf32, #tpu.memory_space<hbm>>
      %dma_wait3A_30 = tpu.memref_squeeze %dma_wait3A_29 : memref<1x640x128xf32, #tpu.memory_space<hbm>> -> memref<640x128xf32, #tpu.memory_space<hbm>>
      %dma_wait3A_31 = arith.constant 0 : i32
      %dma_wait3A_32 = tpu.memref_slice %arg9[%mul3A_9, %dma_wait3A_31] : memref<10240x128xf32, #tpu.memory_space<vmem_shared>> -> memref<640x128xf32, #tpu.memory_space<vmem_shared>>
      tpu.wait_dma2 semaphore(%run_scoped3A : memref<!tpu.dma_semaphore, #tpu.memory_space<semaphore_mem>>) src(%dma_wait3A_32 : memref<640x128xf32, #tpu.memory_space<vmem_shared>>) dst(%dma_wait3A_30 : memref<640x128xf32, #tpu.memory_space<hbm>>)
      tpu.yield
    }) : () -> ()
    return
  }
}

#map = affine_map<(d0, d1) -> (0, 0)>
#map1 = affine_map<(d0, d1) -> (0, 0, 0)>
module attributes {stable_mosaic.version = 14 : i64} {
  func.func @prop(%arg0: i32, %arg1: i32, %arg2: memref<10240x128xf32, #tpu.memory_space<hbm>>, %arg3: memref<32x80x128xi32, #tpu.memory_space<hbm>>, %arg4: memref<32x80x128xi32, #tpu.memory_space<hbm>>, %arg5: memref<2x10240x128xf32, #tpu.memory_space<hbm>>, %arg6: memref<80x128xi32, #tpu.memory_space<vmem>>, %arg7: memref<80x128xi32, #tpu.memory_space<vmem>>, %arg8: memref<128x128xf32, #tpu.memory_space<vmem>>, %arg9: memref<10240x128xf32, #tpu.memory_space<vmem_shared>>, %arg10: memref<!tpu.dma_semaphore, #tpu.memory_space<semaphore_mem>>) attributes {dimension_semantics = [#tpu.dimension_semantics<core_parallel>, #tpu.dimension_semantics<subcore_parallel>], iteration_bounds = array<i64: 2, 16>, scalar_prefetch = 0 : i64, scratch_operands = 5 : i64, tpu.core_type = #tpu.core_type<sc_vector_subcore>, window_params = [{transform_indices = #map}, {transform_indices = #map1}, {transform_indices = #map1}, {transform_indices = #map1}]} {
    %mul3A = arith.constant 16 : i32
    %mul3A_0 = arith.muli %arg0, %mul3A : i32
    %add3A = arith.addi %mul3A_0, %arg1 : i32
    %broadcast_in_dim3A = arith.constant 0.000000e+00 : f32
    %broadcast_in_dim3A_1 = vector.broadcast %broadcast_in_dim3A : f32 to vector<16xf32>
    %scan3A = arith.constant 0 : i32
    %scan3A_2 = arith.constant 0 : i32
    %scan3A_3 = arith.constant 128 : i32
    %scan3A_4 = arith.addi %scan3A_2, %scan3A_3 : i32
    %scan3A_5 = arith.constant 1 : i32
    %scan3A_6 = scf.for %scan3A_25 = %scan3A_2 to %scan3A_4 step %scan3A_5 iter_args(%scan3A_26 = %scan3A) -> (i32)  : i32 {
      %swap3A = arith.index_cast %scan3A_25 : i32 to index
      %swap3A_27 = arith.constant 0 : index
      %swap3A_28 = tpu.vector_load %arg8[%swap3A, %swap3A_27] {strides = array<i32>} : memref<128x128xf32, #tpu.memory_space<vmem>>, vector<1x16xf32>,
      %swap3A_29 = vector.shape_cast %swap3A_28 : vector<1x16xf32> to vector<16xf32>
      %swap3A_30 = vector.shape_cast %broadcast_in_dim3A_1 : vector<16xf32> to vector<1x16xf32>
      tpu.vector_store %arg8[%swap3A, %swap3A_27], %swap3A_30 {strides = array<i32>} : memref<128x128xf32, #tpu.memory_space<vmem>>, vector<1x16xf32>,
      %swap3A_31 = arith.index_cast %scan3A_25 : i32 to index
      %swap3A_32 = arith.constant 16 : index
      %swap3A_33 = tpu.vector_load %arg8[%swap3A_31, %swap3A_32] {strides = array<i32>} : memref<128x128xf32, #tpu.memory_space<vmem>>, vector<1x16xf32>,
      %swap3A_34 = vector.shape_cast %swap3A_33 : vector<1x16xf32> to vector<16xf32>
      %swap3A_35 = vector.shape_cast %broadcast_in_dim3A_1 : vector<16xf32> to vector<1x16xf32>
      tpu.vector_store %arg8[%swap3A_31, %swap3A_32], %swap3A_35 {strides = array<i32>} : memref<128x128xf32, #tpu.memory_space<vmem>>, vector<1x16xf32>,
      %swap3A_36 = arith.index_cast %scan3A_25 : i32 to index
      %swap3A_37 = arith.constant 32 : index
      %swap3A_38 = tpu.vector_load %arg8[%swap3A_36, %swap3A_37] {strides = array<i32>} : memref<128x128xf32, #tpu.memory_space<vmem>>, vector<1x16xf32>,
      %swap3A_39 = vector.shape_cast %swap3A_38 : vector<1x16xf32> to vector<16xf32>
      %swap3A_40 = vector.shape_cast %broadcast_in_dim3A_1 : vector<16xf32> to vector<1x16xf32>
      tpu.vector_store %arg8[%swap3A_36, %swap3A_37], %swap3A_40 {strides = array<i32>} : memref<128x128xf32, #tpu.memory_space<vmem>>, vector<1x16xf32>,
      %swap3A_41 = arith.index_cast %scan3A_25 : i32 to index
      %swap3A_42 = arith.constant 48 : index
      %swap3A_43 = tpu.vector_load %arg8[%swap3A_41, %swap3A_42] {strides = array<i32>} : memref<128x128xf32, #tpu.memory_space<vmem>>, vector<1x16xf32>,
      %swap3A_44 = vector.shape_cast %swap3A_43 : vector<1x16xf32> to vector<16xf32>
      %swap3A_45 = vector.shape_cast %broadcast_in_dim3A_1 : vector<16xf32> to vector<1x16xf32>
      tpu.vector_store %arg8[%swap3A_41, %swap3A_42], %swap3A_45 {strides = array<i32>} : memref<128x128xf32, #tpu.memory_space<vmem>>, vector<1x16xf32>,
      %swap3A_46 = arith.index_cast %scan3A_25 : i32 to index
      %swap3A_47 = arith.constant 64 : index
      %swap3A_48 = tpu.vector_load %arg8[%swap3A_46, %swap3A_47] {strides = array<i32>} : memref<128x128xf32, #tpu.memory_space<vmem>>, vector<1x16xf32>,
      %swap3A_49 = vector.shape_cast %swap3A_48 : vector<1x16xf32> to vector<16xf32>
      %swap3A_50 = vector.shape_cast %broadcast_in_dim3A_1 : vector<16xf32> to vector<1x16xf32>
      tpu.vector_store %arg8[%swap3A_46, %swap3A_47], %swap3A_50 {strides = array<i32>} : memref<128x128xf32, #tpu.memory_space<vmem>>, vector<1x16xf32>,
      %swap3A_51 = arith.index_cast %scan3A_25 : i32 to index
      %swap3A_52 = arith.constant 80 : index
      %swap3A_53 = tpu.vector_load %arg8[%swap3A_51, %swap3A_52] {strides = array<i32>} : memref<128x128xf32, #tpu.memory_space<vmem>>, vector<1x16xf32>,
      %swap3A_54 = vector.shape_cast %swap3A_53 : vector<1x16xf32> to vector<16xf32>
      %swap3A_55 = vector.shape_cast %broadcast_in_dim3A_1 : vector<16xf32> to vector<1x16xf32>
      tpu.vector_store %arg8[%swap3A_51, %swap3A_52], %swap3A_55 {strides = array<i32>} : memref<128x128xf32, #tpu.memory_space<vmem>>, vector<1x16xf32>,
      %swap3A_56 = arith.index_cast %scan3A_25 : i32 to index
      %swap3A_57 = arith.constant 96 : index
      %swap3A_58 = tpu.vector_load %arg8[%swap3A_56, %swap3A_57] {strides = array<i32>} : memref<128x128xf32, #tpu.memory_space<vmem>>, vector<1x16xf32>,
      %swap3A_59 = vector.shape_cast %swap3A_58 : vector<1x16xf32> to vector<16xf32>
      %swap3A_60 = vector.shape_cast %broadcast_in_dim3A_1 : vector<16xf32> to vector<1x16xf32>
      tpu.vector_store %arg8[%swap3A_56, %swap3A_57], %swap3A_60 {strides = array<i32>} : memref<128x128xf32, #tpu.memory_space<vmem>>, vector<1x16xf32>,
      %swap3A_61 = arith.index_cast %scan3A_25 : i32 to index
      %swap3A_62 = arith.constant 112 : index
      %swap3A_63 = tpu.vector_load %arg8[%swap3A_61, %swap3A_62] {strides = array<i32>} : memref<128x128xf32, #tpu.memory_space<vmem>>, vector<1x16xf32>,
      %swap3A_64 = vector.shape_cast %swap3A_63 : vector<1x16xf32> to vector<16xf32>
      %swap3A_65 = vector.shape_cast %broadcast_in_dim3A_1 : vector<16xf32> to vector<1x16xf32>
      tpu.vector_store %arg8[%swap3A_61, %swap3A_62], %swap3A_65 {strides = array<i32>} : memref<128x128xf32, #tpu.memory_space<vmem>>, vector<1x16xf32>,
      %scan3A_66 = arith.constant 0 : i32
      scf.yield %scan3A_66 : i32
    }
    %scan3A_7 = arith.constant 128 : i32
    %mul3A_8 = arith.constant 640 : i32
    %mul3A_9 = arith.muli %arg1, %mul3A_8 : i32
    %scan3A_10 = arith.constant 0 : i32
    %scan3A_11 = arith.constant 0 : i32
    %scan3A_12 = arith.constant 5 : i32
    %scan3A_13 = arith.addi %scan3A_11, %scan3A_12 : i32
    %scan3A_14 = arith.constant 1 : i32
    %scan3A_15 = scf.for %scan3A_25 = %scan3A_11 to %scan3A_13 step %scan3A_14 iter_args(%scan3A_26 = %scan3A_10) -> (i32)  : i32 {
      %mul3A_27 = arith.constant 128 : i32
      %mul3A_28 = arith.muli %scan3A_25, %mul3A_27 : i32
      %add3A_29 = arith.addi %mul3A_9, %mul3A_28 : i32
      "tpu.region"() ({
        %run_scoped3A = tpu.sem_alloc : memref<!tpu.dma_semaphore, #tpu.memory_space<semaphore_mem>>
        %dma_start3A = arith.constant 0 : i32
        %dma_start3A_31 = tpu.memref_slice %arg9[%add3A_29, %dma_start3A] : memref<10240x128xf32, #tpu.memory_space<vmem_shared>> -> memref<128x128xf32, #tpu.memory_space<vmem_shared>>
        %dma_start3A_32 = arith.constant 0 : i32
        %dma_start3A_33 = tpu.memref_slice %arg9[%add3A_29, %dma_start3A_32] : memref<10240x128xf32, #tpu.memory_space<vmem_shared>> -> memref<128x128xf32, #tpu.memory_space<vmem_shared>>
        tpu.enqueue_dma source(%arg8 : memref<128x128xf32, #tpu.memory_space<vmem>>) target(%dma_start3A_33 : memref<128x128xf32, #tpu.memory_space<vmem_shared>>) target_semaphore(%run_scoped3A : memref<!tpu.dma_semaphore, #tpu.memory_space<semaphore_mem>>)
        %dma_wait3A = arith.constant 0 : i32
        %dma_wait3A_34 = tpu.memref_slice %arg9[%add3A_29, %dma_wait3A] : memref<10240x128xf32, #tpu.memory_space<vmem_shared>> -> memref<128x128xf32, #tpu.memory_space<vmem_shared>>
        %dma_wait3A_35 = arith.constant 0 : i32
        %dma_wait3A_36 = tpu.memref_slice %arg9[%add3A_29, %dma_wait3A_35] : memref<10240x128xf32, #tpu.memory_space<vmem_shared>> -> memref<128x128xf32, #tpu.memory_space<vmem_shared>>
        tpu.wait_dma2 semaphore(%run_scoped3A : memref<!tpu.dma_semaphore, #tpu.memory_space<semaphore_mem>>) src(%arg8 : memref<128x128xf32, #tpu.memory_space<vmem>>) dst(%dma_wait3A_36 : memref<128x128xf32, #tpu.memory_space<vmem_shared>>)
        tpu.yield
      }) : () -> ()
      %scan3A_30 = arith.constant 0 : i32
      scf.yield %scan3A_30 : i32
    }
    %scan3A_16 = arith.constant 5 : i32
    "tpu.region"() ({
      %run_scoped3A = tpu.sem_alloc : memref<!tpu.dma_semaphore, #tpu.memory_space<semaphore_mem>>
      %dma_start3A = arith.constant 0 : i32
      %dma_start3A_25 = arith.constant 0 : i32
      %dma_start3A_26 = tpu.memref_slice %arg3[%add3A, %dma_start3A, %dma_start3A_25] : memref<32x80x128xi32, #tpu.memory_space<hbm>> -> memref<1x80x128xi32, #tpu.memory_space<hbm>>
      %dma_start3A_27 = tpu.memref_squeeze %dma_start3A_26 : memref<1x80x128xi32, #tpu.memory_space<hbm>> -> memref<80x128xi32, #tpu.memory_space<hbm>>
      %dma_start3A_28 = arith.constant 0 : i32
      %dma_start3A_29 = arith.constant 0 : i32
      %dma_start3A_30 = tpu.memref_slice %arg3[%add3A, %dma_start3A_28, %dma_start3A_29] : memref<32x80x128xi32, #tpu.memory_space<hbm>> -> memref<1x80x128xi32, #tpu.memory_space<hbm>>
      %dma_start3A_31 = tpu.memref_squeeze %dma_start3A_30 : memref<1x80x128xi32, #tpu.memory_space<hbm>> -> memref<80x128xi32, #tpu.memory_space<hbm>>
      tpu.enqueue_dma source(%dma_start3A_31 : memref<80x128xi32, #tpu.memory_space<hbm>>) target(%arg6 : memref<80x128xi32, #tpu.memory_space<vmem>>) target_semaphore(%run_scoped3A : memref<!tpu.dma_semaphore, #tpu.memory_space<semaphore_mem>>)
      %dma_wait3A = arith.constant 0 : i32
      %dma_wait3A_32 = arith.constant 0 : i32
      %dma_wait3A_33 = tpu.memref_slice %arg3[%add3A, %dma_wait3A, %dma_wait3A_32] : memref<32x80x128xi32, #tpu.memory_space<hbm>> -> memref<1x80x128xi32, #tpu.memory_space<hbm>>
      %dma_wait3A_34 = tpu.memref_squeeze %dma_wait3A_33 : memref<1x80x128xi32, #tpu.memory_space<hbm>> -> memref<80x128xi32, #tpu.memory_space<hbm>>
      %dma_wait3A_35 = arith.constant 0 : i32
      %dma_wait3A_36 = arith.constant 0 : i32
      %dma_wait3A_37 = tpu.memref_slice %arg3[%add3A, %dma_wait3A_35, %dma_wait3A_36] : memref<32x80x128xi32, #tpu.memory_space<hbm>> -> memref<1x80x128xi32, #tpu.memory_space<hbm>>
      %dma_wait3A_38 = tpu.memref_squeeze %dma_wait3A_37 : memref<1x80x128xi32, #tpu.memory_space<hbm>> -> memref<80x128xi32, #tpu.memory_space<hbm>>
      tpu.wait_dma2 semaphore(%run_scoped3A : memref<!tpu.dma_semaphore, #tpu.memory_space<semaphore_mem>>) src(%dma_wait3A_38 : memref<80x128xi32, #tpu.memory_space<hbm>>) dst(%arg6 : memref<80x128xi32, #tpu.memory_space<vmem>>)
      tpu.yield
    }) : () -> ()
    "tpu.region"() ({
      %run_scoped3A = tpu.sem_alloc : memref<!tpu.dma_semaphore, #tpu.memory_space<semaphore_mem>>
      %dma_start3A = arith.constant 0 : i32
      %dma_start3A_25 = arith.constant 0 : i32
      %dma_start3A_26 = tpu.memref_slice %arg4[%add3A, %dma_start3A, %dma_start3A_25] : memref<32x80x128xi32, #tpu.memory_space<hbm>> -> memref<1x80x128xi32, #tpu.memory_space<hbm>>
      %dma_start3A_27 = tpu.memref_squeeze %dma_start3A_26 : memref<1x80x128xi32, #tpu.memory_space<hbm>> -> memref<80x128xi32, #tpu.memory_space<hbm>>
      %dma_start3A_28 = arith.constant 0 : i32
      %dma_start3A_29 = arith.constant 0 : i32
      %dma_start3A_30 = tpu.memref_slice %arg4[%add3A, %dma_start3A_28, %dma_start3A_29] : memref<32x80x128xi32, #tpu.memory_space<hbm>> -> memref<1x80x128xi32, #tpu.memory_space<hbm>>
      %dma_start3A_31 = tpu.memref_squeeze %dma_start3A_30 : memref<1x80x128xi32, #tpu.memory_space<hbm>> -> memref<80x128xi32, #tpu.memory_space<hbm>>
      tpu.enqueue_dma source(%dma_start3A_31 : memref<80x128xi32, #tpu.memory_space<hbm>>) target(%arg7 : memref<80x128xi32, #tpu.memory_space<vmem>>) target_semaphore(%run_scoped3A : memref<!tpu.dma_semaphore, #tpu.memory_space<semaphore_mem>>)
      %dma_wait3A = arith.constant 0 : i32
      %dma_wait3A_32 = arith.constant 0 : i32
      %dma_wait3A_33 = tpu.memref_slice %arg4[%add3A, %dma_wait3A, %dma_wait3A_32] : memref<32x80x128xi32, #tpu.memory_space<hbm>> -> memref<1x80x128xi32, #tpu.memory_space<hbm>>
      %dma_wait3A_34 = tpu.memref_squeeze %dma_wait3A_33 : memref<1x80x128xi32, #tpu.memory_space<hbm>> -> memref<80x128xi32, #tpu.memory_space<hbm>>
      %dma_wait3A_35 = arith.constant 0 : i32
      %dma_wait3A_36 = arith.constant 0 : i32
      %dma_wait3A_37 = tpu.memref_slice %arg4[%add3A, %dma_wait3A_35, %dma_wait3A_36] : memref<32x80x128xi32, #tpu.memory_space<hbm>> -> memref<1x80x128xi32, #tpu.memory_space<hbm>>
      %dma_wait3A_38 = tpu.memref_squeeze %dma_wait3A_37 : memref<1x80x128xi32, #tpu.memory_space<hbm>> -> memref<80x128xi32, #tpu.memory_space<hbm>>
      tpu.wait_dma2 semaphore(%run_scoped3A : memref<!tpu.dma_semaphore, #tpu.memory_space<semaphore_mem>>) src(%dma_wait3A_38 : memref<80x128xi32, #tpu.memory_space<hbm>>) dst(%arg7 : memref<80x128xi32, #tpu.memory_space<vmem>>)
      tpu.yield
    }) : () -> ()
    %barrier3A = arith.constant 0 : index
    tpu.barrier barrier_id(%barrier3A)
    %scan3A_17 = arith.constant 0 : i32
    %scan3A_18 = arith.constant 0 : i32
    %scan3A_19 = arith.constant 80 : i32
    %scan3A_20 = arith.addi %scan3A_18, %scan3A_19 : i32
    %scan3A_21 = arith.constant 1 : i32
    %scan3A_22 = scf.for %scan3A_25 = %scan3A_18 to %scan3A_20 step %scan3A_21 iter_args(%scan3A_26 = %scan3A_17) -> (i32)  : i32 {
      %dma_start3A = arith.constant 0 : i32
      %dma_start3A_27 = tpu.memref_slice %arg6[%scan3A_25, %dma_start3A] : memref<80x128xi32, #tpu.memory_space<vmem>> -> memref<1x128xi32, #tpu.memory_space<vmem>>
      %dma_start3A_28 = tpu.memref_squeeze %dma_start3A_27 : memref<1x128xi32, #tpu.memory_space<vmem>> -> memref<128xi32, #tpu.memory_space<vmem>>
      %dma_start3A_29 = arith.constant 0 : i32
      %dma_start3A_30 = arith.constant 0 : i32
      %dma_start3A_31 = tpu.memref_slice %arg2[%dma_start3A_29, %dma_start3A_30] : memref<10240x128xf32, #tpu.memory_space<hbm>> -> memref<10240x128xf32, #tpu.memory_space<hbm>>
      tpu.enqueue_indirect_dma source(%dma_start3A_31 : memref<10240x128xf32, #tpu.memory_space<hbm>>) target(%arg8 : memref<128x128xf32, #tpu.memory_space<vmem>>) offsets(%dma_start3A_28 : memref<128xi32, #tpu.memory_space<vmem>>) semaphore(%arg10 : memref<!tpu.dma_semaphore, #tpu.memory_space<semaphore_mem>>)
      %dma_wait3A = arith.constant 0 : i32
      %dma_wait3A_32 = tpu.memref_slice %arg6[%scan3A_25, %dma_wait3A] : memref<80x128xi32, #tpu.memory_space<vmem>> -> memref<1x128xi32, #tpu.memory_space<vmem>>
      %dma_wait3A_33 = tpu.memref_squeeze %dma_wait3A_32 : memref<1x128xi32, #tpu.memory_space<vmem>> -> memref<128xi32, #tpu.memory_space<vmem>>
      %dma_wait3A_34 = arith.constant 0 : i32
      %dma_wait3A_35 = arith.constant 0 : i32
      %dma_wait3A_36 = tpu.memref_slice %arg2[%dma_wait3A_34, %dma_wait3A_35] : memref<10240x128xf32, #tpu.memory_space<hbm>> -> memref<10240x128xf32, #tpu.memory_space<hbm>>
      tpu.wait_indirect_dma semaphore(%arg10 : memref<!tpu.dma_semaphore, #tpu.memory_space<semaphore_mem>>) src(%dma_wait3A_36 : memref<10240x128xf32, #tpu.memory_space<hbm>>) dst(%arg8 : memref<128x128xf32, #tpu.memory_space<vmem>>)
      "tpu.region"() ({
        %run_scoped3A = tpu.sem_alloc : memref<!tpu.dma_semaphore, #tpu.memory_space<semaphore_mem>>
        %dma_start3A_38 = arith.constant 0 : i32
        %dma_start3A_39 = tpu.memref_slice %arg7[%scan3A_25, %dma_start3A_38] : memref<80x128xi32, #tpu.memory_space<vmem>> -> memref<1x128xi32, #tpu.memory_space<vmem>>
        %dma_start3A_40 = tpu.memref_squeeze %dma_start3A_39 : memref<1x128xi32, #tpu.memory_space<vmem>> -> memref<128xi32, #tpu.memory_space<vmem>>
        %dma_start3A_41 = arith.constant 0 : i32
        %dma_start3A_42 = arith.constant 0 : i32
        %dma_start3A_43 = tpu.memref_slice %arg9[%dma_start3A_41, %dma_start3A_42] : memref<10240x128xf32, #tpu.memory_space<vmem_shared>> -> memref<10240x128xf32, #tpu.memory_space<vmem_shared>>
        tpu.enqueue_indirect_dma source(%arg8 : memref<128x128xf32, #tpu.memory_space<vmem>>) target(%dma_start3A_43 : memref<10240x128xf32, #tpu.memory_space<vmem_shared>>) offsets(%dma_start3A_40 : memref<128xi32, #tpu.memory_space<vmem>>) semaphore(%run_scoped3A : memref<!tpu.dma_semaphore, #tpu.memory_space<semaphore_mem>>) {add = true}
        %dma_wait3A_44 = arith.constant 0 : i32
        %dma_wait3A_45 = tpu.memref_slice %arg7[%scan3A_25, %dma_wait3A_44] : memref<80x128xi32, #tpu.memory_space<vmem>> -> memref<1x128xi32, #tpu.memory_space<vmem>>
        %dma_wait3A_46 = tpu.memref_squeeze %dma_wait3A_45 : memref<1x128xi32, #tpu.memory_space<vmem>> -> memref<128xi32, #tpu.memory_space<vmem>>
        %dma_wait3A_47 = arith.constant 0 : i32
        %dma_wait3A_48 = arith.constant 0 : i32
        %dma_wait3A_49 = tpu.memref_slice %arg9[%dma_wait3A_47, %dma_wait3A_48] : memref<10240x128xf32, #tpu.memory_space<vmem_shared>> -> memref<10240x128xf32, #tpu.memory_space<vmem_shared>>
        tpu.wait_indirect_dma semaphore(%run_scoped3A : memref<!tpu.dma_semaphore, #tpu.memory_space<semaphore_mem>>) src(%arg8 : memref<128x128xf32, #tpu.memory_space<vmem>>) dst(%dma_wait3A_49 : memref<10240x128xf32, #tpu.memory_space<vmem_shared>>)
        tpu.yield
      }) : () -> ()
      %scan3A_37 = arith.constant 0 : i32
      scf.yield %scan3A_37 : i32
    }
    %scan3A_23 = arith.constant 80 : i32
    %barrier3A_24 = arith.constant 0 : index
    tpu.barrier barrier_id(%barrier3A_24)
    "tpu.region"() ({
      %run_scoped3A = tpu.sem_alloc : memref<!tpu.dma_semaphore, #tpu.memory_space<semaphore_mem>>
      %dma_start3A = arith.constant 0 : i32
      %dma_start3A_25 = tpu.memref_slice %arg5[%arg0, %mul3A_9, %dma_start3A] : memref<2x10240x128xf32, #tpu.memory_space<hbm>> -> memref<1x640x128xf32, #tpu.memory_space<hbm>>
      %dma_start3A_26 = tpu.memref_squeeze %dma_start3A_25 : memref<1x640x128xf32, #tpu.memory_space<hbm>> -> memref<640x128xf32, #tpu.memory_space<hbm>>
      %dma_start3A_27 = arith.constant 0 : i32
      %dma_start3A_28 = tpu.memref_slice %arg9[%mul3A_9, %dma_start3A_27] : memref<10240x128xf32, #tpu.memory_space<vmem_shared>> -> memref<640x128xf32, #tpu.memory_space<vmem_shared>>
      tpu.enqueue_dma source(%dma_start3A_28 : memref<640x128xf32, #tpu.memory_space<vmem_shared>>) target(%dma_start3A_26 : memref<640x128xf32, #tpu.memory_space<hbm>>) target_semaphore(%run_scoped3A : memref<!tpu.dma_semaphore, #tpu.memory_space<semaphore_mem>>)
      %dma_wait3A = arith.constant 0 : i32
      %dma_wait3A_29 = tpu.memref_slice %arg5[%arg0, %mul3A_9, %dma_wait3A] : memref<2x10240x128xf32, #tpu.memory_space<hbm>> -> memref<1x640x128xf32, #tpu.memory_space<hbm>>
      %dma_wait3A_30 = tpu.memref_squeeze %dma_wait3A_29 : memref<1x640x128xf32, #tpu.memory_space<hbm>> -> memref<640x128xf32, #tpu.memory_space<hbm>>
      %dma_wait3A_31 = arith.constant 0 : i32
      %dma_wait3A_32 = tpu.memref_slice %arg9[%mul3A_9, %dma_wait3A_31] : memref<10240x128xf32, #tpu.memory_space<vmem_shared>> -> memref<640x128xf32, #tpu.memory_space<vmem_shared>>
      tpu.wait_dma2 semaphore(%run_scoped3A : memref<!tpu.dma_semaphore, #tpu.memory_space<semaphore_mem>>) src(%dma_wait3A_32 : memref<640x128xf32, #tpu.memory_space<vmem_shared>>) dst(%dma_wait3A_30 : memref<640x128xf32, #tpu.memory_space<hbm>>)
      tpu.yield
    }) : () -> ()
    return
  }
}

#map = affine_map<(d0, d1) -> (0, 0)>
#map1 = affine_map<(d0, d1) -> (0, 0, 0)>
module attributes {stable_mosaic.version = 14 : i64} {
  func.func @prop(%arg0: i32, %arg1: i32, %arg2: memref<10240x128xf32, #tpu.memory_space<hbm>>, %arg3: memref<32x80x128xi32, #tpu.memory_space<hbm>>, %arg4: memref<32x80x128xi32, #tpu.memory_space<hbm>>, %arg5: memref<2x10240x128xf32, #tpu.memory_space<hbm>>, %arg6: memref<80x128xi32, #tpu.memory_space<vmem>>, %arg7: memref<80x128xi32, #tpu.memory_space<vmem>>, %arg8: memref<128x128xf32, #tpu.memory_space<vmem>>, %arg9: memref<10240x128xf32, #tpu.memory_space<vmem_shared>>, %arg10: memref<!tpu.dma_semaphore, #tpu.memory_space<semaphore_mem>>) attributes {dimension_semantics = [#tpu.dimension_semantics<core_parallel>, #tpu.dimension_semantics<subcore_parallel>], iteration_bounds = array<i64: 2, 16>, scalar_prefetch = 0 : i64, scratch_operands = 5 : i64, tpu.core_type = #tpu.core_type<sc_vector_subcore>, window_params = [{transform_indices = #map}, {transform_indices = #map1}, {transform_indices = #map1}, {transform_indices = #map1}]} {
    %mul3A = arith.constant 16 : i32
    %mul3A_0 = arith.muli %arg0, %mul3A : i32
    %add3A = arith.addi %mul3A_0, %arg1 : i32
    %broadcast_in_dim3A = arith.constant 0.000000e+00 : f32
    %broadcast_in_dim3A_1 = vector.broadcast %broadcast_in_dim3A : f32 to vector<16xf32>
    %scan3A = arith.constant 0 : i32
    %scan3A_2 = arith.constant 0 : i32
    %scan3A_3 = arith.constant 128 : i32
    %scan3A_4 = arith.addi %scan3A_2, %scan3A_3 : i32
    %scan3A_5 = arith.constant 1 : i32
    %scan3A_6 = scf.for %scan3A_25 = %scan3A_2 to %scan3A_4 step %scan3A_5 iter_args(%scan3A_26 = %scan3A) -> (i32)  : i32 {
      %swap3A = arith.index_cast %scan3A_25 : i32 to index
      %swap3A_27 = arith.constant 0 : index
      %swap3A_28 = tpu.vector_load %arg8[%swap3A, %swap3A_27] {strides = array<i32>} : memref<128x128xf32, #tpu.memory_space<vmem>>, vector<1x16xf32>,
      %swap3A_29 = vector.shape_cast %swap3A_28 : vector<1x16xf32> to vector<16xf32>
      %swap3A_30 = vector.shape_cast %broadcast_in_dim3A_1 : vector<16xf32> to vector<1x16xf32>
      tpu.vector_store %arg8[%swap3A, %swap3A_27], %swap3A_30 {strides = array<i32>} : memref<128x128xf32, #tpu.memory_space<vmem>>, vector<1x16xf32>,
      %swap3A_31 = arith.index_cast %scan3A_25 : i32 to index
      %swap3A_32 = arith.constant 16 : index
      %swap3A_33 = tpu.vector_load %arg8[%swap3A_31, %swap3A_32] {strides = array<i32>} : memref<128x128xf32, #tpu.memory_space<vmem>>, vector<1x16xf32>,
      %swap3A_34 = vector.shape_cast %swap3A_33 : vector<1x16xf32> to vector<16xf32>
      %swap3A_35 = vector.shape_cast %broadcast_in_dim3A_1 : vector<16xf32> to vector<1x16xf32>
      tpu.vector_store %arg8[%swap3A_31, %swap3A_32], %swap3A_35 {strides = array<i32>} : memref<128x128xf32, #tpu.memory_space<vmem>>, vector<1x16xf32>,
      %swap3A_36 = arith.index_cast %scan3A_25 : i32 to index
      %swap3A_37 = arith.constant 32 : index
      %swap3A_38 = tpu.vector_load %arg8[%swap3A_36, %swap3A_37] {strides = array<i32>} : memref<128x128xf32, #tpu.memory_space<vmem>>, vector<1x16xf32>,
      %swap3A_39 = vector.shape_cast %swap3A_38 : vector<1x16xf32> to vector<16xf32>
      %swap3A_40 = vector.shape_cast %broadcast_in_dim3A_1 : vector<16xf32> to vector<1x16xf32>
      tpu.vector_store %arg8[%swap3A_36, %swap3A_37], %swap3A_40 {strides = array<i32>} : memref<128x128xf32, #tpu.memory_space<vmem>>, vector<1x16xf32>,
      %swap3A_41 = arith.index_cast %scan3A_25 : i32 to index
      %swap3A_42 = arith.constant 48 : index
      %swap3A_43 = tpu.vector_load %arg8[%swap3A_41, %swap3A_42] {strides = array<i32>} : memref<128x128xf32, #tpu.memory_space<vmem>>, vector<1x16xf32>,
      %swap3A_44 = vector.shape_cast %swap3A_43 : vector<1x16xf32> to vector<16xf32>
      %swap3A_45 = vector.shape_cast %broadcast_in_dim3A_1 : vector<16xf32> to vector<1x16xf32>
      tpu.vector_store %arg8[%swap3A_41, %swap3A_42], %swap3A_45 {strides = array<i32>} : memref<128x128xf32, #tpu.memory_space<vmem>>, vector<1x16xf32>,
      %swap3A_46 = arith.index_cast %scan3A_25 : i32 to index
      %swap3A_47 = arith.constant 64 : index
      %swap3A_48 = tpu.vector_load %arg8[%swap3A_46, %swap3A_47] {strides = array<i32>} : memref<128x128xf32, #tpu.memory_space<vmem>>, vector<1x16xf32>,
      %swap3A_49 = vector.shape_cast %swap3A_48 : vector<1x16xf32> to vector<16xf32>
      %swap3A_50 = vector.shape_cast %broadcast_in_dim3A_1 : vector<16xf32> to vector<1x16xf32>
      tpu.vector_store %arg8[%swap3A_46, %swap3A_47], %swap3A_50 {strides = array<i32>} : memref<128x128xf32, #tpu.memory_space<vmem>>, vector<1x16xf32>,
      %swap3A_51 = arith.index_cast %scan3A_25 : i32 to index
      %swap3A_52 = arith.constant 80 : index
      %swap3A_53 = tpu.vector_load %arg8[%swap3A_51, %swap3A_52] {strides = array<i32>} : memref<128x128xf32, #tpu.memory_space<vmem>>, vector<1x16xf32>,
      %swap3A_54 = vector.shape_cast %swap3A_53 : vector<1x16xf32> to vector<16xf32>
      %swap3A_55 = vector.shape_cast %broadcast_in_dim3A_1 : vector<16xf32> to vector<1x16xf32>
      tpu.vector_store %arg8[%swap3A_51, %swap3A_52], %swap3A_55 {strides = array<i32>} : memref<128x128xf32, #tpu.memory_space<vmem>>, vector<1x16xf32>,
      %swap3A_56 = arith.index_cast %scan3A_25 : i32 to index
      %swap3A_57 = arith.constant 96 : index
      %swap3A_58 = tpu.vector_load %arg8[%swap3A_56, %swap3A_57] {strides = array<i32>} : memref<128x128xf32, #tpu.memory_space<vmem>>, vector<1x16xf32>,
      %swap3A_59 = vector.shape_cast %swap3A_58 : vector<1x16xf32> to vector<16xf32>
      %swap3A_60 = vector.shape_cast %broadcast_in_dim3A_1 : vector<16xf32> to vector<1x16xf32>
      tpu.vector_store %arg8[%swap3A_56, %swap3A_57], %swap3A_60 {strides = array<i32>} : memref<128x128xf32, #tpu.memory_space<vmem>>, vector<1x16xf32>,
      %swap3A_61 = arith.index_cast %scan3A_25 : i32 to index
      %swap3A_62 = arith.constant 112 : index
      %swap3A_63 = tpu.vector_load %arg8[%swap3A_61, %swap3A_62] {strides = array<i32>} : memref<128x128xf32, #tpu.memory_space<vmem>>, vector<1x16xf32>,
      %swap3A_64 = vector.shape_cast %swap3A_63 : vector<1x16xf32> to vector<16xf32>
      %swap3A_65 = vector.shape_cast %broadcast_in_dim3A_1 : vector<16xf32> to vector<1x16xf32>
      tpu.vector_store %arg8[%swap3A_61, %swap3A_62], %swap3A_65 {strides = array<i32>} : memref<128x128xf32, #tpu.memory_space<vmem>>, vector<1x16xf32>,
      %scan3A_66 = arith.constant 0 : i32
      scf.yield %scan3A_66 : i32
    }
    %scan3A_7 = arith.constant 128 : i32
    %mul3A_8 = arith.constant 640 : i32
    %mul3A_9 = arith.muli %arg1, %mul3A_8 : i32
    %scan3A_10 = arith.constant 0 : i32
    %scan3A_11 = arith.constant 0 : i32
    %scan3A_12 = arith.constant 5 : i32
    %scan3A_13 = arith.addi %scan3A_11, %scan3A_12 : i32
    %scan3A_14 = arith.constant 1 : i32
    %scan3A_15 = scf.for %scan3A_25 = %scan3A_11 to %scan3A_13 step %scan3A_14 iter_args(%scan3A_26 = %scan3A_10) -> (i32)  : i32 {
      %mul3A_27 = arith.constant 128 : i32
      %mul3A_28 = arith.muli %scan3A_25, %mul3A_27 : i32
      %add3A_29 = arith.addi %mul3A_9, %mul3A_28 : i32
      "tpu.region"() ({
        %run_scoped3A = tpu.sem_alloc : memref<!tpu.dma_semaphore, #tpu.memory_space<semaphore_mem>>
        %dma_start3A = arith.constant 0 : i32
        %dma_start3A_31 = tpu.memref_slice %arg9[%add3A_29, %dma_start3A] : memref<10240x128xf32, #tpu.memory_space<vmem_shared>> -> memref<128x128xf32, #tpu.memory_space<vmem_shared>>
        %dma_start3A_32 = arith.constant 0 : i32
        %dma_start3A_33 = tpu.memref_slice %arg9[%add3A_29, %dma_start3A_32] : memref<10240x128xf32, #tpu.memory_space<vmem_shared>> -> memref<128x128xf32, #tpu.memory_space<vmem_shared>>
        tpu.enqueue_dma source(%arg8 : memref<128x128xf32, #tpu.memory_space<vmem>>) target(%dma_start3A_33 : memref<128x128xf32, #tpu.memory_space<vmem_shared>>) target_semaphore(%run_scoped3A : memref<!tpu.dma_semaphore, #tpu.memory_space<semaphore_mem>>)
        %dma_wait3A = arith.constant 0 : i32
        %dma_wait3A_34 = tpu.memref_slice %arg9[%add3A_29, %dma_wait3A] : memref<10240x128xf32, #tpu.memory_space<vmem_shared>> -> memref<128x128xf32, #tpu.memory_space<vmem_shared>>
        %dma_wait3A_35 = arith.constant 0 : i32
        %dma_wait3A_36 = tpu.memref_slice %arg9[%add3A_29, %dma_wait3A_35] : memref<10240x128xf32, #tpu.memory_space<vmem_shared>> -> memref<128x128xf32, #tpu.memory_space<vmem_shared>>
        tpu.wait_dma2 semaphore(%run_scoped3A : memref<!tpu.dma_semaphore, #tpu.memory_space<semaphore_mem>>) src(%arg8 : memref<128x128xf32, #tpu.memory_space<vmem>>) dst(%dma_wait3A_36 : memref<128x128xf32, #tpu.memory_space<vmem_shared>>)
        tpu.yield
      }) : () -> ()
      %scan3A_30 = arith.constant 0 : i32
      scf.yield %scan3A_30 : i32
    }
    %scan3A_16 = arith.constant 5 : i32
    "tpu.region"() ({
      %run_scoped3A = tpu.sem_alloc : memref<!tpu.dma_semaphore, #tpu.memory_space<semaphore_mem>>
      %dma_start3A = arith.constant 0 : i32
      %dma_start3A_25 = arith.constant 0 : i32
      %dma_start3A_26 = tpu.memref_slice %arg3[%add3A, %dma_start3A, %dma_start3A_25] : memref<32x80x128xi32, #tpu.memory_space<hbm>> -> memref<1x80x128xi32, #tpu.memory_space<hbm>>
      %dma_start3A_27 = tpu.memref_squeeze %dma_start3A_26 : memref<1x80x128xi32, #tpu.memory_space<hbm>> -> memref<80x128xi32, #tpu.memory_space<hbm>>
      %dma_start3A_28 = arith.constant 0 : i32
      %dma_start3A_29 = arith.constant 0 : i32
      %dma_start3A_30 = tpu.memref_slice %arg3[%add3A, %dma_start3A_28, %dma_start3A_29] : memref<32x80x128xi32, #tpu.memory_space<hbm>> -> memref<1x80x128xi32, #tpu.memory_space<hbm>>
      %dma_start3A_31 = tpu.memref_squeeze %dma_start3A_30 : memref<1x80x128xi32, #tpu.memory_space<hbm>> -> memref<80x128xi32, #tpu.memory_space<hbm>>
      tpu.enqueue_dma source(%dma_start3A_31 : memref<80x128xi32, #tpu.memory_space<hbm>>) target(%arg6 : memref<80x128xi32, #tpu.memory_space<vmem>>) target_semaphore(%run_scoped3A : memref<!tpu.dma_semaphore, #tpu.memory_space<semaphore_mem>>)
      %dma_wait3A = arith.constant 0 : i32
      %dma_wait3A_32 = arith.constant 0 : i32
      %dma_wait3A_33 = tpu.memref_slice %arg3[%add3A, %dma_wait3A, %dma_wait3A_32] : memref<32x80x128xi32, #tpu.memory_space<hbm>> -> memref<1x80x128xi32, #tpu.memory_space<hbm>>
      %dma_wait3A_34 = tpu.memref_squeeze %dma_wait3A_33 : memref<1x80x128xi32, #tpu.memory_space<hbm>> -> memref<80x128xi32, #tpu.memory_space<hbm>>
      %dma_wait3A_35 = arith.constant 0 : i32
      %dma_wait3A_36 = arith.constant 0 : i32
      %dma_wait3A_37 = tpu.memref_slice %arg3[%add3A, %dma_wait3A_35, %dma_wait3A_36] : memref<32x80x128xi32, #tpu.memory_space<hbm>> -> memref<1x80x128xi32, #tpu.memory_space<hbm>>
      %dma_wait3A_38 = tpu.memref_squeeze %dma_wait3A_37 : memref<1x80x128xi32, #tpu.memory_space<hbm>> -> memref<80x128xi32, #tpu.memory_space<hbm>>
      tpu.wait_dma2 semaphore(%run_scoped3A : memref<!tpu.dma_semaphore, #tpu.memory_space<semaphore_mem>>) src(%dma_wait3A_38 : memref<80x128xi32, #tpu.memory_space<hbm>>) dst(%arg6 : memref<80x128xi32, #tpu.memory_space<vmem>>)
      tpu.yield
    }) : () -> ()
    "tpu.region"() ({
      %run_scoped3A = tpu.sem_alloc : memref<!tpu.dma_semaphore, #tpu.memory_space<semaphore_mem>>
      %dma_start3A = arith.constant 0 : i32
      %dma_start3A_25 = arith.constant 0 : i32
      %dma_start3A_26 = tpu.memref_slice %arg4[%add3A, %dma_start3A, %dma_start3A_25] : memref<32x80x128xi32, #tpu.memory_space<hbm>> -> memref<1x80x128xi32, #tpu.memory_space<hbm>>
      %dma_start3A_27 = tpu.memref_squeeze %dma_start3A_26 : memref<1x80x128xi32, #tpu.memory_space<hbm>> -> memref<80x128xi32, #tpu.memory_space<hbm>>
      %dma_start3A_28 = arith.constant 0 : i32
      %dma_start3A_29 = arith.constant 0 : i32
      %dma_start3A_30 = tpu.memref_slice %arg4[%add3A, %dma_start3A_28, %dma_start3A_29] : memref<32x80x128xi32, #tpu.memory_space<hbm>> -> memref<1x80x128xi32, #tpu.memory_space<hbm>>
      %dma_start3A_31 = tpu.memref_squeeze %dma_start3A_30 : memref<1x80x128xi32, #tpu.memory_space<hbm>> -> memref<80x128xi32, #tpu.memory_space<hbm>>
      tpu.enqueue_dma source(%dma_start3A_31 : memref<80x128xi32, #tpu.memory_space<hbm>>) target(%arg7 : memref<80x128xi32, #tpu.memory_space<vmem>>) target_semaphore(%run_scoped3A : memref<!tpu.dma_semaphore, #tpu.memory_space<semaphore_mem>>)
      %dma_wait3A = arith.constant 0 : i32
      %dma_wait3A_32 = arith.constant 0 : i32
      %dma_wait3A_33 = tpu.memref_slice %arg4[%add3A, %dma_wait3A, %dma_wait3A_32] : memref<32x80x128xi32, #tpu.memory_space<hbm>> -> memref<1x80x128xi32, #tpu.memory_space<hbm>>
      %dma_wait3A_34 = tpu.memref_squeeze %dma_wait3A_33 : memref<1x80x128xi32, #tpu.memory_space<hbm>> -> memref<80x128xi32, #tpu.memory_space<hbm>>
      %dma_wait3A_35 = arith.constant 0 : i32
      %dma_wait3A_36 = arith.constant 0 : i32
      %dma_wait3A_37 = tpu.memref_slice %arg4[%add3A, %dma_wait3A_35, %dma_wait3A_36] : memref<32x80x128xi32, #tpu.memory_space<hbm>> -> memref<1x80x128xi32, #tpu.memory_space<hbm>>
      %dma_wait3A_38 = tpu.memref_squeeze %dma_wait3A_37 : memref<1x80x128xi32, #tpu.memory_space<hbm>> -> memref<80x128xi32, #tpu.memory_space<hbm>>
      tpu.wait_dma2 semaphore(%run_scoped3A : memref<!tpu.dma_semaphore, #tpu.memory_space<semaphore_mem>>) src(%dma_wait3A_38 : memref<80x128xi32, #tpu.memory_space<hbm>>) dst(%arg7 : memref<80x128xi32, #tpu.memory_space<vmem>>)
      tpu.yield
    }) : () -> ()
    %barrier3A = arith.constant 0 : index
    tpu.barrier barrier_id(%barrier3A)
    %scan3A_17 = arith.constant 0 : i32
    %scan3A_18 = arith.constant 0 : i32
    %scan3A_19 = arith.constant 80 : i32
    %scan3A_20 = arith.addi %scan3A_18, %scan3A_19 : i32
    %scan3A_21 = arith.constant 1 : i32
    %scan3A_22 = scf.for %scan3A_25 = %scan3A_18 to %scan3A_20 step %scan3A_21 iter_args(%scan3A_26 = %scan3A_17) -> (i32)  : i32 {
      %dma_start3A = arith.constant 0 : i32
      %dma_start3A_27 = tpu.memref_slice %arg6[%scan3A_25, %dma_start3A] : memref<80x128xi32, #tpu.memory_space<vmem>> -> memref<1x128xi32, #tpu.memory_space<vmem>>
      %dma_start3A_28 = tpu.memref_squeeze %dma_start3A_27 : memref<1x128xi32, #tpu.memory_space<vmem>> -> memref<128xi32, #tpu.memory_space<vmem>>
      %dma_start3A_29 = arith.constant 0 : i32
      %dma_start3A_30 = arith.constant 0 : i32
      %dma_start3A_31 = tpu.memref_slice %arg2[%dma_start3A_29, %dma_start3A_30] : memref<10240x128xf32, #tpu.memory_space<hbm>> -> memref<10240x128xf32, #tpu.memory_space<hbm>>
      tpu.enqueue_indirect_dma source(%dma_start3A_31 : memref<10240x128xf32, #tpu.memory_space<hbm>>) target(%arg8 : memref<128x128xf32, #tpu.memory_space<vmem>>) offsets(%dma_start3A_28 : memref<128xi32, #tpu.memory_space<vmem>>) semaphore(%arg10 : memref<!tpu.dma_semaphore, #tpu.memory_space<semaphore_mem>>)
      %dma_wait3A = arith.constant 0 : i32
      %dma_wait3A_32 = tpu.memref_slice %arg6[%scan3A_25, %dma_wait3A] : memref<80x128xi32, #tpu.memory_space<vmem>> -> memref<1x128xi32, #tpu.memory_space<vmem>>
      %dma_wait3A_33 = tpu.memref_squeeze %dma_wait3A_32 : memref<1x128xi32, #tpu.memory_space<vmem>> -> memref<128xi32, #tpu.memory_space<vmem>>
      %dma_wait3A_34 = arith.constant 0 : i32
      %dma_wait3A_35 = arith.constant 0 : i32
      %dma_wait3A_36 = tpu.memref_slice %arg2[%dma_wait3A_34, %dma_wait3A_35] : memref<10240x128xf32, #tpu.memory_space<hbm>> -> memref<10240x128xf32, #tpu.memory_space<hbm>>
      tpu.wait_indirect_dma semaphore(%arg10 : memref<!tpu.dma_semaphore, #tpu.memory_space<semaphore_mem>>) src(%dma_wait3A_36 : memref<10240x128xf32, #tpu.memory_space<hbm>>) dst(%arg8 : memref<128x128xf32, #tpu.memory_space<vmem>>)
      "tpu.region"() ({
        %run_scoped3A = tpu.sem_alloc : memref<!tpu.dma_semaphore, #tpu.memory_space<semaphore_mem>>
        %dma_start3A_38 = arith.constant 0 : i32
        %dma_start3A_39 = tpu.memref_slice %arg7[%scan3A_25, %dma_start3A_38] : memref<80x128xi32, #tpu.memory_space<vmem>> -> memref<1x128xi32, #tpu.memory_space<vmem>>
        %dma_start3A_40 = tpu.memref_squeeze %dma_start3A_39 : memref<1x128xi32, #tpu.memory_space<vmem>> -> memref<128xi32, #tpu.memory_space<vmem>>
        %dma_start3A_41 = arith.constant 0 : i32
        %dma_start3A_42 = arith.constant 0 : i32
        %dma_start3A_43 = tpu.memref_slice %arg9[%dma_start3A_41, %dma_start3A_42] : memref<10240x128xf32, #tpu.memory_space<vmem_shared>> -> memref<10240x128xf32, #tpu.memory_space<vmem_shared>>
        tpu.enqueue_indirect_dma source(%arg8 : memref<128x128xf32, #tpu.memory_space<vmem>>) target(%dma_start3A_43 : memref<10240x128xf32, #tpu.memory_space<vmem_shared>>) offsets(%dma_start3A_40 : memref<128xi32, #tpu.memory_space<vmem>>) semaphore(%run_scoped3A : memref<!tpu.dma_semaphore, #tpu.memory_space<semaphore_mem>>) {add = true}
        %dma_wait3A_44 = arith.constant 0 : i32
        %dma_wait3A_45 = tpu.memref_slice %arg7[%scan3A_25, %dma_wait3A_44] : memref<80x128xi32, #tpu.memory_space<vmem>> -> memref<1x128xi32, #tpu.memory_space<vmem>>
        %dma_wait3A_46 = tpu.memref_squeeze %dma_wait3A_45 : memref<1x128xi32, #tpu.memory_space<vmem>> -> memref<128xi32, #tpu.memory_space<vmem>>
        %dma_wait3A_47 = arith.constant 0 : i32
        %dma_wait3A_48 = arith.constant 0 : i32
        %dma_wait3A_49 = tpu.memref_slice %arg9[%dma_wait3A_47, %dma_wait3A_48] : memref<10240x128xf32, #tpu.memory_space<vmem_shared>> -> memref<10240x128xf32, #tpu.memory_space<vmem_shared>>
        tpu.wait_indirect_dma semaphore(%run_scoped3A : memref<!tpu.dma_semaphore, #tpu.memory_space<semaphore_mem>>) src(%arg8 : memref<128x128xf32, #tpu.memory_space<vmem>>) dst(%dma_wait3A_49 : memref<10240x128xf32, #tpu.memory_space<vmem_shared>>)
        tpu.yield
      }) : () -> ()
      %scan3A_37 = arith.constant 0 : i32
      scf.yield %scan3A_37 : i32
    }
    %scan3A_23 = arith.constant 80 : i32
    %barrier3A_24 = arith.constant 0 : index
    tpu.barrier barrier_id(%barrier3A_24)
    "tpu.region"() ({
      %run_scoped3A = tpu.sem_alloc : memref<!tpu.dma_semaphore, #tpu.memory_space<semaphore_mem>>
      %dma_start3A = arith.constant 0 : i32
      %dma_start3A_25 = tpu.memref_slice %arg5[%arg0, %mul3A_9, %dma_start3A] : memref<2x10240x128xf32, #tpu.memory_space<hbm>> -> memref<1x640x128xf32, #tpu.memory_space<hbm>>
      %dma_start3A_26 = tpu.memref_squeeze %dma_start3A_25 : memref<1x640x128xf32, #tpu.memory_space<hbm>> -> memref<640x128xf32, #tpu.memory_space<hbm>>
      %dma_start3A_27 = arith.constant 0 : i32
      %dma_start3A_28 = tpu.memref_slice %arg9[%mul3A_9, %dma_start3A_27] : memref<10240x128xf32, #tpu.memory_space<vmem_shared>> -> memref<640x128xf32, #tpu.memory_space<vmem_shared>>
      tpu.enqueue_dma source(%dma_start3A_28 : memref<640x128xf32, #tpu.memory_space<vmem_shared>>) target(%dma_start3A_26 : memref<640x128xf32, #tpu.memory_space<hbm>>) target_semaphore(%run_scoped3A : memref<!tpu.dma_semaphore, #tpu.memory_space<semaphore_mem>>)
      %dma_wait3A = arith.constant 0 : i32
      %dma_wait3A_29 = tpu.memref_slice %arg5[%arg0, %mul3A_9, %dma_wait3A] : memref<2x10240x128xf32, #tpu.memory_space<hbm>> -> memref<1x640x128xf32, #tpu.memory_space<hbm>>
      %dma_wait3A_30 = tpu.memref_squeeze %dma_wait3A_29 : memref<1x640x128xf32, #tpu.memory_space<hbm>> -> memref<640x128xf32, #tpu.memory_space<hbm>>
      %dma_wait3A_31 = arith.constant 0 : i32
      %dma_wait3A_32 = tpu.memref_slice %arg9[%mul3A_9, %dma_wait3A_31] : memref<10240x128xf32, #tpu.memory_space<vmem_shared>> -> memref<640x128xf32, #tpu.memory_space<vmem_shared>>
      tpu.wait_dma2 semaphore(%run_scoped3A : memref<!tpu.dma_semaphore, #tpu.memory_space<semaphore_mem>>) src(%dma_wait3A_32 : memref<640x128xf32, #tpu.memory_space<vmem_shared>>) dst(%dma_wait3A_30 : memref<640x128xf32, #tpu.memory_space<hbm>>)
      tpu.yield
    }) : () -> ()
    return
  }
}

#map = affine_map<(d0, d1) -> (0, 0)>
#map1 = affine_map<(d0, d1) -> (0, 0, 0)>
module attributes {stable_mosaic.version = 14 : i64} {
  func.func @prop(%arg0: i32, %arg1: i32, %arg2: memref<10240x128xf32, #tpu.memory_space<hbm>>, %arg3: memref<32x80x128xi32, #tpu.memory_space<hbm>>, %arg4: memref<32x80x128xi32, #tpu.memory_space<hbm>>, %arg5: memref<2x10240x128xf32, #tpu.memory_space<hbm>>, %arg6: memref<80x128xi32, #tpu.memory_space<vmem>>, %arg7: memref<80x128xi32, #tpu.memory_space<vmem>>, %arg8: memref<128x128xf32, #tpu.memory_space<vmem>>, %arg9: memref<10240x128xf32, #tpu.memory_space<vmem_shared>>, %arg10: memref<!tpu.dma_semaphore, #tpu.memory_space<semaphore_mem>>) attributes {dimension_semantics = [#tpu.dimension_semantics<core_parallel>, #tpu.dimension_semantics<subcore_parallel>], iteration_bounds = array<i64: 2, 16>, scalar_prefetch = 0 : i64, scratch_operands = 5 : i64, tpu.core_type = #tpu.core_type<sc_vector_subcore>, window_params = [{transform_indices = #map}, {transform_indices = #map1}, {transform_indices = #map1}, {transform_indices = #map1}]} {
    %mul3A = arith.constant 16 : i32
    %mul3A_0 = arith.muli %arg0, %mul3A : i32
    %add3A = arith.addi %mul3A_0, %arg1 : i32
    %broadcast_in_dim3A = arith.constant 0.000000e+00 : f32
    %broadcast_in_dim3A_1 = vector.broadcast %broadcast_in_dim3A : f32 to vector<16xf32>
    %scan3A = arith.constant 0 : i32
    %scan3A_2 = arith.constant 0 : i32
    %scan3A_3 = arith.constant 128 : i32
    %scan3A_4 = arith.addi %scan3A_2, %scan3A_3 : i32
    %scan3A_5 = arith.constant 1 : i32
    %scan3A_6 = scf.for %scan3A_25 = %scan3A_2 to %scan3A_4 step %scan3A_5 iter_args(%scan3A_26 = %scan3A) -> (i32)  : i32 {
      %swap3A = arith.index_cast %scan3A_25 : i32 to index
      %swap3A_27 = arith.constant 0 : index
      %swap3A_28 = tpu.vector_load %arg8[%swap3A, %swap3A_27] {strides = array<i32>} : memref<128x128xf32, #tpu.memory_space<vmem>>, vector<1x16xf32>,
      %swap3A_29 = vector.shape_cast %swap3A_28 : vector<1x16xf32> to vector<16xf32>
      %swap3A_30 = vector.shape_cast %broadcast_in_dim3A_1 : vector<16xf32> to vector<1x16xf32>
      tpu.vector_store %arg8[%swap3A, %swap3A_27], %swap3A_30 {strides = array<i32>} : memref<128x128xf32, #tpu.memory_space<vmem>>, vector<1x16xf32>,
      %swap3A_31 = arith.index_cast %scan3A_25 : i32 to index
      %swap3A_32 = arith.constant 16 : index
      %swap3A_33 = tpu.vector_load %arg8[%swap3A_31, %swap3A_32] {strides = array<i32>} : memref<128x128xf32, #tpu.memory_space<vmem>>, vector<1x16xf32>,
      %swap3A_34 = vector.shape_cast %swap3A_33 : vector<1x16xf32> to vector<16xf32>
      %swap3A_35 = vector.shape_cast %broadcast_in_dim3A_1 : vector<16xf32> to vector<1x16xf32>
      tpu.vector_store %arg8[%swap3A_31, %swap3A_32], %swap3A_35 {strides = array<i32>} : memref<128x128xf32, #tpu.memory_space<vmem>>, vector<1x16xf32>,
      %swap3A_36 = arith.index_cast %scan3A_25 : i32 to index
      %swap3A_37 = arith.constant 32 : index
      %swap3A_38 = tpu.vector_load %arg8[%swap3A_36, %swap3A_37] {strides = array<i32>} : memref<128x128xf32, #tpu.memory_space<vmem>>, vector<1x16xf32>,
      %swap3A_39 = vector.shape_cast %swap3A_38 : vector<1x16xf32> to vector<16xf32>
      %swap3A_40 = vector.shape_cast %broadcast_in_dim3A_1 : vector<16xf32> to vector<1x16xf32>
      tpu.vector_store %arg8[%swap3A_36, %swap3A_37], %swap3A_40 {strides = array<i32>} : memref<128x128xf32, #tpu.memory_space<vmem>>, vector<1x16xf32>,
      %swap3A_41 = arith.index_cast %scan3A_25 : i32 to index
      %swap3A_42 = arith.constant 48 : index
      %swap3A_43 = tpu.vector_load %arg8[%swap3A_41, %swap3A_42] {strides = array<i32>} : memref<128x128xf32, #tpu.memory_space<vmem>>, vector<1x16xf32>,
      %swap3A_44 = vector.shape_cast %swap3A_43 : vector<1x16xf32> to vector<16xf32>
      %swap3A_45 = vector.shape_cast %broadcast_in_dim3A_1 : vector<16xf32> to vector<1x16xf32>
      tpu.vector_store %arg8[%swap3A_41, %swap3A_42], %swap3A_45 {strides = array<i32>} : memref<128x128xf32, #tpu.memory_space<vmem>>, vector<1x16xf32>,
      %swap3A_46 = arith.index_cast %scan3A_25 : i32 to index
      %swap3A_47 = arith.constant 64 : index
      %swap3A_48 = tpu.vector_load %arg8[%swap3A_46, %swap3A_47] {strides = array<i32>} : memref<128x128xf32, #tpu.memory_space<vmem>>, vector<1x16xf32>,
      %swap3A_49 = vector.shape_cast %swap3A_48 : vector<1x16xf32> to vector<16xf32>
      %swap3A_50 = vector.shape_cast %broadcast_in_dim3A_1 : vector<16xf32> to vector<1x16xf32>
      tpu.vector_store %arg8[%swap3A_46, %swap3A_47], %swap3A_50 {strides = array<i32>} : memref<128x128xf32, #tpu.memory_space<vmem>>, vector<1x16xf32>,
      %swap3A_51 = arith.index_cast %scan3A_25 : i32 to index
      %swap3A_52 = arith.constant 80 : index
      %swap3A_53 = tpu.vector_load %arg8[%swap3A_51, %swap3A_52] {strides = array<i32>} : memref<128x128xf32, #tpu.memory_space<vmem>>, vector<1x16xf32>,
      %swap3A_54 = vector.shape_cast %swap3A_53 : vector<1x16xf32> to vector<16xf32>
      %swap3A_55 = vector.shape_cast %broadcast_in_dim3A_1 : vector<16xf32> to vector<1x16xf32>
      tpu.vector_store %arg8[%swap3A_51, %swap3A_52], %swap3A_55 {strides = array<i32>} : memref<128x128xf32, #tpu.memory_space<vmem>>, vector<1x16xf32>,
      %swap3A_56 = arith.index_cast %scan3A_25 : i32 to index
      %swap3A_57 = arith.constant 96 : index
      %swap3A_58 = tpu.vector_load %arg8[%swap3A_56, %swap3A_57] {strides = array<i32>} : memref<128x128xf32, #tpu.memory_space<vmem>>, vector<1x16xf32>,
      %swap3A_59 = vector.shape_cast %swap3A_58 : vector<1x16xf32> to vector<16xf32>
      %swap3A_60 = vector.shape_cast %broadcast_in_dim3A_1 : vector<16xf32> to vector<1x16xf32>
      tpu.vector_store %arg8[%swap3A_56, %swap3A_57], %swap3A_60 {strides = array<i32>} : memref<128x128xf32, #tpu.memory_space<vmem>>, vector<1x16xf32>,
      %swap3A_61 = arith.index_cast %scan3A_25 : i32 to index
      %swap3A_62 = arith.constant 112 : index
      %swap3A_63 = tpu.vector_load %arg8[%swap3A_61, %swap3A_62] {strides = array<i32>} : memref<128x128xf32, #tpu.memory_space<vmem>>, vector<1x16xf32>,
      %swap3A_64 = vector.shape_cast %swap3A_63 : vector<1x16xf32> to vector<16xf32>
      %swap3A_65 = vector.shape_cast %broadcast_in_dim3A_1 : vector<16xf32> to vector<1x16xf32>
      tpu.vector_store %arg8[%swap3A_61, %swap3A_62], %swap3A_65 {strides = array<i32>} : memref<128x128xf32, #tpu.memory_space<vmem>>, vector<1x16xf32>,
      %scan3A_66 = arith.constant 0 : i32
      scf.yield %scan3A_66 : i32
    }
    %scan3A_7 = arith.constant 128 : i32
    %mul3A_8 = arith.constant 640 : i32
    %mul3A_9 = arith.muli %arg1, %mul3A_8 : i32
    %scan3A_10 = arith.constant 0 : i32
    %scan3A_11 = arith.constant 0 : i32
    %scan3A_12 = arith.constant 5 : i32
    %scan3A_13 = arith.addi %scan3A_11, %scan3A_12 : i32
    %scan3A_14 = arith.constant 1 : i32
    %scan3A_15 = scf.for %scan3A_25 = %scan3A_11 to %scan3A_13 step %scan3A_14 iter_args(%scan3A_26 = %scan3A_10) -> (i32)  : i32 {
      %mul3A_27 = arith.constant 128 : i32
      %mul3A_28 = arith.muli %scan3A_25, %mul3A_27 : i32
      %add3A_29 = arith.addi %mul3A_9, %mul3A_28 : i32
      "tpu.region"() ({
        %run_scoped3A = tpu.sem_alloc : memref<!tpu.dma_semaphore, #tpu.memory_space<semaphore_mem>>
        %dma_start3A = arith.constant 0 : i32
        %dma_start3A_31 = tpu.memref_slice %arg9[%add3A_29, %dma_start3A] : memref<10240x128xf32, #tpu.memory_space<vmem_shared>> -> memref<128x128xf32, #tpu.memory_space<vmem_shared>>
        %dma_start3A_32 = arith.constant 0 : i32
        %dma_start3A_33 = tpu.memref_slice %arg9[%add3A_29, %dma_start3A_32] : memref<10240x128xf32, #tpu.memory_space<vmem_shared>> -> memref<128x128xf32, #tpu.memory_space<vmem_shared>>
        tpu.enqueue_dma source(%arg8 : memref<128x128xf32, #tpu.memory_space<vmem>>) target(%dma_start3A_33 : memref<128x128xf32, #tpu.memory_space<vmem_shared>>) target_semaphore(%run_scoped3A : memref<!tpu.dma_semaphore, #tpu.memory_space<semaphore_mem>>)
        %dma_wait3A = arith.constant 0 : i32
        %dma_wait3A_34 = tpu.memref_slice %arg9[%add3A_29, %dma_wait3A] : memref<10240x128xf32, #tpu.memory_space<vmem_shared>> -> memref<128x128xf32, #tpu.memory_space<vmem_shared>>
        %dma_wait3A_35 = arith.constant 0 : i32
        %dma_wait3A_36 = tpu.memref_slice %arg9[%add3A_29, %dma_wait3A_35] : memref<10240x128xf32, #tpu.memory_space<vmem_shared>> -> memref<128x128xf32, #tpu.memory_space<vmem_shared>>
        tpu.wait_dma2 semaphore(%run_scoped3A : memref<!tpu.dma_semaphore, #tpu.memory_space<semaphore_mem>>) src(%arg8 : memref<128x128xf32, #tpu.memory_space<vmem>>) dst(%dma_wait3A_36 : memref<128x128xf32, #tpu.memory_space<vmem_shared>>)
        tpu.yield
      }) : () -> ()
      %scan3A_30 = arith.constant 0 : i32
      scf.yield %scan3A_30 : i32
    }
    %scan3A_16 = arith.constant 5 : i32
    "tpu.region"() ({
      %run_scoped3A = tpu.sem_alloc : memref<!tpu.dma_semaphore, #tpu.memory_space<semaphore_mem>>
      %dma_start3A = arith.constant 0 : i32
      %dma_start3A_25 = arith.constant 0 : i32
      %dma_start3A_26 = tpu.memref_slice %arg3[%add3A, %dma_start3A, %dma_start3A_25] : memref<32x80x128xi32, #tpu.memory_space<hbm>> -> memref<1x80x128xi32, #tpu.memory_space<hbm>>
      %dma_start3A_27 = tpu.memref_squeeze %dma_start3A_26 : memref<1x80x128xi32, #tpu.memory_space<hbm>> -> memref<80x128xi32, #tpu.memory_space<hbm>>
      %dma_start3A_28 = arith.constant 0 : i32
      %dma_start3A_29 = arith.constant 0 : i32
      %dma_start3A_30 = tpu.memref_slice %arg3[%add3A, %dma_start3A_28, %dma_start3A_29] : memref<32x80x128xi32, #tpu.memory_space<hbm>> -> memref<1x80x128xi32, #tpu.memory_space<hbm>>
      %dma_start3A_31 = tpu.memref_squeeze %dma_start3A_30 : memref<1x80x128xi32, #tpu.memory_space<hbm>> -> memref<80x128xi32, #tpu.memory_space<hbm>>
      tpu.enqueue_dma source(%dma_start3A_31 : memref<80x128xi32, #tpu.memory_space<hbm>>) target(%arg6 : memref<80x128xi32, #tpu.memory_space<vmem>>) target_semaphore(%run_scoped3A : memref<!tpu.dma_semaphore, #tpu.memory_space<semaphore_mem>>)
      %dma_wait3A = arith.constant 0 : i32
      %dma_wait3A_32 = arith.constant 0 : i32
      %dma_wait3A_33 = tpu.memref_slice %arg3[%add3A, %dma_wait3A, %dma_wait3A_32] : memref<32x80x128xi32, #tpu.memory_space<hbm>> -> memref<1x80x128xi32, #tpu.memory_space<hbm>>
      %dma_wait3A_34 = tpu.memref_squeeze %dma_wait3A_33 : memref<1x80x128xi32, #tpu.memory_space<hbm>> -> memref<80x128xi32, #tpu.memory_space<hbm>>
      %dma_wait3A_35 = arith.constant 0 : i32
      %dma_wait3A_36 = arith.constant 0 : i32
      %dma_wait3A_37 = tpu.memref_slice %arg3[%add3A, %dma_wait3A_35, %dma_wait3A_36] : memref<32x80x128xi32, #tpu.memory_space<hbm>> -> memref<1x80x128xi32, #tpu.memory_space<hbm>>
      %dma_wait3A_38 = tpu.memref_squeeze %dma_wait3A_37 : memref<1x80x128xi32, #tpu.memory_space<hbm>> -> memref<80x128xi32, #tpu.memory_space<hbm>>
      tpu.wait_dma2 semaphore(%run_scoped3A : memref<!tpu.dma_semaphore, #tpu.memory_space<semaphore_mem>>) src(%dma_wait3A_38 : memref<80x128xi32, #tpu.memory_space<hbm>>) dst(%arg6 : memref<80x128xi32, #tpu.memory_space<vmem>>)
      tpu.yield
    }) : () -> ()
    "tpu.region"() ({
      %run_scoped3A = tpu.sem_alloc : memref<!tpu.dma_semaphore, #tpu.memory_space<semaphore_mem>>
      %dma_start3A = arith.constant 0 : i32
      %dma_start3A_25 = arith.constant 0 : i32
      %dma_start3A_26 = tpu.memref_slice %arg4[%add3A, %dma_start3A, %dma_start3A_25] : memref<32x80x128xi32, #tpu.memory_space<hbm>> -> memref<1x80x128xi32, #tpu.memory_space<hbm>>
      %dma_start3A_27 = tpu.memref_squeeze %dma_start3A_26 : memref<1x80x128xi32, #tpu.memory_space<hbm>> -> memref<80x128xi32, #tpu.memory_space<hbm>>
      %dma_start3A_28 = arith.constant 0 : i32
      %dma_start3A_29 = arith.constant 0 : i32
      %dma_start3A_30 = tpu.memref_slice %arg4[%add3A, %dma_start3A_28, %dma_start3A_29] : memref<32x80x128xi32, #tpu.memory_space<hbm>> -> memref<1x80x128xi32, #tpu.memory_space<hbm>>
      %dma_start3A_31 = tpu.memref_squeeze %dma_start3A_30 : memref<1x80x128xi32, #tpu.memory_space<hbm>> -> memref<80x128xi32, #tpu.memory_space<hbm>>
      tpu.enqueue_dma source(%dma_start3A_31 : memref<80x128xi32, #tpu.memory_space<hbm>>) target(%arg7 : memref<80x128xi32, #tpu.memory_space<vmem>>) target_semaphore(%run_scoped3A : memref<!tpu.dma_semaphore, #tpu.memory_space<semaphore_mem>>)
      %dma_wait3A = arith.constant 0 : i32
      %dma_wait3A_32 = arith.constant 0 : i32
      %dma_wait3A_33 = tpu.memref_slice %arg4[%add3A, %dma_wait3A, %dma_wait3A_32] : memref<32x80x128xi32, #tpu.memory_space<hbm>> -> memref<1x80x128xi32, #tpu.memory_space<hbm>>
      %dma_wait3A_34 = tpu.memref_squeeze %dma_wait3A_33 : memref<1x80x128xi32, #tpu.memory_space<hbm>> -> memref<80x128xi32, #tpu.memory_space<hbm>>
      %dma_wait3A_35 = arith.constant 0 : i32
      %dma_wait3A_36 = arith.constant 0 : i32
      %dma_wait3A_37 = tpu.memref_slice %arg4[%add3A, %dma_wait3A_35, %dma_wait3A_36] : memref<32x80x128xi32, #tpu.memory_space<hbm>> -> memref<1x80x128xi32, #tpu.memory_space<hbm>>
      %dma_wait3A_38 = tpu.memref_squeeze %dma_wait3A_37 : memref<1x80x128xi32, #tpu.memory_space<hbm>> -> memref<80x128xi32, #tpu.memory_space<hbm>>
      tpu.wait_dma2 semaphore(%run_scoped3A : memref<!tpu.dma_semaphore, #tpu.memory_space<semaphore_mem>>) src(%dma_wait3A_38 : memref<80x128xi32, #tpu.memory_space<hbm>>) dst(%arg7 : memref<80x128xi32, #tpu.memory_space<vmem>>)
      tpu.yield
    }) : () -> ()
    %barrier3A = arith.constant 0 : index
    tpu.barrier barrier_id(%barrier3A)
    %scan3A_17 = arith.constant 0 : i32
    %scan3A_18 = arith.constant 0 : i32
    %scan3A_19 = arith.constant 80 : i32
    %scan3A_20 = arith.addi %scan3A_18, %scan3A_19 : i32
    %scan3A_21 = arith.constant 1 : i32
    %scan3A_22 = scf.for %scan3A_25 = %scan3A_18 to %scan3A_20 step %scan3A_21 iter_args(%scan3A_26 = %scan3A_17) -> (i32)  : i32 {
      %dma_start3A = arith.constant 0 : i32
      %dma_start3A_27 = tpu.memref_slice %arg6[%scan3A_25, %dma_start3A] : memref<80x128xi32, #tpu.memory_space<vmem>> -> memref<1x128xi32, #tpu.memory_space<vmem>>
      %dma_start3A_28 = tpu.memref_squeeze %dma_start3A_27 : memref<1x128xi32, #tpu.memory_space<vmem>> -> memref<128xi32, #tpu.memory_space<vmem>>
      %dma_start3A_29 = arith.constant 0 : i32
      %dma_start3A_30 = arith.constant 0 : i32
      %dma_start3A_31 = tpu.memref_slice %arg2[%dma_start3A_29, %dma_start3A_30] : memref<10240x128xf32, #tpu.memory_space<hbm>> -> memref<10240x128xf32, #tpu.memory_space<hbm>>
      tpu.enqueue_indirect_dma source(%dma_start3A_31 : memref<10240x128xf32, #tpu.memory_space<hbm>>) target(%arg8 : memref<128x128xf32, #tpu.memory_space<vmem>>) offsets(%dma_start3A_28 : memref<128xi32, #tpu.memory_space<vmem>>) semaphore(%arg10 : memref<!tpu.dma_semaphore, #tpu.memory_space<semaphore_mem>>)
      %dma_wait3A = arith.constant 0 : i32
      %dma_wait3A_32 = tpu.memref_slice %arg6[%scan3A_25, %dma_wait3A] : memref<80x128xi32, #tpu.memory_space<vmem>> -> memref<1x128xi32, #tpu.memory_space<vmem>>
      %dma_wait3A_33 = tpu.memref_squeeze %dma_wait3A_32 : memref<1x128xi32, #tpu.memory_space<vmem>> -> memref<128xi32, #tpu.memory_space<vmem>>
      %dma_wait3A_34 = arith.constant 0 : i32
      %dma_wait3A_35 = arith.constant 0 : i32
      %dma_wait3A_36 = tpu.memref_slice %arg2[%dma_wait3A_34, %dma_wait3A_35] : memref<10240x128xf32, #tpu.memory_space<hbm>> -> memref<10240x128xf32, #tpu.memory_space<hbm>>
      tpu.wait_indirect_dma semaphore(%arg10 : memref<!tpu.dma_semaphore, #tpu.memory_space<semaphore_mem>>) src(%dma_wait3A_36 : memref<10240x128xf32, #tpu.memory_space<hbm>>) dst(%arg8 : memref<128x128xf32, #tpu.memory_space<vmem>>)
      "tpu.region"() ({
        %run_scoped3A = tpu.sem_alloc : memref<!tpu.dma_semaphore, #tpu.memory_space<semaphore_mem>>
        %dma_start3A_38 = arith.constant 0 : i32
        %dma_start3A_39 = tpu.memref_slice %arg7[%scan3A_25, %dma_start3A_38] : memref<80x128xi32, #tpu.memory_space<vmem>> -> memref<1x128xi32, #tpu.memory_space<vmem>>
        %dma_start3A_40 = tpu.memref_squeeze %dma_start3A_39 : memref<1x128xi32, #tpu.memory_space<vmem>> -> memref<128xi32, #tpu.memory_space<vmem>>
        %dma_start3A_41 = arith.constant 0 : i32
        %dma_start3A_42 = arith.constant 0 : i32
        %dma_start3A_43 = tpu.memref_slice %arg9[%dma_start3A_41, %dma_start3A_42] : memref<10240x128xf32, #tpu.memory_space<vmem_shared>> -> memref<10240x128xf32, #tpu.memory_space<vmem_shared>>
        tpu.enqueue_indirect_dma source(%arg8 : memref<128x128xf32, #tpu.memory_space<vmem>>) target(%dma_start3A_43 : memref<10240x128xf32, #tpu.memory_space<vmem_shared>>) offsets(%dma_start3A_40 : memref<128xi32, #tpu.memory_space<vmem>>) semaphore(%run_scoped3A : memref<!tpu.dma_semaphore, #tpu.memory_space<semaphore_mem>>) {add = true}
        %dma_wait3A_44 = arith.constant 0 : i32
        %dma_wait3A_45 = tpu.memref_slice %arg7[%scan3A_25, %dma_wait3A_44] : memref<80x128xi32, #tpu.memory_space<vmem>> -> memref<1x128xi32, #tpu.memory_space<vmem>>
        %dma_wait3A_46 = tpu.memref_squeeze %dma_wait3A_45 : memref<1x128xi32, #tpu.memory_space<vmem>> -> memref<128xi32, #tpu.memory_space<vmem>>
        %dma_wait3A_47 = arith.constant 0 : i32
        %dma_wait3A_48 = arith.constant 0 : i32
        %dma_wait3A_49 = tpu.memref_slice %arg9[%dma_wait3A_47, %dma_wait3A_48] : memref<10240x128xf32, #tpu.memory_space<vmem_shared>> -> memref<10240x128xf32, #tpu.memory_space<vmem_shared>>
        tpu.wait_indirect_dma semaphore(%run_scoped3A : memref<!tpu.dma_semaphore, #tpu.memory_space<semaphore_mem>>) src(%arg8 : memref<128x128xf32, #tpu.memory_space<vmem>>) dst(%dma_wait3A_49 : memref<10240x128xf32, #tpu.memory_space<vmem_shared>>)
        tpu.yield
      }) : () -> ()
      %scan3A_37 = arith.constant 0 : i32
      scf.yield %scan3A_37 : i32
    }
    %scan3A_23 = arith.constant 80 : i32
    %barrier3A_24 = arith.constant 0 : index
    tpu.barrier barrier_id(%barrier3A_24)
    "tpu.region"() ({
      %run_scoped3A = tpu.sem_alloc : memref<!tpu.dma_semaphore, #tpu.memory_space<semaphore_mem>>
      %dma_start3A = arith.constant 0 : i32
      %dma_start3A_25 = tpu.memref_slice %arg5[%arg0, %mul3A_9, %dma_start3A] : memref<2x10240x128xf32, #tpu.memory_space<hbm>> -> memref<1x640x128xf32, #tpu.memory_space<hbm>>
      %dma_start3A_26 = tpu.memref_squeeze %dma_start3A_25 : memref<1x640x128xf32, #tpu.memory_space<hbm>> -> memref<640x128xf32, #tpu.memory_space<hbm>>
      %dma_start3A_27 = arith.constant 0 : i32
      %dma_start3A_28 = tpu.memref_slice %arg9[%mul3A_9, %dma_start3A_27] : memref<10240x128xf32, #tpu.memory_space<vmem_shared>> -> memref<640x128xf32, #tpu.memory_space<vmem_shared>>
      tpu.enqueue_dma source(%dma_start3A_28 : memref<640x128xf32, #tpu.memory_space<vmem_shared>>) target(%dma_start3A_26 : memref<640x128xf32, #tpu.memory_space<hbm>>) target_semaphore(%run_scoped3A : memref<!tpu.dma_semaphore, #tpu.memory_space<semaphore_mem>>)
      %dma_wait3A = arith.constant 0 : i32
      %dma_wait3A_29 = tpu.memref_slice %arg5[%arg0, %mul3A_9, %dma_wait3A] : memref<2x10240x128xf32, #tpu.memory_space<hbm>> -> memref<1x640x128xf32, #tpu.memory_space<hbm>>
      %dma_wait3A_30 = tpu.memref_squeeze %dma_wait3A_29 : memref<1x640x128xf32, #tpu.memory_space<hbm>> -> memref<640x128xf32, #tpu.memory_space<hbm>>
      %dma_wait3A_31 = arith.constant 0 : i32
      %dma_wait3A_32 = tpu.memref_slice %arg9[%mul3A_9, %dma_wait3A_31] : memref<10240x128xf32, #tpu.memory_space<vmem_shared>> -> memref<640x128xf32, #tpu.memory_space<vmem_shared>>
      tpu.wait_dma2 semaphore(%run_scoped3A : memref<!tpu.dma_semaphore, #tpu.memory_space<semaphore_mem>>) src(%dma_wait3A_32 : memref<640x128xf32, #tpu.memory_space<vmem_shared>>) dst(%dma_wait3A_30 : memref<640x128xf32, #tpu.memory_space<hbm>>)
      tpu.yield
    }) : () -> ()
    return
  }
}

module attributes {stable_mosaic.version = 14 : i64} {
  func.func @_k1_body(%arg0: i32, %arg1: memref<1024x128xf32, #tpu.memory_space<vmem>>, %arg2: memref<128x128xf32, #tpu.memory_space<vmem>>, %arg3: memref<1024x16xf32, #tpu.memory_space<vmem>>, %arg4: memref<1024x16xf32, #tpu.memory_space<vmem>>, %arg5: memref<1024x128xf32, #tpu.memory_space<vmem>>) attributes {dimension_semantics = [#tpu.dimension_semantics<arbitrary>], iteration_bounds = array<i64: 10>, scalar_prefetch = 0 : i64, scratch_operands = 0 : i64, tpu.core_type = #tpu.core_type<tc>, window_params = [{transform_indices = @transform_0, window_bounds = array<i64: 1024, 128>}, {pipeline_mode = #tpu.pipeline_mode<synchronous>, transform_indices = @transform_1, window_bounds = array<i64: 128, 128>}, {transform_indices = @transform_2, window_bounds = array<i64: 1024, 16>}, {transform_indices = @transform_3, window_bounds = array<i64: 1024, 16>}, {transform_indices = @transform_4, window_bounds = array<i64: 1024, 128>}]} {
    %get3A = arith.constant 0 : index
    %get3A_0 = arith.constant 0 : index
    %get3A_1 = vector.load %arg3[%get3A, %get3A_0] : memref<1024x16xf32, #tpu.memory_space<vmem>>, vector<1024x1xf32>
    %get3A_2 = arith.constant 0 : index
    %get3A_3 = arith.constant 0 : index
    %get3A_4 = vector.load %arg4[%get3A_2, %get3A_3] : memref<1024x16xf32, #tpu.memory_space<vmem>>, vector<1024x1xf32>
    %add3A = arith.addf %get3A_1, %get3A_4 : vector<1024x1xf32>
    %add3A_5 = arith.constant 1.000000e+00 : f32
    %add3A_6 = vector.broadcast %add3A_5 : f32 to vector<1024x1xf32>
    %add3A_7 = arith.addf %add3A, %add3A_6 : vector<1024x1xf32>
    %rsqrt3A = math.rsqrt %add3A_7 : vector<1024x1xf32>
    %get3A_8 = arith.constant 0 : index
    %get3A_9 = arith.constant 0 : index
    %get3A_10 = vector.load %arg1[%get3A_8, %get3A_9] : memref<1024x128xf32, #tpu.memory_space<vmem>>, vector<1024x128xf32>
    %get3A_11 = arith.constant 0 : index
    %get3A_12 = arith.constant 0 : index
    %get3A_13 = vector.load %arg2[%get3A_11, %get3A_12] : memref<128x128xf32, #tpu.memory_space<vmem>>, vector<128x128xf32>
    %dot_general3A = arith.constant dense<0.000000e+00> : vector<1024x128xf32>
    %dot_general3A_14 = tpu.matmul %get3A_10, %get3A_13, %dot_general3A {dimension_numbers = #tpu.dot_dimension_numbers<[1], [0], [0], [1], [0, 0, 1, 1], [], []>, transpose_lhs_hint = false} : vector<1024x128xf32>, vector<128x128xf32>, vector<1024x128xf32> -> vector<1024x128xf32>
    %mul3A = vector.broadcast %rsqrt3A : vector<1024x1xf32> to vector<1024x128xf32>
    %mul3A_15 = arith.mulf %mul3A, %dot_general3A_14 : vector<1024x128xf32>
    %swap3A = arith.constant 0 : index
    %swap3A_16 = arith.constant 0 : index
    %swap3A_17 = vector.load %arg5[%swap3A, %swap3A_16] : memref<1024x128xf32, #tpu.memory_space<vmem>>, vector<1024x128xf32>
    tpu.vector_store %arg5[%swap3A, %swap3A_16], %mul3A_15 {strides = array<i32>} : memref<1024x128xf32, #tpu.memory_space<vmem>>, vector<1024x128xf32>,
    return
  }
  func.func @transform_0(%arg0: i32) -> (i32, i32) {
    %c0_i32 = arith.constant 0 : i32
    %c0_i32_0 = arith.constant 0 : i32
    return %arg0, %c0_i32 : i32, i32
  }
  func.func @transform_1(%arg0: i32) -> (i32, i32) {
    %c0_i32 = arith.constant 0 : i32
    %c0_i32_0 = arith.constant 0 : i32
    %c0_i32_1 = arith.constant 0 : i32
    return %c0_i32, %c0_i32_0 : i32, i32
  }
  func.func @transform_2(%arg0: i32) -> (i32, i32) {
    %c0_i32 = arith.constant 0 : i32
    %c0_i32_0 = arith.constant 0 : i32
    return %arg0, %c0_i32 : i32, i32
  }
  func.func @transform_3(%arg0: i32) -> (i32, i32) {
    %c0_i32 = arith.constant 0 : i32
    %c0_i32_0 = arith.constant 0 : i32
    return %arg0, %c0_i32 : i32, i32
  }
  func.func @transform_4(%arg0: i32) -> (i32, i32) {
    %c0_i32 = arith.constant 0 : i32
    %c0_i32_0 = arith.constant 0 : i32
    return %arg0, %c0_i32 : i32, i32
  }
}

module attributes {stable_mosaic.version = 14 : i64} {
  func.func @_k2_body(%arg0: i32, %arg1: memref<1024x128xf32, #tpu.memory_space<vmem>>, %arg2: memref<1024x128xf32, #tpu.memory_space<vmem>>, %arg3: memref<1024x128xf32, #tpu.memory_space<vmem>>, %arg4: memref<128x128xf32, #tpu.memory_space<vmem>>, %arg5: memref<1x128xf32, #tpu.memory_space<vmem>>, %arg6: memref<1024x16xf32, #tpu.memory_space<vmem>>, %arg7: memref<1024x16xf32, #tpu.memory_space<vmem>>, %arg8: memref<1024x128xf32, #tpu.memory_space<vmem>>) attributes {dimension_semantics = [#tpu.dimension_semantics<arbitrary>], iteration_bounds = array<i64: 10>, scalar_prefetch = 0 : i64, scratch_operands = 0 : i64, tpu.core_type = #tpu.core_type<tc>, window_params = [{transform_indices = @transform_0, window_bounds = array<i64: 1024, 128>}, {transform_indices = @transform_1, window_bounds = array<i64: 1024, 128>}, {transform_indices = @transform_2, window_bounds = array<i64: 1024, 128>}, {pipeline_mode = #tpu.pipeline_mode<synchronous>, transform_indices = @transform_3, window_bounds = array<i64: 128, 128>}, {pipeline_mode = #tpu.pipeline_mode<synchronous>, transform_indices = @transform_4, window_bounds = array<i64: 1, 128>}, {transform_indices = @transform_5, window_bounds = array<i64: 1024, 16>}, {transform_indices = @transform_6, window_bounds = array<i64: 1024, 16>}, {transform_indices = @transform_7, window_bounds = array<i64: 1024, 128>}]} {
    %get3A = arith.constant 0 : index
    %get3A_0 = arith.constant 0 : index
    %get3A_1 = vector.load %arg6[%get3A, %get3A_0] : memref<1024x16xf32, #tpu.memory_space<vmem>>, vector<1024x1xf32>
    %get3A_2 = arith.constant 0 : index
    %get3A_3 = arith.constant 0 : index
    %get3A_4 = vector.load %arg7[%get3A_2, %get3A_3] : memref<1024x16xf32, #tpu.memory_space<vmem>>, vector<1024x1xf32>
    %add3A = arith.addf %get3A_1, %get3A_4 : vector<1024x1xf32>
    %add3A_5 = arith.constant 1.000000e+00 : f32
    %add3A_6 = vector.broadcast %add3A_5 : f32 to vector<1024x1xf32>
    %add3A_7 = arith.addf %add3A, %add3A_6 : vector<1024x1xf32>
    %rsqrt3A = math.rsqrt %add3A_7 : vector<1024x1xf32>
    %get3A_8 = arith.constant 0 : index
    %get3A_9 = arith.constant 0 : index
    %get3A_10 = vector.load %arg1[%get3A_8, %get3A_9] : memref<1024x128xf32, #tpu.memory_space<vmem>>, vector<1024x128xf32>
    %get3A_11 = arith.constant 0 : index
    %get3A_12 = arith.constant 0 : index
    %get3A_13 = vector.load %arg2[%get3A_11, %get3A_12] : memref<1024x128xf32, #tpu.memory_space<vmem>>, vector<1024x128xf32>
    %add3A_14 = arith.addf %get3A_10, %get3A_13 : vector<1024x128xf32>
    %get3A_15 = arith.constant 0 : index
    %get3A_16 = arith.constant 0 : index
    %get3A_17 = vector.load %arg3[%get3A_15, %get3A_16] : memref<1024x128xf32, #tpu.memory_space<vmem>>, vector<1024x128xf32>
    %add3A_18 = arith.addf %add3A_14, %get3A_17 : vector<1024x128xf32>
    %mul3A = vector.broadcast %rsqrt3A : vector<1024x1xf32> to vector<1024x128xf32>
    %mul3A_19 = arith.mulf %mul3A, %add3A_18 : vector<1024x128xf32>
    %get3A_20 = arith.constant 0 : index
    %get3A_21 = arith.constant 0 : index
    %get3A_22 = vector.load %arg5[%get3A_20, %get3A_21] : memref<1x128xf32, #tpu.memory_space<vmem>>, vector<1x128xf32>
    %add3A_23 = vector.broadcast %get3A_22 : vector<1x128xf32> to vector<1024x128xf32>
    %add3A_24 = arith.addf %mul3A_19, %add3A_23 : vector<1024x128xf32>
    %max3A = arith.constant 0.000000e+00 : f32
    %max3A_25 = vector.broadcast %max3A : f32 to vector<1024x128xf32>
    %max3A_26 = arith.maximumf %add3A_24, %max3A_25 : vector<1024x128xf32>
    %get3A_27 = arith.constant 0 : index
    %get3A_28 = arith.constant 0 : index
    %get3A_29 = vector.load %arg4[%get3A_27, %get3A_28] : memref<128x128xf32, #tpu.memory_space<vmem>>, vector<128x128xf32>
    %dot_general3A = arith.constant dense<0.000000e+00> : vector<1024x128xf32>
    %dot_general3A_30 = tpu.matmul %max3A_26, %get3A_29, %dot_general3A {dimension_numbers = #tpu.dot_dimension_numbers<[1], [0], [0], [1], [0, 0, 1, 1], [], []>, transpose_lhs_hint = false} : vector<1024x128xf32>, vector<128x128xf32>, vector<1024x128xf32> -> vector<1024x128xf32>
    %mul3A_31 = vector.broadcast %rsqrt3A : vector<1024x1xf32> to vector<1024x128xf32>
    %mul3A_32 = arith.mulf %mul3A_31, %dot_general3A_30 : vector<1024x128xf32>
    %swap3A = arith.constant 0 : index
    %swap3A_33 = arith.constant 0 : index
    %swap3A_34 = vector.load %arg8[%swap3A, %swap3A_33] : memref<1024x128xf32, #tpu.memory_space<vmem>>, vector<1024x128xf32>
    tpu.vector_store %arg8[%swap3A, %swap3A_33], %mul3A_32 {strides = array<i32>} : memref<1024x128xf32, #tpu.memory_space<vmem>>, vector<1024x128xf32>,
    return
  }
  func.func @transform_0(%arg0: i32) -> (i32, i32) {
    %c0_i32 = arith.constant 0 : i32
    %c0_i32_0 = arith.constant 0 : i32
    return %arg0, %c0_i32 : i32, i32
  }
  func.func @transform_1(%arg0: i32) -> (i32, i32) {
    %c0_i32 = arith.constant 0 : i32
    %c0_i32_0 = arith.constant 0 : i32
    return %arg0, %c0_i32 : i32, i32
  }
  func.func @transform_2(%arg0: i32) -> (i32, i32) {
    %c0_i32 = arith.constant 0 : i32
    %c0_i32_0 = arith.constant 0 : i32
    return %arg0, %c0_i32 : i32, i32
  }
  func.func @transform_3(%arg0: i32) -> (i32, i32) {
    %c0_i32 = arith.constant 0 : i32
    %c0_i32_0 = arith.constant 0 : i32
    %c0_i32_1 = arith.constant 0 : i32
    return %c0_i32, %c0_i32_0 : i32, i32
  }
  func.func @transform_4(%arg0: i32) -> (i32, i32) {
    %c0_i32 = arith.constant 0 : i32
    %c0_i32_0 = arith.constant 0 : i32
    %c0_i32_1 = arith.constant 0 : i32
    return %c0_i32, %c0_i32_0 : i32, i32
  }
  func.func @transform_5(%arg0: i32) -> (i32, i32) {
    %c0_i32 = arith.constant 0 : i32
    %c0_i32_0 = arith.constant 0 : i32
    return %arg0, %c0_i32 : i32, i32
  }
  func.func @transform_6(%arg0: i32) -> (i32, i32) {
    %c0_i32 = arith.constant 0 : i32
    %c0_i32_0 = arith.constant 0 : i32
    return %arg0, %c0_i32 : i32, i32
  }
  func.func @transform_7(%arg0: i32) -> (i32, i32) {
    %c0_i32 = arith.constant 0 : i32
    %c0_i32_0 = arith.constant 0 : i32
    return %arg0, %c0_i32 : i32, i32
  }
}

module attributes {stable_mosaic.version = 14 : i64} {
  func.func @_k4_body(%arg0: i32, %arg1: memref<1024x128xf32, #tpu.memory_space<vmem>>, %arg2: memref<1024x128xf32, #tpu.memory_space<vmem>>, %arg3: memref<1024x128xf32, #tpu.memory_space<vmem>>, %arg4: memref<1x64xf32, #tpu.memory_space<vmem>>, %arg5: memref<1x64xf32, #tpu.memory_space<vmem>>, %arg6: memref<1024x16xf32, #tpu.memory_space<vmem>>, %arg7: memref<1024x16xf32, #tpu.memory_space<vmem>>, %arg8: memref<1024x128xf32, #tpu.memory_space<vmem>>, %arg9: memref<1024x64xf32, #tpu.memory_space<vmem>>) attributes {dimension_semantics = [#tpu.dimension_semantics<arbitrary>], iteration_bounds = array<i64: 10>, scalar_prefetch = 0 : i64, scratch_operands = 0 : i64, tpu.core_type = #tpu.core_type<tc>, window_params = [{transform_indices = @transform_0, window_bounds = array<i64: 1024, 128>}, {transform_indices = @transform_1, window_bounds = array<i64: 1024, 128>}, {transform_indices = @transform_2, window_bounds = array<i64: 1024, 128>}, {pipeline_mode = #tpu.pipeline_mode<synchronous>, transform_indices = @transform_3, window_bounds = array<i64: 1, 64>}, {pipeline_mode = #tpu.pipeline_mode<synchronous>, transform_indices = @transform_4, window_bounds = array<i64: 1, 64>}, {transform_indices = @transform_5, window_bounds = array<i64: 1024, 16>}, {transform_indices = @transform_6, window_bounds = array<i64: 1024, 16>}, {transform_indices = @transform_7, window_bounds = array<i64: 1024, 128>}, {transform_indices = @transform_8, window_bounds = array<i64: 1024, 64>}]} {
    %get3A = arith.constant 0 : index
    %get3A_0 = arith.constant 0 : index
    %get3A_1 = vector.load %arg6[%get3A, %get3A_0] : memref<1024x16xf32, #tpu.memory_space<vmem>>, vector<1024x1xf32>
    %get3A_2 = arith.constant 0 : index
    %get3A_3 = arith.constant 0 : index
    %get3A_4 = vector.load %arg7[%get3A_2, %get3A_3] : memref<1024x16xf32, #tpu.memory_space<vmem>>, vector<1024x1xf32>
    %add3A = arith.addf %get3A_1, %get3A_4 : vector<1024x1xf32>
    %add3A_5 = arith.constant 1.000000e+00 : f32
    %add3A_6 = vector.broadcast %add3A_5 : f32 to vector<1024x1xf32>
    %add3A_7 = arith.addf %add3A, %add3A_6 : vector<1024x1xf32>
    %rsqrt3A = math.rsqrt %add3A_7 : vector<1024x1xf32>
    %get3A_8 = arith.constant 0 : index
    %get3A_9 = arith.constant 0 : index
    %get3A_10 = vector.load %arg1[%get3A_8, %get3A_9] : memref<1024x128xf32, #tpu.memory_space<vmem>>, vector<1024x64xf32>
    %get3A_11 = arith.constant 0 : index
    %get3A_12 = arith.constant 0 : index
    %get3A_13 = vector.load %arg2[%get3A_11, %get3A_12] : memref<1024x128xf32, #tpu.memory_space<vmem>>, vector<1024x64xf32>
    %add3A_14 = arith.addf %get3A_10, %get3A_13 : vector<1024x64xf32>
    %get3A_15 = arith.constant 0 : index
    %get3A_16 = arith.constant 0 : index
    %get3A_17 = vector.load %arg3[%get3A_15, %get3A_16] : memref<1024x128xf32, #tpu.memory_space<vmem>>, vector<1024x64xf32>
    %add3A_18 = arith.addf %add3A_14, %get3A_17 : vector<1024x64xf32>
    %mul3A = vector.broadcast %rsqrt3A : vector<1024x1xf32> to vector<1024x64xf32>
    %mul3A_19 = arith.mulf %mul3A, %add3A_18 : vector<1024x64xf32>
    %get3A_20 = arith.constant 0 : index
    %get3A_21 = arith.constant 0 : index
    %get3A_22 = vector.load %arg4[%get3A_20, %get3A_21] : memref<1x64xf32, #tpu.memory_space<vmem>>, vector<1x64xf32>
    %add3A_23 = vector.broadcast %get3A_22 : vector<1x64xf32> to vector<1024x64xf32>
    %add3A_24 = arith.addf %mul3A_19, %add3A_23 : vector<1024x64xf32>
    %max3A = arith.constant 0.000000e+00 : f32
    %max3A_25 = vector.broadcast %max3A : f32 to vector<1024x64xf32>
    %max3A_26 = arith.maximumf %add3A_24, %max3A_25 : vector<1024x64xf32>
    %mul3A_27 = vector.broadcast %rsqrt3A : vector<1024x1xf32> to vector<1024x64xf32>
    %mul3A_28 = arith.mulf %mul3A_27, %max3A_26 : vector<1024x64xf32>
    %broadcast_in_dim3A = arith.constant 0.000000e+00 : f32
    %broadcast_in_dim3A_29 = vector.broadcast %broadcast_in_dim3A : f32 to vector<1024x64xf32>
    %concatenate3A = tpu.concatenate %mul3A_28, %broadcast_in_dim3A_29 in 1 : vector<1024x64xf32>, vector<1024x64xf32> -> vector<1024x128xf32>
    %swap3A = arith.constant 0 : index
    %swap3A_30 = arith.constant 0 : index
    %swap3A_31 = vector.load %arg8[%swap3A, %swap3A_30] : memref<1024x128xf32, #tpu.memory_space<vmem>>, vector<1024x128xf32>
    tpu.vector_store %arg8[%swap3A, %swap3A_30], %concatenate3A {strides = array<i32>} : memref<1024x128xf32, #tpu.memory_space<vmem>>, vector<1024x128xf32>,
    %get3A_32 = arith.constant 0 : index
    %get3A_33 = arith.constant 64 : index
    %get3A_34 = vector.load %arg1[%get3A_32, %get3A_33] : memref<1024x128xf32, #tpu.memory_space<vmem>>, vector<1024x64xf32>
    %get3A_35 = arith.constant 0 : index
    %get3A_36 = arith.constant 64 : index
    %get3A_37 = vector.load %arg2[%get3A_35, %get3A_36] : memref<1024x128xf32, #tpu.memory_space<vmem>>, vector<1024x64xf32>
    %add3A_38 = arith.addf %get3A_34, %get3A_37 : vector<1024x64xf32>
    %get3A_39 = arith.constant 0 : index
    %get3A_40 = arith.constant 64 : index
    %get3A_41 = vector.load %arg3[%get3A_39, %get3A_40] : memref<1024x128xf32, #tpu.memory_space<vmem>>, vector<1024x64xf32>
    %add3A_42 = arith.addf %add3A_38, %get3A_41 : vector<1024x64xf32>
    %mul3A_43 = vector.broadcast %rsqrt3A : vector<1024x1xf32> to vector<1024x64xf32>
    %mul3A_44 = arith.mulf %mul3A_43, %add3A_42 : vector<1024x64xf32>
    %get3A_45 = arith.constant 0 : index
    %get3A_46 = arith.constant 0 : index
    %get3A_47 = vector.load %arg5[%get3A_45, %get3A_46] : memref<1x64xf32, #tpu.memory_space<vmem>>, vector<1x64xf32>
    %add3A_48 = vector.broadcast %get3A_47 : vector<1x64xf32> to vector<1024x64xf32>
    %add3A_49 = arith.addf %mul3A_44, %add3A_48 : vector<1024x64xf32>
    %max3A_50 = arith.constant 0.000000e+00 : f32
    %max3A_51 = vector.broadcast %max3A_50 : f32 to vector<1024x64xf32>
    %max3A_52 = arith.maximumf %add3A_49, %max3A_51 : vector<1024x64xf32>
    %swap3A_53 = arith.constant 0 : index
    %swap3A_54 = arith.constant 0 : index
    %swap3A_55 = vector.load %arg9[%swap3A_53, %swap3A_54] : memref<1024x64xf32, #tpu.memory_space<vmem>>, vector<1024x64xf32>
    tpu.vector_store %arg9[%swap3A_53, %swap3A_54], %max3A_52 {strides = array<i32>} : memref<1024x64xf32, #tpu.memory_space<vmem>>, vector<1024x64xf32>,
    return
  }
  func.func @transform_0(%arg0: i32) -> (i32, i32) {
    %c0_i32 = arith.constant 0 : i32
    %c0_i32_0 = arith.constant 0 : i32
    return %arg0, %c0_i32 : i32, i32
  }
  func.func @transform_1(%arg0: i32) -> (i32, i32) {
    %c0_i32 = arith.constant 0 : i32
    %c0_i32_0 = arith.constant 0 : i32
    return %arg0, %c0_i32 : i32, i32
  }
  func.func @transform_2(%arg0: i32) -> (i32, i32) {
    %c0_i32 = arith.constant 0 : i32
    %c0_i32_0 = arith.constant 0 : i32
    return %arg0, %c0_i32 : i32, i32
  }
  func.func @transform_3(%arg0: i32) -> (i32, i32) {
    %c0_i32 = arith.constant 0 : i32
    %c0_i32_0 = arith.constant 0 : i32
    %c0_i32_1 = arith.constant 0 : i32
    return %c0_i32, %c0_i32_0 : i32, i32
  }
  func.func @transform_4(%arg0: i32) -> (i32, i32) {
    %c0_i32 = arith.constant 0 : i32
    %c0_i32_0 = arith.constant 0 : i32
    %c0_i32_1 = arith.constant 0 : i32
    return %c0_i32, %c0_i32_0 : i32, i32
  }
  func.func @transform_5(%arg0: i32) -> (i32, i32) {
    %c0_i32 = arith.constant 0 : i32
    %c0_i32_0 = arith.constant 0 : i32
    return %arg0, %c0_i32 : i32, i32
  }
  func.func @transform_6(%arg0: i32) -> (i32, i32) {
    %c0_i32 = arith.constant 0 : i32
    %c0_i32_0 = arith.constant 0 : i32
    return %arg0, %c0_i32 : i32, i32
  }
  func.func @transform_7(%arg0: i32) -> (i32, i32) {
    %c0_i32 = arith.constant 0 : i32
    %c0_i32_0 = arith.constant 0 : i32
    return %arg0, %c0_i32 : i32, i32
  }
  func.func @transform_8(%arg0: i32) -> (i32, i32) {
    %c0_i32 = arith.constant 0 : i32
    %c0_i32_0 = arith.constant 0 : i32
    return %arg0, %c0_i32 : i32, i32
  }
}

module attributes {stable_mosaic.version = 14 : i64} {
  func.func @_mm_body(%arg0: i32, %arg1: memref<400x64xf32, #tpu.memory_space<vmem>>, %arg2: memref<10000x64xf32, #tpu.memory_space<vmem>>, %arg3: memref<400x10000xf32, #tpu.memory_space<vmem>>) attributes {dimension_semantics = [#tpu.dimension_semantics<arbitrary>], iteration_bounds = array<i64: 25>, scalar_prefetch = 0 : i64, scratch_operands = 0 : i64, tpu.core_type = #tpu.core_type<tc>, window_params = [{transform_indices = @transform_0, window_bounds = array<i64: 400, 64>}, {pipeline_mode = #tpu.pipeline_mode<synchronous>, transform_indices = @transform_1, window_bounds = array<i64: 10000, 64>}, {transform_indices = @transform_2, window_bounds = array<i64: 400, 10000>}]} {
    %get3A = arith.constant 0 : index
    %get3A_0 = arith.constant 0 : index
    %get3A_1 = vector.load %arg1[%get3A, %get3A_0] : memref<400x64xf32, #tpu.memory_space<vmem>>, vector<400x64xf32>
    %get3A_2 = arith.constant 0 : index
    %get3A_3 = arith.constant 0 : index
    %get3A_4 = vector.load %arg2[%get3A_2, %get3A_3] : memref<10000x64xf32, #tpu.memory_space<vmem>>, vector<10000x64xf32>
    %dot_general3A = arith.constant dense<0.000000e+00> : vector<400x10000xf32>
    %dot_general3A_5 = tpu.matmul %get3A_1, %get3A_4, %dot_general3A {dimension_numbers = #tpu.dot_dimension_numbers<[1], [1], [0], [0], [0, 0, 1, 0], [], []>, transpose_lhs_hint = false} : vector<400x64xf32>, vector<10000x64xf32>, vector<400x10000xf32> -> vector<400x10000xf32>
    %swap3A = arith.constant 0 : index
    %swap3A_6 = arith.constant 0 : index
    %swap3A_7 = vector.load %arg3[%swap3A, %swap3A_6] : memref<400x10000xf32, #tpu.memory_space<vmem>>, vector<400x10000xf32>
    tpu.vector_store %arg3[%swap3A, %swap3A_6], %dot_general3A_5 {strides = array<i32>} : memref<400x10000xf32, #tpu.memory_space<vmem>>, vector<400x10000xf32>,
    return
  }
  func.func @transform_0(%arg0: i32) -> (i32, i32) {
    %c0_i32 = arith.constant 0 : i32
    %c0_i32_0 = arith.constant 0 : i32
    return %arg0, %c0_i32 : i32, i32
  }
  func.func @transform_1(%arg0: i32) -> (i32, i32) {
    %c0_i32 = arith.constant 0 : i32
    %c0_i32_0 = arith.constant 0 : i32
    %c0_i32_1 = arith.constant 0 : i32
    return %c0_i32, %c0_i32_0 : i32, i32
  }
  func.func @transform_2(%arg0: i32) -> (i32, i32) {
    %c0_i32 = arith.constant 0 : i32
    %c0_i32_0 = arith.constant 0 : i32
    return %arg0, %c0_i32 : i32, i32
  }
}

module attributes {stable_mosaic.version = 14 : i64} {
  func.func @_k5_body(%arg0: i32, %arg1: memref<1024x128xf32, #tpu.memory_space<vmem>>, %arg2: memref<1024x128xf32, #tpu.memory_space<vmem>>, %arg3: memref<1024x128xf32, #tpu.memory_space<vmem>>, %arg4: memref<128x128xf32, #tpu.memory_space<vmem>>, %arg5: memref<1x128xf32, #tpu.memory_space<vmem>>, %arg6: memref<1024x16xf32, #tpu.memory_space<vmem>>, %arg7: memref<1024x16xf32, #tpu.memory_space<vmem>>, %arg8: memref<1024x128xf32, #tpu.memory_space<vmem>>) attributes {dimension_semantics = [#tpu.dimension_semantics<arbitrary>], iteration_bounds = array<i64: 10>, scalar_prefetch = 0 : i64, scratch_operands = 0 : i64, tpu.core_type = #tpu.core_type<tc>, window_params = [{transform_indices = @transform_0, window_bounds = array<i64: 1024, 128>}, {transform_indices = @transform_1, window_bounds = array<i64: 1024, 128>}, {transform_indices = @transform_2, window_bounds = array<i64: 1024, 128>}, {pipeline_mode = #tpu.pipeline_mode<synchronous>, transform_indices = @transform_3, window_bounds = array<i64: 128, 128>}, {pipeline_mode = #tpu.pipeline_mode<synchronous>, transform_indices = @transform_4, window_bounds = array<i64: 1, 128>}, {transform_indices = @transform_5, window_bounds = array<i64: 1024, 16>}, {transform_indices = @transform_6, window_bounds = array<i64: 1024, 16>}, {transform_indices = @transform_7, window_bounds = array<i64: 1024, 128>}]} {
    %get3A = arith.constant 0 : index
    %get3A_0 = arith.constant 0 : index
    %get3A_1 = vector.load %arg6[%get3A, %get3A_0] : memref<1024x16xf32, #tpu.memory_space<vmem>>, vector<1024x1xf32>
    %get3A_2 = arith.constant 0 : index
    %get3A_3 = arith.constant 0 : index
    %get3A_4 = vector.load %arg7[%get3A_2, %get3A_3] : memref<1024x16xf32, #tpu.memory_space<vmem>>, vector<1024x1xf32>
    %add3A = arith.addf %get3A_1, %get3A_4 : vector<1024x1xf32>
    %add3A_5 = arith.constant 1.000000e+00 : f32
    %add3A_6 = vector.broadcast %add3A_5 : f32 to vector<1024x1xf32>
    %add3A_7 = arith.addf %add3A, %add3A_6 : vector<1024x1xf32>
    %rsqrt3A = math.rsqrt %add3A_7 : vector<1024x1xf32>
    %get3A_8 = arith.constant 0 : index
    %get3A_9 = arith.constant 0 : index
    %get3A_10 = vector.load %arg1[%get3A_8, %get3A_9] : memref<1024x128xf32, #tpu.memory_space<vmem>>, vector<1024x128xf32>
    %get3A_11 = arith.constant 0 : index
    %get3A_12 = arith.constant 0 : index
    %get3A_13 = vector.load %arg2[%get3A_11, %get3A_12] : memref<1024x128xf32, #tpu.memory_space<vmem>>, vector<1024x128xf32>
    %add3A_14 = arith.addf %get3A_10, %get3A_13 : vector<1024x128xf32>
    %get3A_15 = arith.constant 0 : index
    %get3A_16 = arith.constant 0 : index
    %get3A_17 = vector.load %arg3[%get3A_15, %get3A_16] : memref<1024x128xf32, #tpu.memory_space<vmem>>, vector<1024x128xf32>
    %add3A_18 = arith.addf %add3A_14, %get3A_17 : vector<1024x128xf32>
    %mul3A = vector.broadcast %rsqrt3A : vector<1024x1xf32> to vector<1024x128xf32>
    %mul3A_19 = arith.mulf %mul3A, %add3A_18 : vector<1024x128xf32>
    %get3A_20 = arith.constant 0 : index
    %get3A_21 = arith.constant 0 : index
    %get3A_22 = vector.load %arg4[%get3A_20, %get3A_21] : memref<128x128xf32, #tpu.memory_space<vmem>>, vector<128x128xf32>
    %dot_general3A = arith.constant dense<0.000000e+00> : vector<1024x128xf32>
    %dot_general3A_23 = tpu.matmul %mul3A_19, %get3A_22, %dot_general3A {dimension_numbers = #tpu.dot_dimension_numbers<[1], [0], [0], [1], [0, 0, 1, 1], [], []>, transpose_lhs_hint = false} : vector<1024x128xf32>, vector<128x128xf32>, vector<1024x128xf32> -> vector<1024x128xf32>
    %get3A_24 = arith.constant 0 : index
    %get3A_25 = arith.constant 0 : index
    %get3A_26 = vector.load %arg5[%get3A_24, %get3A_25] : memref<1x128xf32, #tpu.memory_space<vmem>>, vector<1x128xf32>
    %add3A_27 = vector.broadcast %get3A_26 : vector<1x128xf32> to vector<1024x128xf32>
    %add3A_28 = arith.addf %dot_general3A_23, %add3A_27 : vector<1024x128xf32>
    %max3A = arith.constant 0.000000e+00 : f32
    %max3A_29 = vector.broadcast %max3A : f32 to vector<1024x128xf32>
    %max3A_30 = arith.maximumf %add3A_28, %max3A_29 : vector<1024x128xf32>
    %swap3A = arith.constant 0 : index
    %swap3A_31 = arith.constant 0 : index
    %swap3A_32 = vector.load %arg8[%swap3A, %swap3A_31] : memref<1024x128xf32, #tpu.memory_space<vmem>>, vector<1024x128xf32>
    tpu.vector_store %arg8[%swap3A, %swap3A_31], %max3A_30 {strides = array<i32>} : memref<1024x128xf32, #tpu.memory_space<vmem>>, vector<1024x128xf32>,
    return
  }
  func.func @transform_0(%arg0: i32) -> (i32, i32) {
    %c0_i32 = arith.constant 0 : i32
    %c0_i32_0 = arith.constant 0 : i32
    return %arg0, %c0_i32 : i32, i32
  }
  func.func @transform_1(%arg0: i32) -> (i32, i32) {
    %c0_i32 = arith.constant 0 : i32
    %c0_i32_0 = arith.constant 0 : i32
    return %arg0, %c0_i32 : i32, i32
  }
  func.func @transform_2(%arg0: i32) -> (i32, i32) {
    %c0_i32 = arith.constant 0 : i32
    %c0_i32_0 = arith.constant 0 : i32
    return %arg0, %c0_i32 : i32, i32
  }
  func.func @transform_3(%arg0: i32) -> (i32, i32) {
    %c0_i32 = arith.constant 0 : i32
    %c0_i32_0 = arith.constant 0 : i32
    %c0_i32_1 = arith.constant 0 : i32
    return %c0_i32, %c0_i32_0 : i32, i32
  }
  func.func @transform_4(%arg0: i32) -> (i32, i32) {
    %c0_i32 = arith.constant 0 : i32
    %c0_i32_0 = arith.constant 0 : i32
    %c0_i32_1 = arith.constant 0 : i32
    return %c0_i32, %c0_i32_0 : i32, i32
  }
  func.func @transform_5(%arg0: i32) -> (i32, i32) {
    %c0_i32 = arith.constant 0 : i32
    %c0_i32_0 = arith.constant 0 : i32
    return %arg0, %c0_i32 : i32, i32
  }
  func.func @transform_6(%arg0: i32) -> (i32, i32) {
    %c0_i32 = arith.constant 0 : i32
    %c0_i32_0 = arith.constant 0 : i32
    return %arg0, %c0_i32 : i32, i32
  }
  func.func @transform_7(%arg0: i32) -> (i32, i32) {
    %c0_i32 = arith.constant 0 : i32
    %c0_i32_0 = arith.constant 0 : i32
    return %arg0, %c0_i32 : i32, i32
  }
}

</mosaic_0001>

<sc_bundles>
// kernel: kernel.13.cloned.1.call-start
scs
__scs_entry_jumppad:
0x0: {  	(pc) =	sbr.rel $0x88, $3  }
0x1: {  	(tag) =	ssettag $0x0;
	lr =	simm.s32 $0x1  }
0x2: {  	[smem:$0x3F95] =	sst lr;
	_ =	strace $0xD0000000  }
0x3: {  	_ = 	snop  }
0x4: {  	_ = 	snop  }
0x5: {  	_ = 	snop  }
0x6: {  	_ = 	snop  }
0x7: {  	_ = 	snop  }
__scs_overlays_trampoline_lowered:
0x8: {  	[smem:$0x3FA4] =	sst s0  }
0x9: {  	[smem:$0x3FA5] =	sst s1  }
0xa: {  	[smem:$0x3FA6] =	sst s2  }
0xb: {  	[smem:$0x3FA7] =	sst s3  }
0xc: {  	[smem:$0x3FA8] =	sst s4  }
0xd: {  	[smem:$0x3FA9] =	sst s5  }
0xe: {  	[smem:$0x3FAA] =	sst s6  }
0xf: {  	[smem:$0x3FAB] =	sst s7  }
0x10: {  	[smem:$0x3FAC] =	sst s8  }
0x11: {  	[smem:$0x3FAD] =	sst s9;
	s0 =	simm.s32 @!p0 $0x0  }
0x12: {  	s1 =	sld [smem:$0x3F93];
	s0 =	simm.s32 @p0 $0x1  }
0x13: {  	[smem:$0x3FAE] =	sst s0;
	s0 =	simm.s32 @!p1 $0x0  }
0x14: {  	s2 =	sld [smem:$0x3F92];
	s0 =	simm.s32 @p1 $0x1  }
0x15: {  	[smem:$0x3FAF] =	sst s0;
	s0 =	simm.s32 @!p2 $0x0  }
0x16: {  	s3 =	sld [smem:$0x3FDB];
	s0 =	simm.s32 @p2 $0x1  }
0x17: {  	s4 =	simm.s32 $0x1BF5;
	[smem:$0x3FB1] =	sst s0  }
0x18: {  	s0 =	sld [smem:$0x3F94];
	_ =	swait.ge [sflag:s4], $0x0  }
0x19: {  	s7 =	sld [smem:$0x3F95]  }
0x1a: {  	s8 =	sadd.s32 $0xFFFFE003, lr  }
0x1b: {  	s9 =	sadd.s32 $0xFFFFFEF7, lr;
	s5 =	simm.s32 $0xFFFFFFFF;
	p2 =	slt.u32 s8, $0xFFFFF086  }
0x1c: {  	p1 =	slt.u32 s9, $0xF7A;
	s5 =	simm.s32 @!p2 $0x0  }
0x1d: {  	s5 =	simm.s32 @p1 $0x1;
	p0 =	seq.s32 s7, s2  }
0x1e: {  	s7 =	smul.u32 @!p0 $0xF7A, s2;
	p2 =	seq.s32 @!p0 s5, $0x0  }
0x1f: {  	s9 =	smul.u32 $0xF7A, s1;
	s8 =	simm.s32 @!p0 $0x1BF5;
	p2 =	por !p2, p0  }
0x20: {  	[sflag:s8] =	ssyncset.s32 @!p0 $0xFFFFF086;
	s6 =	sadd.s32 @!p0 s3, s7;
	s7 =	simm.s32 @!p0 $0x108  }
0x21: {  	s3 =	sadd.s32 s3, s9;
	s6 =	sadd.s32 @!p0 $0x88, s6;
	s7 =	simm.s32 @p2 $0x1082  }
0x22: {  	[simem:s7], [sflag:s8] =	dma.local @!p0 [hbm:s6], $0xF7A  }
0x23: {  	s9 =	sor.u32 $0xD0000000, s2;
	s6 =	simm.s32 $0x108;
	_ =	swait.ge @!p0 [sflag:s8], $0x0  }
0x24: {  	s3 =	sadd.s32 $0x88, s3;
	s6 =	simm.s32 @!p1 $0x1082;
	[sflag:s4] =	ssyncset.s32 $0xFFFFF086  }
0x25: {  	[simem:s6], [sflag:s4] =	dma.local [hbm:s3], $0xF7A  }
0x26: {  	[smem:$0x3F95] =	sst s1;
	(tag) =	ssettag s2;
	_ =	strace s9  }
0x27: {  	s1 =	sld [smem:$0x3FA5]  }
0x28: {  	s2 =	sld [smem:$0x3FA6]  }
0x29: {  	s4 =	sld [smem:$0x3FA8]  }
0x2a: {  	p0 =	seq.s32 s5, $0x0;
	s5 =	sld [smem:$0x3FA9]  }
0x2b: {  	s6 =	sld [smem:$0x3FAA]  }
0x2c: {  	s7 =	sld [smem:$0x3FAB]  }
0x2d: {  	s3 =	simm.s32 $0x108;
	s8 =	sld [smem:$0x3FAC]  }
0x2e: {  	s3 =	simm.s32 @!p0 $0x1082;
	s9 =	sld [smem:$0x3FAD]  }
0x2f: {  	lr =	sadd.s32 s0, s3;
	s0 =	sld [smem:$0x3FA4]  }
0x30: {  	s3 =	sld [smem:$0x3FA7]  }
0x31: {  	[smem:$0x3FB0] =	sst s10  }
0x32: {  	s10 =	sld [smem:$0x3FAE];
	_ =	sdelay $0x3  }
0x33: {  	p0 =	seq.s32 s10, $0x1;
	s10 =	sld [smem:$0x3FB0];
	_ =	sdelay $0x3  }
0x34: {  	[smem:$0x3FB0] =	sst s10  }
0x35: {  	s10 =	sld [smem:$0x3FAF];
	_ =	sdelay $0x3  }
0x36: {  	p1 =	seq.s32 s10, $0x1;
	s10 =	sld [smem:$0x3FB0];
	_ =	sdelay $0x3  }
0x37: {  	[smem:$0x3FB0] =	sst s10  }
0x38: {  	s10 =	sld [smem:$0x3FB1]  }
0x39: {  	_ = 	snop;
	(pc) =	sbr.ind lr, $3  }
0x3a: {  	_ = 	snop  }
0x3b: {  	_ = 	snop  }
0x3c: {  	p2 =	seq.s32 s10, $0x1;
	s10 =	sld [smem:$0x3FB0]  }
0x3d: {  	_ =	shalt  }
0x3e: {  	_ =	shalt  }
0x3f: {  	_ =	shalt  }
0x40: {  	_ =	shalt  }
0x41: {  	_ =	shalt  }
0x42: {  	_ =	shalt  }
0x43: {  	_ =	shalt  }
0x44: {  	_ =	shalt  }
0x45: {  	_ =	shalt  }
0x46: {  	_ =	shalt  }
0x47: {  	_ =	shalt  }
0x48: {  	_ =	shalt  }
0x49: {  	_ =	shalt  }
0x4a: {  	_ =	shalt  }
0x4b: {  	_ =	shalt  }
0x4c: {  	_ =	shalt  }
0x4d: {  	_ =	shalt  }
0x4e: {  	_ =	shalt  }
0x4f: {  	_ =	shalt  }
0x50: {  	_ =	shalt  }
0x51: {  	_ =	shalt  }
0x52: {  	_ =	shalt  }
0x53: {  	_ =	shalt  }
0x54: {  	_ =	shalt  }
0x55: {  	_ =	shalt  }
0x56: {  	_ =	shalt  }
0x57: {  	_ =	shalt  }
0x58: {  	_ =	shalt  }
0x59: {  	_ =	shalt  }
0x5a: {  	_ =	shalt  }
0x5b: {  	_ =	shalt  }
0x5c: {  	_ =	shalt  }
0x5d: {  	_ =	shalt  }
0x5e: {  	_ =	shalt  }
0x5f: {  	_ =	shalt  }
0x60: {  	_ =	shalt  }
0x61: {  	_ =	shalt  }
0x62: {  	_ =	shalt  }
0x63: {  	_ =	shalt  }
0x64: {  	_ =	shalt  }
0x65: {  	_ =	shalt  }
0x66: {  	_ =	shalt  }
0x67: {  	_ =	shalt  }
0x68: {  	_ =	shalt  }
0x69: {  	_ =	shalt  }
0x6a: {  	_ =	shalt  }
0x6b: {  	_ =	shalt  }
0x6c: {  	_ =	shalt  }
0x6d: {  	_ =	shalt  }
0x6e: {  	_ =	shalt  }
0x6f: {  	_ =	shalt  }
0x70: {  	_ =	shalt  }
0x71: {  	_ =	shalt  }
0x72: {  	_ =	shalt  }
0x73: {  	_ =	shalt  }
0x74: {  	_ =	shalt  }
0x75: {  	_ =	shalt  }
0x76: {  	_ =	shalt  }
0x77: {  	_ =	shalt  }
0x78: {  	_ =	shalt  }
0x79: {  	_ =	shalt  }
0x7a: {  	_ =	shalt  }
0x7b: {  	_ =	shalt  }
0x7c: {  	_ =	shalt  }
0x7d: {  	_ =	shalt  }
0x7e: {  	_ =	shalt  }
0x7f: {  	_ =	shalt  }
0x80: {  	_ =	shalt  }
0x81: {  	_ =	shalt  }
0x82: {  	_ =	shalt  }
0x83: {  	_ =	shalt  }
0x84: {  	_ =	shalt  }
0x85: {  	_ =	shalt  }
0x86: {  	_ =	shalt  }
0x87: {  	_ =	shalt  }
.Lfunc_end0:
.L_simem_size_0:
called_computation_lowered:
.L_overlay_start_0:
0x88: {  	s2 =	sld [smem:$0x3FD9]  }
0x89: {  	s3 =	sld [smem:$0x3FFE];
	_ =	sdelay $0x1  }
0x8a: {  	s1 =	srdreg.scid  }
0x8b: {  	s0 =	sand.u32 $0x1, s1  }
0x8c: {  	s15 =	sshll.u32 s0, $0xA;
	s2 =	sadd.s32 s3, s2  }
0x8d: {  	s2 =	sadd.s32 s2, s15  }
0x8e: {  	[smem:$0x3FBC] =	sst s2  }
0x8f: {  	_ = 	snop  }
0x90: {  	s2 =	sld [smem:$0x3FD0];
	_ =	sdelay $0x2  }
0x91: {  	s16 =	simm.s32 $0xA;
	s4 =	simm.s32 $0x10  }
0x92: {  	[smem:s4], [sflag:s16] =	dma.local [hbm:s2], $0x1  }
0x93: {  	_ =	swait.eq [sflag:s16], $0x1  }
0x94: {  	[sflag:s16] =	ssyncset.done $0x0  }
0x95: {  	s17 =	sld [smem:$0x10];
	[sflag:s16] =	ssyncadd.s32 $0xFFFFFFFF  }
0x96: {  	s18 =	sld [smem:$0x11];
	(tm) =	ssettm $0x1  }
0x97: {  	s19 =	sld [smem:$0x3FFB];
	_ =	sdelay $0x3  }
0x98: {  	_ =	strace s19  }
0x99: {  	s4 =	sld [smem:$0x3FFC];
	_ =	sdelay $0x3  }
0x9a: {  	_ =	strace s4  }
0x9b: {  	s4 =	sld [smem:$0x3FFD];
	_ =	sdelay $0x3  }
0x9c: {  	_ =	strace s4  }
0x9d: {  	_ =	strace $0x8FFFFFFF  }
0x9e: {  	s20 =	sld [smem:$0x3FDB];
	_ =	sdelay $0x1  }
0x9f: {  	s5 =	simm.s32 $_scs_section_size  }
0xa0: {  	s6 =	simm.s32 $_size__tile_overlayer_lowered;
	s7 =	simm.s32 $_tile_overlayer_lowered  }
0xa1: {  	s23 =	simm.s32 $0x1BFF;
	s22 =	sshll.u32 s7, $0x1;
	s4 =	sadd.s32 s5, s20  }
0xa2: {  	s8 =	simm.s32 $0x0;
	s21 =	sshll.u32 s6, $0x1;
	s6 =	sadd.s32 s22, s4  }
0xa3: {  	[timem:s8], [sflag:s23] =	dma.local [hbm:s6], s21  }
0xa4: {  	_ =	swait.ge [sflag:s23], s21  }
0xa5: {  	s5 =	ssub.s32 $0x0, s21;
	[sflag:s23] =	ssyncset.done $0x0  }
0xa6: {  	[sflag:s23] =	ssyncadd.s32 s5;
	_ =	sdelay $0x1  }
0xa7: {  	s24 =	simm.s32 $0x1B8B  }
0xa8: {  	_ =	swait.ge [sflag:s24], $0x1  }
0xa9: {  	[sflag:s24] =	ssyncset.done $0x0  }
0xaa: {  	s25 =	simm.s32 $0x1B8E;
	[sflag:s24] =	ssyncadd.s32 $0xFFFFFFFF  }
0xab: {  	s26 =	simm.s32 $execute0_lowered;
	[smem:$0x3FD2] =	sst s25  }
0xac: {  	s5 =	sshll.u32 s26, $0x1;
	_ =	strace $0x80000046;
	[dreg:$0x1] =	wrdreg $0xFFFFFFFF  }
0xad: {  	s28 =	simm.s32 $_size_execute0_lowered;
	s4 =	sadd.s32 s4, s5;
	[dreg:$0x0] =	wrdreg $0x0  }
0xae: {  	s5 =	sshll.u32 s28, $0x1;
	[dreg:$0x2] =	wrdreg s4  }
0xaf: {  	[dreg:$0x3] =	wrdreg s5  }
0xb0: {  	[dreg:$0x4] =	wrdreg $0xC0  }
0xb1: {  	_ =	task [dreg:s8], $0x5FFFF  }
0xb2: {  	[dreg:$0x1] =	wrdreg $0xFFFFFFFF  }
0xb3: {  	[dreg:$0x0] =	wrdreg $0x60  }
0xb4: {  	[dreg:$0x2] =	wrdreg s18  }
0xb5: {  	[dreg:$0x3] =	wrdreg s17  }
0xb6: {  	[dreg:$0x4] =	wrdreg $0x68000  }
0xb7: {  	[dreg:$0x5] =	wrdreg $0x9  }
0xb8: {  	_ =	task.clear_ibuf [dreg:s8], $0x6FFFF;
	_ =	strace $0x90000046  }
0xb9: {  	s29 =	simm.s32 $0x9;
	_ =	strace $0x80000048  }
0xba: {  	_ =	swait.ge [sflag:s29], $0x1  }
0xbb: {  	[sflag:s29] =	ssyncadd.s32 $0xFFFFFFFF  }
0xbc: {  	_ =	strace $0x90000048  }
0xbd: {  	_ =	sfence  }
0xbe: {  	s30 =	sld [smem:$0x0];
	_ =	sdelay $0x2  }
0xbf: {  	s31 =	sshll.u32 s1, $0xD;
	s1 =	sshrl.u32 s1, $0x2  }
0xc0: {  	s3 =	sand.u32 $0x4000, s31;
	s1 =	sadd.s32 s1, s30  }
0xc1: {  	s0 =	sor.u32 s3, s0;
	s1 =	sshll.u32 s1, $0x11  }
0xc2: {  	s0 =	sor.u32 s1, s0  }
0xc3: {  	s0 =	sadd.s32 $0x8F2B, s0  }
0xc4: {  	[sflag:s0] =	ssyncadd.remote.s32 $0x1  }
0xc5: {  	_ =	sfence.sel $0xFFFF  }
0xc6: {  	[dreg:$0x0] =	wrdreg $0xFFFFFFFF;
	(pc) =	sbr.abs _section_cstart, $3  }
0xc7: {  	[dreg:$0x1] =	wrdreg $0xFFFFFFFF  }
0xc8: {  	_ =	task.clear_ibuf [dreg:s8], $0x2FFFF;
	_ =	strace $0x9FFFFFFF  }
0xc9: {  	(tm) =	ssettm $0x7FFFFFFF  }
tec
execute0_lowered:
.L_overlay_start_1:
0x0: {  	(tag) =	ssettag $0x1  }
0x1: {  	s5 =	rddreg [dreg:$0x0]  }
0x2: {  	s6 =	rddreg [dreg:$0x1]  }
0x3: {  	s2 =	rddreg [dreg:$0x2]  }
0x4: {  	s0 =	rddreg [dreg:$0x3]  }
0x5: {  	s4 =	srdreg.scid;
	s1 =	stileid.u32  }
0x6: {  	s3 =	simm.s32 $0x0;
	s12 =	simm.s32 $0x2800;
	s13 =	simm.s32 $0x1  }
0x7: {  	s14 =	simm.s32 $0x80;
	s4 =	sand.u32 $0x1, s4;
	s7 =	smul.u32 $0x50000, s1  }
0x8: {  	[smem:$0x7FF] =	sst s3;
	s10 =	smul.u32 $0x14000, s1;
	s15 =	sshll.u32 s1, $0x6  }
0x9: {  	s8 =	sshll.u32 s4, $0x4;
	s9 =	smul.u32 $0x140000, s4;
	s4 =	ssub.s32 $0x2, s4  }
0xa: {  	_ =	strace $0x80000047;
	s15 =	sor.u32 $0x1C01, s15;
	s8 =	sor.u32 s1, s8  }
0xb: {  	s11 =	sshrl.u32 s4, $0x1;
	s30 =	sshrl.u32 s7, $0x2;
	s8 =	smul.u32 $0x500, s8  }
0xc: {  	s11 =	ssub.s32 s4, s11;
	s31 =	sadd.s32 s10, s9;
	s4 =	sadd.s32 s30, s2  }
0xd: {  	s7 =	sshrl.u32 s31, $0x3;
	s9 =	sadd.s32 $0x8000, s4;
	s10 =	sadd.s32 $0xC000, s4  }
0xe: {  	s16 =	sshrl.u32 s4, $0x3;
	s5 =	sadd.s32 s5, s8;
	s6 =	sadd.s32 s6, s7  }
0xf: {  	v0 =	vimm.f32 $0.0e+00;
	v1 =	vimm.f32 $1.000000000e+00;
	s7 =	smax.u32 s11, $0x1;
	s8 =	sadd.s32 $0x4000, s4;
	s11 =	sadd.s32 $0x10000, s4  }
.LBB2_1:
0x10: {  	s17 =	simm.s32 $0x200;
	s18 =	simm.s32 $0x0  }
.LBB2_2:
0x11: {  	p0 =	sne.s32 s17, $0xFE00;
	[tilespmem:s18+$0x2800] =	vst v0;
	s18 =	smov.u32 s17;
	s17 =	sadd.s32 $0x200, s17  }
.Ltmp0:
0x12: {  	(pc) =	sbr.rel @p0 .LBB2_2-.Ltmp0, $2  }
0x13: {  	_ =	sdelay $0x2  }
0x14: {  	s18 =	sshra.s32 s18, $0x2  }
0x15: {  	[tilespmem:s18+$0x2800] =	vst v0  }
0x16: {  	[spmem:s4] =	stream.linear.scatter [tilespmem:s12], [sflag:$0x1], $0x4000, $0x38;
	[tilespmem:$0x9000] =	vst v63  }
0x17: {  	_ =	swait.ge [sflag:s13], $0x4000  }
0x18: {  	[sflag:s13] =	ssyncset.done $0x0  }
0x19: {  	[sflag:s13] =	ssyncadd.s32 $0xFFFFC000  }
0x1a: {  	[spmem:s8] =	stream.linear.scatter [tilespmem:s12], [sflag:$0x1], $0x4000, $0x38;
	[tilespmem:$0x9000] =	vst v63  }
0x1b: {  	_ =	swait.ge [sflag:s13], $0x4000  }
0x1c: {  	[sflag:s13] =	ssyncset.done $0x0  }
0x1d: {  	[sflag:s13] =	ssyncadd.s32 $0xFFFFC000  }
0x1e: {  	[spmem:s9] =	stream.linear.scatter [tilespmem:s12], [sflag:$0x1], $0x4000, $0x38;
	[tilespmem:$0x9000] =	vst v63  }
0x1f: {  	_ =	swait.ge [sflag:s13], $0x4000  }
0x20: {  	[sflag:s13] =	ssyncset.done $0x0  }
0x21: {  	[sflag:s13] =	ssyncadd.s32 $0xFFFFC000  }
0x22: {  	[spmem:s10] =	stream.linear.scatter [tilespmem:s12], [sflag:$0x1], $0x4000, $0x38;
	[tilespmem:$0x9000] =	vst v63  }
0x23: {  	_ =	swait.ge [sflag:s13], $0x4000  }
0x24: {  	[sflag:s13] =	ssyncset.done $0x0  }
0x25: {  	[sflag:s13] =	ssyncadd.s32 $0xFFFFC000  }
0x26: {  	[spmem:s11] =	stream.linear.scatter [tilespmem:s12], [sflag:$0x1], $0x4000, $0x38;
	[tilespmem:$0x9000] =	vst v63  }
0x27: {  	_ =	swait.ge [sflag:s13], $0x4000  }
0x28: {  	[sflag:s13] =	ssyncset.done $0x0  }
0x29: {  	s17 =	simm.s32 $0x200;
	s18 =	simm.s32 $0x0;
	[sflag:s13] =	ssyncadd.s32 $0xFFFFC000  }
.LBB2_4:
0x2a: {  	p0 =	sne.s32 s17, $0xFE00;
	[tilespmem:s18+$0x2800] =	vst v1;
	s18 =	smov.u32 s17;
	s17 =	sadd.s32 $0x200, s17  }
.Ltmp1:
0x2b: {  	(pc) =	sbr.rel @p0 .LBB2_4-.Ltmp1, $2  }
0x2c: {  	_ =	sdelay $0x2  }
0x2d: {  	s18 =	sshra.s32 s18, $0x2  }
0x2e: {  	[tilespmem:s18+$0x2800] =	vst v1;
	s17 =	simm.s32 $0x0  }
0x2f: {  	[tilespmem:s17], [sflag:$0x1] =	stream.linear.gather [hbm4b:s5+s17], $0x2800, $0x38;
	[tilespmem:$0x9000] =	vst v63  }
0x30: {  	_ =	swait.ge [sflag:s13], $0x2800  }
0x31: {  	[sflag:s13] =	ssyncset.done $0x0  }
0x32: {  	[sflag:s13] =	ssyncadd.s32 $0xFFFFD800  }
0x33: {  	s31 =	simm.s32 $0x0;
	[bflag:$0x0] =	sbarrier.arrive $0xFFFF  }
0x34: {  	[spmem:s2] =	stream.indirect.scatter.add.f32 [tilespmem:s12], [sflag:$0x1], $0x10, s31, s14, $0xb8;
	[tilespmem:$0x9000] =	vst v63  }
0x35: {  	_ =	swait.ge [sflag:s13], $0x800  }
0x36: {  	s17 =	simm.s32 $0x200;
	[sflag:s13] =	ssyncset.done $0x0  }
.LBB2_6:
0x37: {  	s18 =	sshra.s32 s17, $0x2;
	[sflag:s13] =	ssyncadd.s32 $0xFFFFF800;
	p0 =	sne.s32 s17, $0x9E00  }
0x38: {  	[spmem:s2] =	stream.indirect.scatter.add.f32 [tilespmem:s12], [sflag:$0x1], $0x10, s18, s14, $0xb8;
	[tilespmem:$0x9000] =	vst v63  }
.Ltmp2:
0x39: {  	_ = 	snop;
	(pc) =	sbr.rel @p0 .LBB2_6-.Ltmp2, $4  }
0x3a: {  	_ = 	snop  }
0x3b: {  	s17 =	sadd.s32 $0x200, s17  }
0x3c: {  	_ =	swait.ge [sflag:s13], $0x800  }
0x3d: {  	[sflag:s13] =	ssyncset.done $0x0  }
0x3e: {  	s3 =	sadd.s32 $0x1, s3  }
0x3f: {  	[sflag:s13] =	ssyncadd.s32 $0xFFFFF800;
	p0 =	sne.s32 s3, s7  }
.Ltmp3:
0x40: {  	[bflag:$0x0] =	sbarrier.arrive $0xFFFF;
	(pc) =	sbr.rel @p0 .LBB2_1-.Ltmp3, $4  }
0x41: {  	[hbm:s6], [sflag:s15] =	dma.local [spmem:s16], $0x2800  }
0x42: {  	_ =	swait.ge [sflag:s13], $0x2800  }
0x43: {  	[sflag:s13] =	ssyncset.done $0x0  }
0x44: {  	[sflag:s13] =	ssyncadd.s32 $0xFFFFD800  }
0x45: {  	_ =	sfence.sel $0x180000  }
0x46: {  	[bflag:$0x0] =	sbarrier.arrive $0xFFFF  }
0x47: {  	p0 =	sne.s32 s1, $0x0;
	_ =	strace $0x90000047  }
0x48: {  	s0 =	sadd.s32 @!p0 $0x100000, s0;
	[bflag:$0x2] =	sbarrier.arrive $0xFFFF  }
0x49: {  	[sflag:s0] =	ssyncadd.tile.s32 @!p0 $0x1;
	_ =	shalt  }
.Lfunc_end2:
_tile_overlayer_lowered:
.L_overlay_start_2:
0x4a: {  	(tag) =	ssettag $0x2  }
0x4b: {  	s0 =	rddreg [dreg:$0x0];
	s2 =	stileid.u32  }
0x4c: {  	s1 =	rddreg [dreg:$0x1];
	p0 =	sne.s32 s2, $0x0  }
0x4d: {  	s3 =	rddreg [dreg:$0x2];
	[bflag:$0x3] =	sbarrier.arrive $0xFFFF;
	s2 =	simm.s32 @!p0 $0x1C01  }
0x4e: {  	[timem:s3], [sflag:s2] =	dma.local @!p0 [hbm:s0], s1  }
0x4f: {  	s0 =	simm.s32 @!p0 $0x1  }
0x50: {  	_ =	swait.ge @!p0 [sflag:s0], s1  }
0x51: {  	s1 =	ssub.s32 @!p0 $0x0, s1;
	[sflag:s0] =	ssyncset.done @!p0 $0x0  }
0x52: {  	[sflag:s0] =	ssyncadd.s32 @!p0 s1  }
0x53: {  	[bflag:$0x3] =	sbarrier.arrive $0xFFFF  }
0x54: {  	_ =	shalt  }

// kernel: kernel.16.cloned.1.call-start
scs
__scs_entry_jumppad:
0x0: {  	(pc) =	sbr.rel $0x88, $3  }
0x1: {  	(tag) =	ssettag $0x0;
	lr =	simm.s32 $0x1  }
0x2: {  	[smem:$0x3F95] =	sst lr;
	_ =	strace $0xD0000000  }
0x3: {  	_ = 	snop  }
0x4: {  	_ = 	snop  }
0x5: {  	_ = 	snop  }
0x6: {  	_ = 	snop  }
0x7: {  	_ = 	snop  }
__scs_overlays_trampoline_lowered:
0x8: {  	[smem:$0x3FA4] =	sst s0  }
0x9: {  	[smem:$0x3FA5] =	sst s1  }
0xa: {  	[smem:$0x3FA6] =	sst s2  }
0xb: {  	[smem:$0x3FA7] =	sst s3  }
0xc: {  	[smem:$0x3FA8] =	sst s4  }
0xd: {  	[smem:$0x3FA9] =	sst s5  }
0xe: {  	[smem:$0x3FAA] =	sst s6  }
0xf: {  	[smem:$0x3FAB] =	sst s7  }
0x10: {  	[smem:$0x3FAC] =	sst s8  }
0x11: {  	[smem:$0x3FAD] =	sst s9;
	s0 =	simm.s32 @!p0 $0x0  }
0x12: {  	s1 =	sld [smem:$0x3F93];
	s0 =	simm.s32 @p0 $0x1  }
0x13: {  	[smem:$0x3FAE] =	sst s0;
	s0 =	simm.s32 @!p1 $0x0  }
0x14: {  	s2 =	sld [smem:$0x3F92];
	s0 =	simm.s32 @p1 $0x1  }
0x15: {  	[smem:$0x3FAF] =	sst s0;
	s0 =	simm.s32 @!p2 $0x0  }
0x16: {  	s3 =	sld [smem:$0x3FDB];
	s0 =	simm.s32 @p2 $0x1  }
0x17: {  	s4 =	simm.s32 $0x1BF5;
	[smem:$0x3FB1] =	sst s0  }
0x18: {  	s0 =	sld [smem:$0x3F94];
	_ =	swait.ge [sflag:s4], $0x0  }
0x19: {  	s7 =	sld [smem:$0x3F95]  }
0x1a: {  	s8 =	sadd.s32 $0xFFFFE003, lr  }
0x1b: {  	s9 =	sadd.s32 $0xFFFFFEF7, lr;
	s5 =	simm.s32 $0xFFFFFFFF;
	p2 =	slt.u32 s8, $0xFFFFF086  }
0x1c: {  	p1 =	slt.u32 s9, $0xF7A;
	s5 =	simm.s32 @!p2 $0x0  }
0x1d: {  	s5 =	simm.s32 @p1 $0x1;
	p0 =	seq.s32 s7, s2  }
0x1e: {  	s7 =	smul.u32 @!p0 $0xF7A, s2;
	p2 =	seq.s32 @!p0 s5, $0x0  }
0x1f: {  	s9 =	smul.u32 $0xF7A, s1;
	s8 =	simm.s32 @!p0 $0x1BF5;
	p2 =	por !p2, p0  }
0x20: {  	[sflag:s8] =	ssyncset.s32 @!p0 $0xFFFFF086;
	s6 =	sadd.s32 @!p0 s3, s7;
	s7 =	simm.s32 @!p0 $0x108  }
0x21: {  	s3 =	sadd.s32 s3, s9;
	s6 =	sadd.s32 @!p0 $0x88, s6;
	s7 =	simm.s32 @p2 $0x1082  }
0x22: {  	[simem:s7], [sflag:s8] =	dma.local @!p0 [hbm:s6], $0xF7A  }
0x23: {  	s9 =	sor.u32 $0xD0000000, s2;
	s6 =	simm.s32 $0x108;
	_ =	swait.ge @!p0 [sflag:s8], $0x0  }
0x24: {  	s3 =	sadd.s32 $0x88, s3;
	s6 =	simm.s32 @!p1 $0x1082;
	[sflag:s4] =	ssyncset.s32 $0xFFFFF086  }
0x25: {  	[simem:s6], [sflag:s4] =	dma.local [hbm:s3], $0xF7A  }
0x26: {  	[smem:$0x3F95] =	sst s1;
	(tag) =	ssettag s2;
	_ =	strace s9  }
0x27: {  	s1 =	sld [smem:$0x3FA5]  }
0x28: {  	s2 =	sld [smem:$0x3FA6]  }
0x29: {  	s4 =	sld [smem:$0x3FA8]  }
0x2a: {  	p0 =	seq.s32 s5, $0x0;
	s5 =	sld [smem:$0x3FA9]  }
0x2b: {  	s6 =	sld [smem:$0x3FAA]  }
0x2c: {  	s7 =	sld [smem:$0x3FAB]  }
0x2d: {  	s3 =	simm.s32 $0x108;
	s8 =	sld [smem:$0x3FAC]  }
0x2e: {  	s3 =	simm.s32 @!p0 $0x1082;
	s9 =	sld [smem:$0x3FAD]  }
0x2f: {  	lr =	sadd.s32 s0, s3;
	s0 =	sld [smem:$0x3FA4]  }
0x30: {  	s3 =	sld [smem:$0x3FA7]  }
0x31: {  	[smem:$0x3FB0] =	sst s10  }
0x32: {  	s10 =	sld [smem:$0x3FAE];
	_ =	sdelay $0x3  }
0x33: {  	p0 =	seq.s32 s10, $0x1;
	s10 =	sld [smem:$0x3FB0];
	_ =	sdelay $0x3  }
0x34: {  	[smem:$0x3FB0] =	sst s10  }
0x35: {  	s10 =	sld [smem:$0x3FAF];
	_ =	sdelay $0x3  }
0x36: {  	p1 =	seq.s32 s10, $0x1;
	s10 =	sld [smem:$0x3FB0];
	_ =	sdelay $0x3  }
0x37: {  	[smem:$0x3FB0] =	sst s10  }
0x38: {  	s10 =	sld [smem:$0x3FB1]  }
0x39: {  	_ = 	snop;
	(pc) =	sbr.ind lr, $3  }
0x3a: {  	_ = 	snop  }
0x3b: {  	_ = 	snop  }
0x3c: {  	p2 =	seq.s32 s10, $0x1;
	s10 =	sld [smem:$0x3FB0]  }
0x3d: {  	_ =	shalt  }
0x3e: {  	_ =	shalt  }
0x3f: {  	_ =	shalt  }
0x40: {  	_ =	shalt  }
0x41: {  	_ =	shalt  }
0x42: {  	_ =	shalt  }
0x43: {  	_ =	shalt  }
0x44: {  	_ =	shalt  }
0x45: {  	_ =	shalt  }
0x46: {  	_ =	shalt  }
0x47: {  	_ =	shalt  }
0x48: {  	_ =	shalt  }
0x49: {  	_ =	shalt  }
0x4a: {  	_ =	shalt  }
0x4b: {  	_ =	shalt  }
0x4c: {  	_ =	shalt  }
0x4d: {  	_ =	shalt  }
0x4e: {  	_ =	shalt  }
0x4f: {  	_ =	shalt  }
0x50: {  	_ =	shalt  }
0x51: {  	_ =	shalt  }
0x52: {  	_ =	shalt  }
0x53: {  	_ =	shalt  }
0x54: {  	_ =	shalt  }
0x55: {  	_ =	shalt  }
0x56: {  	_ =	shalt  }
0x57: {  	_ =	shalt  }
0x58: {  	_ =	shalt  }
0x59: {  	_ =	shalt  }
0x5a: {  	_ =	shalt  }
0x5b: {  	_ =	shalt  }
0x5c: {  	_ =	shalt  }
0x5d: {  	_ =	shalt  }
0x5e: {  	_ =	shalt  }
0x5f: {  	_ =	shalt  }
0x60: {  	_ =	shalt  }
0x61: {  	_ =	shalt  }
0x62: {  	_ =	shalt  }
0x63: {  	_ =	shalt  }
0x64: {  	_ =	shalt  }
0x65: {  	_ =	shalt  }
0x66: {  	_ =	shalt  }
0x67: {  	_ =	shalt  }
0x68: {  	_ =	shalt  }
0x69: {  	_ =	shalt  }
0x6a: {  	_ =	shalt  }
0x6b: {  	_ =	shalt  }
0x6c: {  	_ =	shalt  }
0x6d: {  	_ =	shalt  }
0x6e: {  	_ =	shalt  }
0x6f: {  	_ =	shalt  }
0x70: {  	_ =	shalt  }
0x71: {  	_ =	shalt  }
0x72: {  	_ =	shalt  }
0x73: {  	_ =	shalt  }
0x74: {  	_ =	shalt  }
0x75: {  	_ =	shalt  }
0x76: {  	_ =	shalt  }
0x77: {  	_ =	shalt  }
0x78: {  	_ =	shalt  }
0x79: {  	_ =	shalt  }
0x7a: {  	_ =	shalt  }
0x7b: {  	_ =	shalt  }
0x7c: {  	_ =	shalt  }
0x7d: {  	_ =	shalt  }
0x7e: {  	_ =	shalt  }
0x7f: {  	_ =	shalt  }
0x80: {  	_ =	shalt  }
0x81: {  	_ =	shalt  }
0x82: {  	_ =	shalt  }
0x83: {  	_ =	shalt  }
0x84: {  	_ =	shalt  }
0x85: {  	_ =	shalt  }
0x86: {  	_ =	shalt  }
0x87: {  	_ =	shalt  }
.Lfunc_end0:
.L_simem_size_0:
called_computation.1_lowered:
.L_overlay_start_0:
0x88: {  	s2 =	sld [smem:$0x3FD9]  }
0x89: {  	s3 =	sld [smem:$0x3FFE];
	_ =	sdelay $0x1  }
0x8a: {  	s1 =	srdreg.scid  }
0x8b: {  	s0 =	sand.u32 $0x1, s1  }
0x8c: {  	s14 =	sshll.u32 s0, $0xA;
	s2 =	sadd.s32 s3, s2  }
0x8d: {  	s2 =	sadd.s32 s2, s14  }
0x8e: {  	[smem:$0x3FBC] =	sst s2  }
0x8f: {  	_ = 	snop  }
0x90: {  	s2 =	sld [smem:$0x3FD0];
	_ =	sdelay $0x2  }
0x91: {  	s15 =	simm.s32 $0xA;
	s4 =	simm.s32 $0x10  }
0x92: {  	[smem:s4], [sflag:s15] =	dma.local [hbm:s2], $0x1  }
0x93: {  	_ =	swait.eq [sflag:s15], $0x1  }
0x94: {  	[sflag:s15] =	ssyncset.done $0x0  }
0x95: {  	s16 =	sld [smem:$0x10];
	[sflag:s15] =	ssyncadd.s32 $0xFFFFFFFF  }
0x96: {  	s17 =	sld [smem:$0x11];
	(tm) =	ssettm $0x1  }
0x97: {  	s18 =	sld [smem:$0x3FFB];
	_ =	sdelay $0x3  }
0x98: {  	_ =	strace s18  }
0x99: {  	s4 =	sld [smem:$0x3FFC];
	_ =	sdelay $0x3  }
0x9a: {  	_ =	strace s4  }
0x9b: {  	s4 =	sld [smem:$0x3FFD];
	_ =	sdelay $0x3  }
0x9c: {  	_ =	strace s4  }
0x9d: {  	_ =	strace $0x8FFFFFFF  }
0x9e: {  	s19 =	sld [smem:$0x3FDB];
	_ =	sdelay $0x1  }
0x9f: {  	s5 =	simm.s32 $_scs_section_size  }
0xa0: {  	s6 =	simm.s32 $_size__tile_overlayer_lowered;
	s7 =	simm.s32 $_tile_overlayer_lowered  }
0xa1: {  	s22 =	simm.s32 $0x1BFF;
	s21 =	sshll.u32 s7, $0x1;
	s4 =	sadd.s32 s5, s19  }
0xa2: {  	s8 =	simm.s32 $0x0;
	s20 =	sshll.u32 s6, $0x1;
	s6 =	sadd.s32 s21, s4  }
0xa3: {  	[timem:s8], [sflag:s22] =	dma.local [hbm:s6], s20  }
0xa4: {  	_ =	swait.ge [sflag:s22], s20  }
0xa5: {  	s5 =	ssub.s32 $0x0, s20;
	[sflag:s22] =	ssyncset.done $0x0  }
0xa6: {  	[sflag:s22] =	ssyncadd.s32 s5;
	_ =	sdelay $0x1  }
0xa7: {  	s23 =	simm.s32 $0x1B8B  }
0xa8: {  	_ =	swait.ge [sflag:s23], $0x1  }
0xa9: {  	[sflag:s23] =	ssyncset.done $0x0  }
0xaa: {  	s25 =	simm.s32 $0x1B8E;
	s24 =	sld [smem:$0x3FFE];
	[sflag:s23] =	ssyncadd.s32 $0xFFFFFFFF  }
0xab: {  	s26 =	simm.s32 $execute0_lowered;
	[smem:$0x3FD2] =	sst s25  }
0xac: {  	s6 =	sshll.u32 s26, $0x1;
	_ =	strace $0x80000049;
	[dreg:$0x1] =	wrdreg $0xFFFFFFFF  }
0xad: {  	s28 =	simm.s32 $_size_execute0_lowered;
	s4 =	sadd.s32 s4, s6;
	[dreg:$0x0] =	wrdreg $0x0  }
0xae: {  	s6 =	sshll.u32 s28, $0x1;
	[dreg:$0x2] =	wrdreg s4  }
0xaf: {  	[dreg:$0x3] =	wrdreg s6  }
0xb0: {  	[dreg:$0x4] =	wrdreg $0xC0  }
0xb1: {  	_ =	task [dreg:s8], $0x5FFFF  }
0xb2: {  	[dreg:$0x1] =	wrdreg $0xFFFFFFFF  }
0xb3: {  	[dreg:$0x0] =	wrdreg $0x60  }
0xb4: {  	[dreg:$0x2] =	wrdreg s24  }
0xb5: {  	[dreg:$0x3] =	wrdreg s17  }
0xb6: {  	[dreg:$0x4] =	wrdreg s16  }
0xb7: {  	[dreg:$0x5] =	wrdreg $0x90000  }
0xb8: {  	[dreg:$0x6] =	wrdreg $0x9  }
0xb9: {  	_ =	task.clear_ibuf [dreg:s8], $0x7FFFF;
	_ =	strace $0x90000049  }
0xba: {  	s29 =	simm.s32 $0x9;
	_ =	strace $0x8000004B  }
0xbb: {  	_ =	swait.ge [sflag:s29], $0x1  }
0xbc: {  	[sflag:s29] =	ssyncadd.s32 $0xFFFFFFFF  }
0xbd: {  	_ =	strace $0x9000004B  }
0xbe: {  	_ =	sfence  }
0xbf: {  	s30 =	sld [smem:$0x0];
	_ =	sdelay $0x2  }
0xc0: {  	s31 =	sshll.u32 s1, $0xD;
	s1 =	sshrl.u32 s1, $0x2  }
0xc1: {  	s3 =	sand.u32 $0x4000, s31;
	s1 =	sadd.s32 s1, s30  }
0xc2: {  	s0 =	sor.u32 s3, s0;
	s1 =	sshll.u32 s1, $0x11  }
0xc3: {  	s0 =	sor.u32 s1, s0  }
0xc4: {  	s0 =	sadd.s32 $0x8F2B, s0  }
0xc5: {  	[sflag:s0] =	ssyncadd.remote.s32 $0x1  }
0xc6: {  	_ =	sfence.sel $0xFFFF  }
0xc7: {  	[dreg:$0x0] =	wrdreg $0xFFFFFFFF;
	(pc) =	sbr.abs _section_cstart, $3  }
0xc8: {  	[dreg:$0x1] =	wrdreg $0xFFFFFFFF  }
0xc9: {  	_ =	task.clear_ibuf [dreg:s8], $0x2FFFF;
	_ =	strace $0x9FFFFFFF  }
0xca: {  	(tm) =	ssettm $0x7FFFFFFF  }
0xcb: {  	_ =	shalt  }
tec
execute0_lowered:
.L_overlay_start_1:
0x0: {  	(tag) =	ssettag $0x1  }
0x1: {  	s5 =	rddreg [dreg:$0x0]  }
0x2: {  	s7 =	rddreg [dreg:$0x1]  }
0x3: {  	s8 =	rddreg [dreg:$0x2]  }
0x4: {  	s0 =	srdreg.scid;
	s2 =	rddreg [dreg:$0x3];
	s3 =	simm.s32 $0x0  }
0x5: {  	s14 =	simm.s32 $0x5000;
	s15 =	simm.s32 $0x2;
	s16 =	simm.s32 $0x2800  }
0x6: {  	s17 =	simm.s32 $0x80;
	s4 =	sand.u32 $0x1, s0;
	s0 =	stileid.u32  }
0x7: {  	s18 =	simm.s32 $0x1;
	[smem:$0x7FF] =	sst s3;
	s6 =	smul.u32 $0x50000, s0  }
0x8: {  	s1 =	sshll.u32 s4, $0x4;
	s10 =	smul.u32 $0x140000, s4;
	s11 =	ssub.s32 $0x2, s4  }
0x9: {  	s12 =	smul.u32 $0x14000, s0;
	s4 =	sadd.s32 $0x5F800, s5;
	s19 =	sshll.u32 s0, $0x6  }
0xa: {  	s1 =	sor.u32 s0, s1;
	s30 =	sshrl.u32 s11, $0x1;
	s19 =	sor.u32 $0x1C02, s19  }
0xb: {  	s9 =	smul.u32 $0x500, s1;
	s1 =	rddreg [dreg:$0x4];
	_ =	strace $0x8000004A  }
0xc: {  	s11 =	ssub.s32 s11, s30;
	s31 =	sshrl.u32 s6, $0x2;
	s10 =	sadd.s32 s12, s10  }
0xd: {  	s10 =	sshrl.u32 s10, $0x3;
	s13 =	sadd.s32 s9, s5;
	s5 =	sadd.s32 s31, s2  }
0xe: {  	s7 =	sadd.s32 s7, s9;
	s8 =	sadd.s32 s8, s10;
	s9 =	smax.u32 s11, $0x1  }
0xf: {  	s6 =	sadd.s32 $0x5800, s13;
	s10 =	sadd.s32 $0x4000, s5;
	s11 =	sadd.s32 $0x8000, s5  }
0x10: {  	v0 =	vimm.f32 $0.0e+00;
	s12 =	sadd.s32 $0xC000, s5;
	s13 =	sadd.s32 $0x10000, s5;
	s20 =	sshrl.u32 s5, $0x3  }
.LBB2_1:
0x11: {  	s21 =	simm.s32 $0x0;
	s22 =	simm.s32 $0x200  }
.LBB2_2:
0x12: {  	p0 =	sne.s32 s22, $0xFE00;
	[tilespmem:s21+$0x5070] =	vst v0  }
0x13: {  	[tilespmem:s21+$0x5000] =	vst v0  }
0x14: {  	[tilespmem:s21+$0x5010] =	vst v0  }
.Ltmp0:
0x15: {  	[tilespmem:s21+$0x5020] =	vst v0;
	(pc) =	sbr.rel @p0 .LBB2_2-.Ltmp0, $4  }
0x16: {  	[tilespmem:s21+$0x5030] =	vst v0  }
0x17: {  	[tilespmem:s21+$0x5040] =	vst v0  }
0x18: {  	[tilespmem:s21+$0x5050] =	vst v0  }
0x19: {  	[tilespmem:s21+$0x5060] =	vst v0;
	s21 =	sshra.s32 s22, $0x2;
	s22 =	sadd.s32 $0x200, s22  }
0x1a: {  	[tilespmem:s21+$0x5070] =	vst v0  }
0x1b: {  	[tilespmem:s21+$0x5000] =	vst v0  }
0x1c: {  	[tilespmem:s21+$0x5010] =	vst v0  }
0x1d: {  	[tilespmem:s21+$0x5020] =	vst v0  }
0x1e: {  	[tilespmem:s21+$0x5030] =	vst v0  }
0x1f: {  	[tilespmem:s21+$0x5040] =	vst v0  }
0x20: {  	[tilespmem:s21+$0x5050] =	vst v0  }
0x21: {  	[tilespmem:s21+$0x5060] =	vst v0  }
0x22: {  	[spmem:s5] =	stream.linear.scatter [tilespmem:s14], [sflag:$0x2], $0x4000, $0x38;
	[tilespmem:$0x1D000] =	vst v63  }
0x23: {  	_ =	swait.ge [sflag:s15], $0x4000  }
0x24: {  	[sflag:s15] =	ssyncset.done $0x0  }
0x25: {  	[sflag:s15] =	ssyncadd.s32 $0xFFFFC000  }
0x26: {  	[spmem:s10] =	stream.linear.scatter [tilespmem:s14], [sflag:$0x2], $0x4000, $0x38;
	[tilespmem:$0x1D000] =	vst v63  }
0x27: {  	_ =	swait.ge [sflag:s15], $0x4000  }
0x28: {  	[sflag:s15] =	ssyncset.done $0x0  }
0x29: {  	[sflag:s15] =	ssyncadd.s32 $0xFFFFC000  }
0x2a: {  	[spmem:s11] =	stream.linear.scatter [tilespmem:s14], [sflag:$0x2], $0x4000, $0x38;
	[tilespmem:$0x1D000] =	vst v63  }
0x2b: {  	_ =	swait.ge [sflag:s15], $0x4000  }
0x2c: {  	[sflag:s15] =	ssyncset.done $0x0  }
0x2d: {  	[sflag:s15] =	ssyncadd.s32 $0xFFFFC000  }
0x2e: {  	[spmem:s12] =	stream.linear.scatter [tilespmem:s14], [sflag:$0x2], $0x4000, $0x38;
	[tilespmem:$0x1D000] =	vst v63  }
0x2f: {  	_ =	swait.ge [sflag:s15], $0x4000  }
0x30: {  	[sflag:s15] =	ssyncset.done $0x0  }
0x31: {  	[sflag:s15] =	ssyncadd.s32 $0xFFFFC000  }
0x32: {  	[spmem:s13] =	stream.linear.scatter [tilespmem:s14], [sflag:$0x2], $0x4000, $0x38;
	[tilespmem:$0x1D000] =	vst v63  }
0x33: {  	_ =	swait.ge [sflag:s15], $0x4000  }
0x34: {  	[sflag:s15] =	ssyncset.done $0x0  }
0x35: {  	s29 =	simm.s32 $0x0;
	[sflag:s15] =	ssyncadd.s32 $0xFFFFC000  }
0x36: {  	[tilespmem:s29], [sflag:$0x2] =	stream.linear.gather [hbm4b:s6+s29], $0x2800, $0x38;
	[tilespmem:$0x1D000] =	vst v63  }
0x37: {  	_ =	swait.ge [sflag:s15], $0x2800  }
0x38: {  	[sflag:s15] =	ssyncset.done $0x0  }
0x39: {  	[sflag:s15] =	ssyncadd.s32 $0xFFFFD800  }
0x3a: {  	[tilespmem:s16], [sflag:$0x2] =	stream.linear.gather [hbm4b:s7+s29], $0x2800, $0x38;
	[tilespmem:$0x1D000] =	vst v63  }
0x3b: {  	_ =	swait.ge [sflag:s15], $0x2800  }
0x3c: {  	[sflag:s15] =	ssyncset.done $0x0  }
0x3d: {  	[sflag:s15] =	ssyncadd.s32 $0xFFFFD800  }
0x3e: {  	s30 =	simm.s32 $0x0;
	[bflag:$0x0] =	sbarrier.arrive $0xFFFF  }
0x3f: {  	[tilespmem:s14], [sflag:$0x1] =	stream.indirect.gather [hbm4b:s4+s17], $0x80, s30, s17, $0xb8;
	[tilespmem:$0x1D000] =	vst v63  }
0x40: {  	_ =	swait.ge [sflag:s18], $0x4000  }
0x41: {  	[sflag:s18] =	ssyncset.done $0x0  }
0x42: {  	s31 =	simm.s32 $0x2800;
	[sflag:s18] =	ssyncadd.s32 $0xFFFFC000  }
0x43: {  	[spmem:s2] =	stream.indirect.scatter.add.f32 [tilespmem:s14], [sflag:$0x2], $0x80, s31, s17, $0xb8;
	[tilespmem:$0x1D000] =	vst v63  }
0x44: {  	_ =	swait.ge [sflag:s15], $0x4000  }
0x45: {  	s21 =	simm.s32 $0x200;
	s22 =	simm.s32 $0x400;
	[sflag:s15] =	ssyncset.done $0x0  }
.LBB2_4:
0x46: {  	s23 =	sshra.s32 s21, $0x2  }
0x47: {  	[sflag:s15] =	ssyncadd.s32 $0xFFFFC000;
	s21 =	smov.u32 s22;
	s24 =	sadd.s32 $0x200, s22  }
0x48: {  	[tilespmem:s14], [sflag:$0x1] =	stream.indirect.gather [hbm4b:s4+s17], $0x80, s23, s17, $0xb8;
	[tilespmem:$0x1D000] =	vst v63  }
0x49: {  	p0 =	sne.s32 s22, $0x9E00;
	_ =	swait.ge [sflag:s18], $0x4000  }
.Ltmp1:
0x4a: {  	[sflag:s18] =	ssyncset.done $0x0;
	(pc) =	sbr.rel @p0 .LBB2_4-.Ltmp1, $4  }
0x4b: {  	s22 =	sadd.s32 $0x2800, s23;
	[sflag:s18] =	ssyncadd.s32 $0xFFFFC000  }
0x4c: {  	[spmem:s2] =	stream.indirect.scatter.add.f32 [tilespmem:s14], [sflag:$0x2], $0x80, s22, s17, $0xb8;
	[tilespmem:$0x1D000] =	vst v63  }
0x4d: {  	_ =	swait.ge [sflag:s15], $0x4000  }
0x4e: {  	s22 =	smov.u32 s24;
	[sflag:s15] =	ssyncset.done $0x0  }
0x4f: {  	s21 =	sshra.s32 s21, $0x2;
	[sflag:s15] =	ssyncadd.s32 $0xFFFFC000  }
0x50: {  	[tilespmem:s14], [sflag:$0x1] =	stream.indirect.gather [hbm4b:s4+s17], $0x80, s21, s17, $0xb8;
	[tilespmem:$0x1D000] =	vst v63  }
0x51: {  	_ =	swait.ge [sflag:s18], $0x4000  }
0x52: {  	[sflag:s18] =	ssyncset.done $0x0  }
0x53: {  	s21 =	sadd.s32 $0x2800, s21;
	[sflag:s18] =	ssyncadd.s32 $0xFFFFC000  }
0x54: {  	[spmem:s2] =	stream.indirect.scatter.add.f32 [tilespmem:s14], [sflag:$0x2], $0x80, s21, s17, $0xb8;
	[tilespmem:$0x1D000] =	vst v63  }
0x55: {  	_ =	swait.ge [sflag:s15], $0x4000  }
0x56: {  	s3 =	sadd.s32 $0x1, s3;
	[sflag:s15] =	ssyncset.done $0x0  }
0x57: {  	p0 =	sne.s32 s3, s9;
	[sflag:s15] =	ssyncadd.s32 $0xFFFFC000  }
.Ltmp2:
0x58: {  	[bflag:$0x0] =	sbarrier.arrive $0xFFFF;
	(pc) =	sbr.rel @p0 .LBB2_1-.Ltmp2, $4  }
0x59: {  	[hbm:s8], [sflag:s19] =	dma.local [spmem:s20], $0x2800  }
0x5a: {  	_ =	swait.ge [sflag:s15], $0x2800  }
0x5b: {  	[sflag:s15] =	ssyncset.done $0x0  }
0x5c: {  	[sflag:s15] =	ssyncadd.s32 $0xFFFFD800  }
0x5d: {  	_ =	sfence.sel $0x180000  }
0x5e: {  	[bflag:$0x0] =	sbarrier.arrive $0xFFFF  }
0x5f: {  	p0 =	sne.s32 s0, $0x0;
	_ =	strace $0x9000004A  }
0x60: {  	s0 =	sadd.s32 @!p0 $0x100000, s1;
	[bflag:$0x2] =	sbarrier.arrive $0xFFFF  }
0x61: {  	[sflag:s0] =	ssyncadd.tile.s32 @!p0 $0x1;
	_ =	shalt  }
.Lfunc_end2:
_tile_overlayer_lowered:
.L_overlay_start_2:
0x62: {  	(tag) =	ssettag $0x2  }
0x63: {  	s0 =	rddreg [dreg:$0x0];
	s2 =	stileid.u32  }
0x64: {  	s1 =	rddreg [dreg:$0x1];
	p0 =	sne.s32 s2, $0x0  }
0x65: {  	s3 =	rddreg [dreg:$0x2];
	[bflag:$0x3] =	sbarrier.arrive $0xFFFF;
	s2 =	simm.s32 @!p0 $0x1C02  }
0x66: {  	[timem:s3], [sflag:s2] =	dma.local @!p0 [hbm:s0], s1  }
0x67: {  	s0 =	simm.s32 @!p0 $0x2  }
0x68: {  	_ =	swait.ge @!p0 [sflag:s0], s1  }
0x69: {  	s1 =	ssub.s32 @!p0 $0x0, s1;
	[sflag:s0] =	ssyncset.done @!p0 $0x0  }
0x6a: {  	[sflag:s0] =	ssyncadd.s32 @!p0 s1  }
0x6b: {  	[bflag:$0x3] =	sbarrier.arrive $0xFFFF  }
0x6c: {  	_ =	shalt  }

// kernel: kernel.19.cloned.1.call-start
scs
__scs_entry_jumppad:
0x0: {  	(pc) =	sbr.rel $0x88, $3  }
0x1: {  	(tag) =	ssettag $0x0;
	lr =	simm.s32 $0x1  }
0x2: {  	[smem:$0x3F95] =	sst lr;
	_ =	strace $0xD0000000  }
0x3: {  	_ = 	snop  }
0x4: {  	_ = 	snop  }
0x5: {  	_ = 	snop  }
0x6: {  	_ = 	snop  }
0x7: {  	_ = 	snop  }
__scs_overlays_trampoline_lowered:
0x8: {  	[smem:$0x3FA4] =	sst s0  }
0x9: {  	[smem:$0x3FA5] =	sst s1  }
0xa: {  	[smem:$0x3FA6] =	sst s2  }
0xb: {  	[smem:$0x3FA7] =	sst s3  }
0xc: {  	[smem:$0x3FA8] =	sst s4  }
0xd: {  	[smem:$0x3FA9] =	sst s5  }
0xe: {  	[smem:$0x3FAA] =	sst s6  }
0xf: {  	[smem:$0x3FAB] =	sst s7  }
0x10: {  	[smem:$0x3FAC] =	sst s8  }
0x11: {  	[smem:$0x3FAD] =	sst s9;
	s0 =	simm.s32 @!p0 $0x0  }
0x12: {  	s1 =	sld [smem:$0x3F93];
	s0 =	simm.s32 @p0 $0x1  }
0x13: {  	[smem:$0x3FAE] =	sst s0;
	s0 =	simm.s32 @!p1 $0x0  }
0x14: {  	s2 =	sld [smem:$0x3F92];
	s0 =	simm.s32 @p1 $0x1  }
0x15: {  	[smem:$0x3FAF] =	sst s0;
	s0 =	simm.s32 @!p2 $0x0  }
0x16: {  	s3 =	sld [smem:$0x3FDB];
	s0 =	simm.s32 @p2 $0x1  }
0x17: {  	s4 =	simm.s32 $0x1BF5;
	[smem:$0x3FB1] =	sst s0  }
0x18: {  	s0 =	sld [smem:$0x3F94];
	_ =	swait.ge [sflag:s4], $0x0  }
0x19: {  	s7 =	sld [smem:$0x3F95]  }
0x1a: {  	s8 =	sadd.s32 $0xFFFFE003, lr  }
0x1b: {  	s9 =	sadd.s32 $0xFFFFFEF7, lr;
	s5 =	simm.s32 $0xFFFFFFFF;
	p2 =	slt.u32 s8, $0xFFFFF086  }
0x1c: {  	p1 =	slt.u32 s9, $0xF7A;
	s5 =	simm.s32 @!p2 $0x0  }
0x1d: {  	s5 =	simm.s32 @p1 $0x1;
	p0 =	seq.s32 s7, s2  }
0x1e: {  	s7 =	smul.u32 @!p0 $0xF7A, s2;
	p2 =	seq.s32 @!p0 s5, $0x0  }
0x1f: {  	s9 =	smul.u32 $0xF7A, s1;
	s8 =	simm.s32 @!p0 $0x1BF5;
	p2 =	por !p2, p0  }
0x20: {  	[sflag:s8] =	ssyncset.s32 @!p0 $0xFFFFF086;
	s6 =	sadd.s32 @!p0 s3, s7;
	s7 =	simm.s32 @!p0 $0x108  }
0x21: {  	s3 =	sadd.s32 s3, s9;
	s6 =	sadd.s32 @!p0 $0x88, s6;
	s7 =	simm.s32 @p2 $0x1082  }
0x22: {  	[simem:s7], [sflag:s8] =	dma.local @!p0 [hbm:s6], $0xF7A  }
0x23: {  	s9 =	sor.u32 $0xD0000000, s2;
	s6 =	simm.s32 $0x108;
	_ =	swait.ge @!p0 [sflag:s8], $0x0  }
0x24: {  	s3 =	sadd.s32 $0x88, s3;
	s6 =	simm.s32 @!p1 $0x1082;
	[sflag:s4] =	ssyncset.s32 $0xFFFFF086  }
0x25: {  	[simem:s6], [sflag:s4] =	dma.local [hbm:s3], $0xF7A  }
0x26: {  	[smem:$0x3F95] =	sst s1;
	(tag) =	ssettag s2;
	_ =	strace s9  }
0x27: {  	s1 =	sld [smem:$0x3FA5]  }
0x28: {  	s2 =	sld [smem:$0x3FA6]  }
0x29: {  	s4 =	sld [smem:$0x3FA8]  }
0x2a: {  	p0 =	seq.s32 s5, $0x0;
	s5 =	sld [smem:$0x3FA9]  }
0x2b: {  	s6 =	sld [smem:$0x3FAA]  }
0x2c: {  	s7 =	sld [smem:$0x3FAB]  }
0x2d: {  	s3 =	simm.s32 $0x108;
	s8 =	sld [smem:$0x3FAC]  }
0x2e: {  	s3 =	simm.s32 @!p0 $0x1082;
	s9 =	sld [smem:$0x3FAD]  }
0x2f: {  	lr =	sadd.s32 s0, s3;
	s0 =	sld [smem:$0x3FA4]  }
0x30: {  	s3 =	sld [smem:$0x3FA7]  }
0x31: {  	[smem:$0x3FB0] =	sst s10  }
0x32: {  	s10 =	sld [smem:$0x3FAE];
	_ =	sdelay $0x3  }
0x33: {  	p0 =	seq.s32 s10, $0x1;
	s10 =	sld [smem:$0x3FB0];
	_ =	sdelay $0x3  }
0x34: {  	[smem:$0x3FB0] =	sst s10  }
0x35: {  	s10 =	sld [smem:$0x3FAF];
	_ =	sdelay $0x3  }
0x36: {  	p1 =	seq.s32 s10, $0x1;
	s10 =	sld [smem:$0x3FB0];
	_ =	sdelay $0x3  }
0x37: {  	[smem:$0x3FB0] =	sst s10  }
0x38: {  	s10 =	sld [smem:$0x3FB1]  }
0x39: {  	_ = 	snop;
	(pc) =	sbr.ind lr, $3  }
0x3a: {  	_ = 	snop  }
0x3b: {  	_ = 	snop  }
0x3c: {  	p2 =	seq.s32 s10, $0x1;
	s10 =	sld [smem:$0x3FB0]  }
0x3d: {  	_ =	shalt  }
0x3e: {  	_ =	shalt  }
0x3f: {  	_ =	shalt  }
0x40: {  	_ =	shalt  }
0x41: {  	_ =	shalt  }
0x42: {  	_ =	shalt  }
0x43: {  	_ =	shalt  }
0x44: {  	_ =	shalt  }
0x45: {  	_ =	shalt  }
0x46: {  	_ =	shalt  }
0x47: {  	_ =	shalt  }
0x48: {  	_ =	shalt  }
0x49: {  	_ =	shalt  }
0x4a: {  	_ =	shalt  }
0x4b: {  	_ =	shalt  }
0x4c: {  	_ =	shalt  }
0x4d: {  	_ =	shalt  }
0x4e: {  	_ =	shalt  }
0x4f: {  	_ =	shalt  }
0x50: {  	_ =	shalt  }
0x51: {  	_ =	shalt  }
0x52: {  	_ =	shalt  }
0x53: {  	_ =	shalt  }
0x54: {  	_ =	shalt  }
0x55: {  	_ =	shalt  }
0x56: {  	_ =	shalt  }
0x57: {  	_ =	shalt  }
0x58: {  	_ =	shalt  }
0x59: {  	_ =	shalt  }
0x5a: {  	_ =	shalt  }
0x5b: {  	_ =	shalt  }
0x5c: {  	_ =	shalt  }
0x5d: {  	_ =	shalt  }
0x5e: {  	_ =	shalt  }
0x5f: {  	_ =	shalt  }
0x60: {  	_ =	shalt  }
0x61: {  	_ =	shalt  }
0x62: {  	_ =	shalt  }
0x63: {  	_ =	shalt  }
0x64: {  	_ =	shalt  }
0x65: {  	_ =	shalt  }
0x66: {  	_ =	shalt  }
0x67: {  	_ =	shalt  }
0x68: {  	_ =	shalt  }
0x69: {  	_ =	shalt  }
0x6a: {  	_ =	shalt  }
0x6b: {  	_ =	shalt  }
0x6c: {  	_ =	shalt  }
0x6d: {  	_ =	shalt  }
0x6e: {  	_ =	shalt  }
0x6f: {  	_ =	shalt  }
0x70: {  	_ =	shalt  }
0x71: {  	_ =	shalt  }
0x72: {  	_ =	shalt  }
0x73: {  	_ =	shalt  }
0x74: {  	_ =	shalt  }
0x75: {  	_ =	shalt  }
0x76: {  	_ =	shalt  }
0x77: {  	_ =	shalt  }
0x78: {  	_ =	shalt  }
0x79: {  	_ =	shalt  }
0x7a: {  	_ =	shalt  }
0x7b: {  	_ =	shalt  }
0x7c: {  	_ =	shalt  }
0x7d: {  	_ =	shalt  }
0x7e: {  	_ =	shalt  }
0x7f: {  	_ =	shalt  }
0x80: {  	_ =	shalt  }
0x81: {  	_ =	shalt  }
0x82: {  	_ =	shalt  }
0x83: {  	_ =	shalt  }
0x84: {  	_ =	shalt  }
0x85: {  	_ =	shalt  }
0x86: {  	_ =	shalt  }
0x87: {  	_ =	shalt  }
.Lfunc_end0:
.L_simem_size_0:
called_computation.2_lowered:
.L_overlay_start_0:
0x88: {  	s2 =	sld [smem:$0x3FD9]  }
0x89: {  	s3 =	sld [smem:$0x3FFE];
	_ =	sdelay $0x1  }
0x8a: {  	s1 =	srdreg.scid  }
0x8b: {  	s0 =	sand.u32 $0x1, s1  }
0x8c: {  	s14 =	sshll.u32 s0, $0xA;
	s2 =	sadd.s32 s3, s2  }
0x8d: {  	s2 =	sadd.s32 s2, s14  }
0x8e: {  	[smem:$0x3FBC] =	sst s2  }
0x8f: {  	_ = 	snop  }
0x90: {  	s2 =	sld [smem:$0x3FD0];
	_ =	sdelay $0x2  }
0x91: {  	s15 =	simm.s32 $0xA;
	s4 =	simm.s32 $0x10  }
0x92: {  	[smem:s4], [sflag:s15] =	dma.local [hbm:s2], $0x1  }
0x93: {  	_ =	swait.eq [sflag:s15], $0x1  }
0x94: {  	[sflag:s15] =	ssyncset.done $0x0  }
0x95: {  	s16 =	sld [smem:$0x10];
	[sflag:s15] =	ssyncadd.s32 $0xFFFFFFFF  }
0x96: {  	s17 =	sld [smem:$0x11];
	(tm) =	ssettm $0x1  }
0x97: {  	s18 =	sld [smem:$0x3FFB];
	_ =	sdelay $0x3  }
0x98: {  	_ =	strace s18  }
0x99: {  	s4 =	sld [smem:$0x3FFC];
	_ =	sdelay $0x3  }
0x9a: {  	_ =	strace s4  }
0x9b: {  	s4 =	sld [smem:$0x3FFD];
	_ =	sdelay $0x3  }
0x9c: {  	_ =	strace s4  }
0x9d: {  	_ =	strace $0x8FFFFFFF  }
0x9e: {  	s19 =	sld [smem:$0x3FDB];
	_ =	sdelay $0x1  }
0x9f: {  	s5 =	simm.s32 $_scs_section_size  }
0xa0: {  	s6 =	simm.s32 $_size__tile_overlayer_lowered;
	s7 =	simm.s32 $_tile_overlayer_lowered  }
0xa1: {  	s22 =	simm.s32 $0x1BFF;
	s21 =	sshll.u32 s7, $0x1;
	s4 =	sadd.s32 s5, s19  }
0xa2: {  	s8 =	simm.s32 $0x0;
	s20 =	sshll.u32 s6, $0x1;
	s6 =	sadd.s32 s21, s4  }
0xa3: {  	[timem:s8], [sflag:s22] =	dma.local [hbm:s6], s20  }
0xa4: {  	_ =	swait.ge [sflag:s22], s20  }
0xa5: {  	s5 =	ssub.s32 $0x0, s20;
	[sflag:s22] =	ssyncset.done $0x0  }
0xa6: {  	[sflag:s22] =	ssyncadd.s32 s5;
	_ =	sdelay $0x1  }
0xa7: {  	s23 =	simm.s32 $0x1B8B  }
0xa8: {  	_ =	swait.ge [sflag:s23], $0x1  }
0xa9: {  	[sflag:s23] =	ssyncset.done $0x0  }
0xaa: {  	s25 =	simm.s32 $0x1B8E;
	s24 =	sld [smem:$0x3FFE];
	[sflag:s23] =	ssyncadd.s32 $0xFFFFFFFF  }
0xab: {  	s26 =	simm.s32 $execute0_lowered;
	[smem:$0x3FD2] =	sst s25  }
0xac: {  	s6 =	sshll.u32 s26, $0x1;
	_ =	strace $0x8000004C;
	[dreg:$0x1] =	wrdreg $0xFFFFFFFF  }
0xad: {  	s28 =	simm.s32 $_size_execute0_lowered;
	s4 =	sadd.s32 s4, s6;
	[dreg:$0x0] =	wrdreg $0x0  }
0xae: {  	s6 =	sshll.u32 s28, $0x1;
	[dreg:$0x2] =	wrdreg s4  }
0xaf: {  	[dreg:$0x3] =	wrdreg s6  }
0xb0: {  	[dreg:$0x4] =	wrdreg $0xC0  }
0xb1: {  	_ =	task [dreg:s8], $0x5FFFF  }
0xb2: {  	[dreg:$0x1] =	wrdreg $0xFFFFFFFF  }
0xb3: {  	[dreg:$0x0] =	wrdreg $0x60  }
0xb4: {  	[dreg:$0x2] =	wrdreg s24  }
0xb5: {  	[dreg:$0x3] =	wrdreg s17  }
0xb6: {  	[dreg:$0x4] =	wrdreg s16  }
0xb7: {  	[dreg:$0x5] =	wrdreg $0x90000  }
0xb8: {  	[dreg:$0x6] =	wrdreg $0x9  }
0xb9: {  	_ =	task.clear_ibuf [dreg:s8], $0x7FFFF;
	_ =	strace $0x9000004C  }
0xba: {  	s29 =	simm.s32 $0x9;
	_ =	strace $0x8000004E  }
0xbb: {  	_ =	swait.ge [sflag:s29], $0x1  }
0xbc: {  	[sflag:s29] =	ssyncadd.s32 $0xFFFFFFFF  }
0xbd: {  	_ =	strace $0x9000004E  }
0xbe: {  	_ =	sfence  }
0xbf: {  	s30 =	sld [smem:$0x0];
	_ =	sdelay $0x2  }
0xc0: {  	s31 =	sshll.u32 s1, $0xD;
	s1 =	sshrl.u32 s1, $0x2  }
0xc1: {  	s3 =	sand.u32 $0x4000, s31;
	s1 =	sadd.s32 s1, s30  }
0xc2: {  	s0 =	sor.u32 s3, s0;
	s1 =	sshll.u32 s1, $0x11  }
0xc3: {  	s0 =	sor.u32 s1, s0  }
0xc4: {  	s0 =	sadd.s32 $0x8F2B, s0  }
0xc5: {  	[sflag:s0] =	ssyncadd.remote.s32 $0x1  }
0xc6: {  	_ =	sfence.sel $0xFFFF  }
0xc7: {  	[dreg:$0x0] =	wrdreg $0xFFFFFFFF;
	(pc) =	sbr.abs _section_cstart, $3  }
0xc8: {  	[dreg:$0x1] =	wrdreg $0xFFFFFFFF  }
0xc9: {  	_ =	task.clear_ibuf [dreg:s8], $0x2FFFF;
	_ =	strace $0x9FFFFFFF  }
0xca: {  	(tm) =	ssettm $0x7FFFFFFF  }
0xcb: {  	_ =	shalt  }
tec
execute0_lowered:
.L_overlay_start_1:
0x0: {  	(tag) =	ssettag $0x1  }
0x1: {  	s5 =	rddreg [dreg:$0x0]  }
0x2: {  	s7 =	rddreg [dreg:$0x1]  }
0x3: {  	s8 =	rddreg [dreg:$0x2]  }
0x4: {  	s0 =	srdreg.scid;
	s2 =	rddreg [dreg:$0x3];
	s3 =	simm.s32 $0x0  }
0x5: {  	s14 =	simm.s32 $0x5000;
	s15 =	simm.s32 $0x2;
	s16 =	simm.s32 $0x2800  }
0x6: {  	s17 =	simm.s32 $0x80;
	s4 =	sand.u32 $0x1, s0;
	s0 =	stileid.u32  }
0x7: {  	s18 =	simm.s32 $0x1;
	[smem:$0x7FF] =	sst s3;
	s6 =	smul.u32 $0x50000, s0  }
0x8: {  	s1 =	sshll.u32 s4, $0x4;
	s10 =	smul.u32 $0x140000, s4;
	s11 =	ssub.s32 $0x2, s4  }
0x9: {  	s12 =	smul.u32 $0x14000, s0;
	s4 =	sadd.s32 $0x5F800, s5;
	s19 =	sshll.u32 s0, $0x6  }
0xa: {  	s1 =	sor.u32 s0, s1;
	s30 =	sshrl.u32 s11, $0x1;
	s19 =	sor.u32 $0x1C02, s19  }
0xb: {  	s9 =	smul.u32 $0x500, s1;
	s1 =	rddreg [dreg:$0x4];
	_ =	strace $0x8000004D  }
0xc: {  	s11 =	ssub.s32 s11, s30;
	s31 =	sshrl.u32 s6, $0x2;
	s10 =	sadd.s32 s12, s10  }
0xd: {  	s10 =	sshrl.u32 s10, $0x3;
	s13 =	sadd.s32 s9, s5;
	s5 =	sadd.s32 s31, s2  }
0xe: {  	s7 =	sadd.s32 s7, s9;
	s8 =	sadd.s32 s8, s10;
	s9 =	smax.u32 s11, $0x1  }
0xf: {  	s6 =	sadd.s32 $0x5800, s13;
	s10 =	sadd.s32 $0x4000, s5;
	s11 =	sadd.s32 $0x8000, s5  }
0x10: {  	v0 =	vimm.f32 $0.0e+00;
	s12 =	sadd.s32 $0xC000, s5;
	s13 =	sadd.s32 $0x10000, s5;
	s20 =	sshrl.u32 s5, $0x3  }
.LBB2_1:
0x11: {  	s21 =	simm.s32 $0x0;
	s22 =	simm.s32 $0x200  }
.LBB2_2:
0x12: {  	p0 =	sne.s32 s22, $0xFE00;
	[tilespmem:s21+$0x5070] =	vst v0  }
0x13: {  	[tilespmem:s21+$0x5000] =	vst v0  }
0x14: {  	[tilespmem:s21+$0x5010] =	vst v0  }
.Ltmp0:
0x15: {  	[tilespmem:s21+$0x5020] =	vst v0;
	(pc) =	sbr.rel @p0 .LBB2_2-.Ltmp0, $4  }
0x16: {  	[tilespmem:s21+$0x5030] =	vst v0  }
0x17: {  	[tilespmem:s21+$0x5040] =	vst v0  }
0x18: {  	[tilespmem:s21+$0x5050] =	vst v0  }
0x19: {  	[tilespmem:s21+$0x5060] =	vst v0;
	s21 =	sshra.s32 s22, $0x2;
	s22 =	sadd.s32 $0x200, s22  }
0x1a: {  	[tilespmem:s21+$0x5070] =	vst v0  }
0x1b: {  	[tilespmem:s21+$0x5000] =	vst v0  }
0x1c: {  	[tilespmem:s21+$0x5010] =	vst v0  }
0x1d: {  	[tilespmem:s21+$0x5020] =	vst v0  }
0x1e: {  	[tilespmem:s21+$0x5030] =	vst v0  }
0x1f: {  	[tilespmem:s21+$0x5040] =	vst v0  }
0x20: {  	[tilespmem:s21+$0x5050] =	vst v0  }
0x21: {  	[tilespmem:s21+$0x5060] =	vst v0  }
0x22: {  	[spmem:s5] =	stream.linear.scatter [tilespmem:s14], [sflag:$0x2], $0x4000, $0x38;
	[tilespmem:$0x1D000] =	vst v63  }
0x23: {  	_ =	swait.ge [sflag:s15], $0x4000  }
0x24: {  	[sflag:s15] =	ssyncset.done $0x0  }
0x25: {  	[sflag:s15] =	ssyncadd.s32 $0xFFFFC000  }
0x26: {  	[spmem:s10] =	stream.linear.scatter [tilespmem:s14], [sflag:$0x2], $0x4000, $0x38;
	[tilespmem:$0x1D000] =	vst v63  }
0x27: {  	_ =	swait.ge [sflag:s15], $0x4000  }
0x28: {  	[sflag:s15] =	ssyncset.done $0x0  }
0x29: {  	[sflag:s15] =	ssyncadd.s32 $0xFFFFC000  }
0x2a: {  	[spmem:s11] =	stream.linear.scatter [tilespmem:s14], [sflag:$0x2], $0x4000, $0x38;
	[tilespmem:$0x1D000] =	vst v63  }
0x2b: {  	_ =	swait.ge [sflag:s15], $0x4000  }
0x2c: {  	[sflag:s15] =	ssyncset.done $0x0  }
0x2d: {  	[sflag:s15] =	ssyncadd.s32 $0xFFFFC000  }
0x2e: {  	[spmem:s12] =	stream.linear.scatter [tilespmem:s14], [sflag:$0x2], $0x4000, $0x38;
	[tilespmem:$0x1D000] =	vst v63  }
0x2f: {  	_ =	swait.ge [sflag:s15], $0x4000  }
0x30: {  	[sflag:s15] =	ssyncset.done $0x0  }
0x31: {  	[sflag:s15] =	ssyncadd.s32 $0xFFFFC000  }
0x32: {  	[spmem:s13] =	stream.linear.scatter [tilespmem:s14], [sflag:$0x2], $0x4000, $0x38;
	[tilespmem:$0x1D000] =	vst v63  }
0x33: {  	_ =	swait.ge [sflag:s15], $0x4000  }
0x34: {  	[sflag:s15] =	ssyncset.done $0x0  }
0x35: {  	s29 =	simm.s32 $0x0;
	[sflag:s15] =	ssyncadd.s32 $0xFFFFC000  }
0x36: {  	[tilespmem:s29], [sflag:$0x2] =	stream.linear.gather [hbm4b:s6+s29], $0x2800, $0x38;
	[tilespmem:$0x1D000] =	vst v63  }
0x37: {  	_ =	swait.ge [sflag:s15], $0x2800  }
0x38: {  	[sflag:s15] =	ssyncset.done $0x0  }
0x39: {  	[sflag:s15] =	ssyncadd.s32 $0xFFFFD800  }
0x3a: {  	[tilespmem:s16], [sflag:$0x2] =	stream.linear.gather [hbm4b:s7+s29], $0x2800, $0x38;
	[tilespmem:$0x1D000] =	vst v63  }
0x3b: {  	_ =	swait.ge [sflag:s15], $0x2800  }
0x3c: {  	[sflag:s15] =	ssyncset.done $0x0  }
0x3d: {  	[sflag:s15] =	ssyncadd.s32 $0xFFFFD800  }
0x3e: {  	s30 =	simm.s32 $0x0;
	[bflag:$0x0] =	sbarrier.arrive $0xFFFF  }
0x3f: {  	[tilespmem:s14], [sflag:$0x1] =	stream.indirect.gather [hbm4b:s4+s17], $0x80, s30, s17, $0xb8;
	[tilespmem:$0x1D000] =	vst v63  }
0x40: {  	_ =	swait.ge [sflag:s18], $0x4000  }
0x41: {  	[sflag:s18] =	ssyncset.done $0x0  }
0x42: {  	s31 =	simm.s32 $0x2800;
	[sflag:s18] =	ssyncadd.s32 $0xFFFFC000  }
0x43: {  	[spmem:s2] =	stream.indirect.scatter.add.f32 [tilespmem:s14], [sflag:$0x2], $0x80, s31, s17, $0xb8;
	[tilespmem:$0x1D000] =	vst v63  }
0x44: {  	_ =	swait.ge [sflag:s15], $0x4000  }
0x45: {  	s21 =	simm.s32 $0x200;
	s22 =	simm.s32 $0x400;
	[sflag:s15] =	ssyncset.done $0x0  }
.LBB2_4:
0x46: {  	s23 =	sshra.s32 s21, $0x2  }
0x47: {  	[sflag:s15] =	ssyncadd.s32 $0xFFFFC000;
	s21 =	smov.u32 s22;
	s24 =	sadd.s32 $0x200, s22  }
0x48: {  	[tilespmem:s14], [sflag:$0x1] =	stream.indirect.gather [hbm4b:s4+s17], $0x80, s23, s17, $0xb8;
	[tilespmem:$0x1D000] =	vst v63  }
0x49: {  	p0 =	sne.s32 s22, $0x9E00;
	_ =	swait.ge [sflag:s18], $0x4000  }
.Ltmp1:
0x4a: {  	[sflag:s18] =	ssyncset.done $0x0;
	(pc) =	sbr.rel @p0 .LBB2_4-.Ltmp1, $4  }
0x4b: {  	s22 =	sadd.s32 $0x2800, s23;
	[sflag:s18] =	ssyncadd.s32 $0xFFFFC000  }
0x4c: {  	[spmem:s2] =	stream.indirect.scatter.add.f32 [tilespmem:s14], [sflag:$0x2], $0x80, s22, s17, $0xb8;
	[tilespmem:$0x1D000] =	vst v63  }
0x4d: {  	_ =	swait.ge [sflag:s15], $0x4000  }
0x4e: {  	s22 =	smov.u32 s24;
	[sflag:s15] =	ssyncset.done $0x0  }
0x4f: {  	s21 =	sshra.s32 s21, $0x2;
	[sflag:s15] =	ssyncadd.s32 $0xFFFFC000  }
0x50: {  	[tilespmem:s14], [sflag:$0x1] =	stream.indirect.gather [hbm4b:s4+s17], $0x80, s21, s17, $0xb8;
	[tilespmem:$0x1D000] =	vst v63  }
0x51: {  	_ =	swait.ge [sflag:s18], $0x4000  }
0x52: {  	[sflag:s18] =	ssyncset.done $0x0  }
0x53: {  	s21 =	sadd.s32 $0x2800, s21;
	[sflag:s18] =	ssyncadd.s32 $0xFFFFC000  }
0x54: {  	[spmem:s2] =	stream.indirect.scatter.add.f32 [tilespmem:s14], [sflag:$0x2], $0x80, s21, s17, $0xb8;
	[tilespmem:$0x1D000] =	vst v63  }
0x55: {  	_ =	swait.ge [sflag:s15], $0x4000  }
0x56: {  	s3 =	sadd.s32 $0x1, s3;
	[sflag:s15] =	ssyncset.done $0x0  }
0x57: {  	p0 =	sne.s32 s3, s9;
	[sflag:s15] =	ssyncadd.s32 $0xFFFFC000  }
.Ltmp2:
0x58: {  	[bflag:$0x0] =	sbarrier.arrive $0xFFFF;
	(pc) =	sbr.rel @p0 .LBB2_1-.Ltmp2, $4  }
0x59: {  	[hbm:s8], [sflag:s19] =	dma.local [spmem:s20], $0x2800  }
0x5a: {  	_ =	swait.ge [sflag:s15], $0x2800  }
0x5b: {  	[sflag:s15] =	ssyncset.done $0x0  }
0x5c: {  	[sflag:s15] =	ssyncadd.s32 $0xFFFFD800  }
0x5d: {  	_ =	sfence.sel $0x180000  }
0x5e: {  	[bflag:$0x0] =	sbarrier.arrive $0xFFFF  }
0x5f: {  	p0 =	sne.s32 s0, $0x0;
	_ =	strace $0x9000004D  }
0x60: {  	s0 =	sadd.s32 @!p0 $0x100000, s1;
	[bflag:$0x2] =	sbarrier.arrive $0xFFFF  }
0x61: {  	[sflag:s0] =	ssyncadd.tile.s32 @!p0 $0x1;
	_ =	shalt  }
.Lfunc_end2:
_tile_overlayer_lowered:
.L_overlay_start_2:
0x62: {  	(tag) =	ssettag $0x2  }
0x63: {  	s0 =	rddreg [dreg:$0x0];
	s2 =	stileid.u32  }
0x64: {  	s1 =	rddreg [dreg:$0x1];
	p0 =	sne.s32 s2, $0x0  }
0x65: {  	s3 =	rddreg [dreg:$0x2];
	[bflag:$0x3] =	sbarrier.arrive $0xFFFF;
	s2 =	simm.s32 @!p0 $0x1C02  }
0x66: {  	[timem:s3], [sflag:s2] =	dma.local @!p0 [hbm:s0], s1  }
0x67: {  	s0 =	simm.s32 @!p0 $0x2  }
0x68: {  	_ =	swait.ge @!p0 [sflag:s0], s1  }
0x69: {  	s1 =	ssub.s32 @!p0 $0x0, s1;
	[sflag:s0] =	ssyncset.done @!p0 $0x0  }
0x6a: {  	[sflag:s0] =	ssyncadd.s32 @!p0 s1  }
0x6b: {  	[bflag:$0x3] =	sbarrier.arrive $0xFFFF  }
0x6c: {  	_ =	shalt  }

// kernel: kernel.22.cloned.1.call-start
scs
__scs_entry_jumppad:
0x0: {  	(pc) =	sbr.rel $0x88, $3  }
0x1: {  	(tag) =	ssettag $0x0;
	lr =	simm.s32 $0x1  }
0x2: {  	[smem:$0x3F95] =	sst lr;
	_ =	strace $0xD0000000  }
0x3: {  	_ = 	snop  }
0x4: {  	_ = 	snop  }
0x5: {  	_ = 	snop  }
0x6: {  	_ = 	snop  }
0x7: {  	_ = 	snop  }
__scs_overlays_trampoline_lowered:
0x8: {  	[smem:$0x3FA4] =	sst s0  }
0x9: {  	[smem:$0x3FA5] =	sst s1  }
0xa: {  	[smem:$0x3FA6] =	sst s2  }
0xb: {  	[smem:$0x3FA7] =	sst s3  }
0xc: {  	[smem:$0x3FA8] =	sst s4  }
0xd: {  	[smem:$0x3FA9] =	sst s5  }
0xe: {  	[smem:$0x3FAA] =	sst s6  }
0xf: {  	[smem:$0x3FAB] =	sst s7  }
0x10: {  	[smem:$0x3FAC] =	sst s8  }
0x11: {  	[smem:$0x3FAD] =	sst s9;
	s0 =	simm.s32 @!p0 $0x0  }
0x12: {  	s1 =	sld [smem:$0x3F93];
	s0 =	simm.s32 @p0 $0x1  }
0x13: {  	[smem:$0x3FAE] =	sst s0;
	s0 =	simm.s32 @!p1 $0x0  }
0x14: {  	s2 =	sld [smem:$0x3F92];
	s0 =	simm.s32 @p1 $0x1  }
0x15: {  	[smem:$0x3FAF] =	sst s0;
	s0 =	simm.s32 @!p2 $0x0  }
0x16: {  	s3 =	sld [smem:$0x3FDB];
	s0 =	simm.s32 @p2 $0x1  }
0x17: {  	s4 =	simm.s32 $0x1BF5;
	[smem:$0x3FB1] =	sst s0  }
0x18: {  	s0 =	sld [smem:$0x3F94];
	_ =	swait.ge [sflag:s4], $0x0  }
0x19: {  	s7 =	sld [smem:$0x3F95]  }
0x1a: {  	s8 =	sadd.s32 $0xFFFFE003, lr  }
0x1b: {  	s9 =	sadd.s32 $0xFFFFFEF7, lr;
	s5 =	simm.s32 $0xFFFFFFFF;
	p2 =	slt.u32 s8, $0xFFFFF086  }
0x1c: {  	p1 =	slt.u32 s9, $0xF7A;
	s5 =	simm.s32 @!p2 $0x0  }
0x1d: {  	s5 =	simm.s32 @p1 $0x1;
	p0 =	seq.s32 s7, s2  }
0x1e: {  	s7 =	smul.u32 @!p0 $0xF7A, s2;
	p2 =	seq.s32 @!p0 s5, $0x0  }
0x1f: {  	s9 =	smul.u32 $0xF7A, s1;
	s8 =	simm.s32 @!p0 $0x1BF5;
	p2 =	por !p2, p0  }
0x20: {  	[sflag:s8] =	ssyncset.s32 @!p0 $0xFFFFF086;
	s6 =	sadd.s32 @!p0 s3, s7;
	s7 =	simm.s32 @!p0 $0x108  }
0x21: {  	s3 =	sadd.s32 s3, s9;
	s6 =	sadd.s32 @!p0 $0x88, s6;
	s7 =	simm.s32 @p2 $0x1082  }
0x22: {  	[simem:s7], [sflag:s8] =	dma.local @!p0 [hbm:s6], $0xF7A  }
0x23: {  	s9 =	sor.u32 $0xD0000000, s2;
	s6 =	simm.s32 $0x108;
	_ =	swait.ge @!p0 [sflag:s8], $0x0  }
0x24: {  	s3 =	sadd.s32 $0x88, s3;
	s6 =	simm.s32 @!p1 $0x1082;
	[sflag:s4] =	ssyncset.s32 $0xFFFFF086  }
0x25: {  	[simem:s6], [sflag:s4] =	dma.local [hbm:s3], $0xF7A  }
0x26: {  	[smem:$0x3F95] =	sst s1;
	(tag) =	ssettag s2;
	_ =	strace s9  }
0x27: {  	s1 =	sld [smem:$0x3FA5]  }
0x28: {  	s2 =	sld [smem:$0x3FA6]  }
0x29: {  	s4 =	sld [smem:$0x3FA8]  }
0x2a: {  	p0 =	seq.s32 s5, $0x0;
	s5 =	sld [smem:$0x3FA9]  }
0x2b: {  	s6 =	sld [smem:$0x3FAA]  }
0x2c: {  	s7 =	sld [smem:$0x3FAB]  }
0x2d: {  	s3 =	simm.s32 $0x108;
	s8 =	sld [smem:$0x3FAC]  }
0x2e: {  	s3 =	simm.s32 @!p0 $0x1082;
	s9 =	sld [smem:$0x3FAD]  }
0x2f: {  	lr =	sadd.s32 s0, s3;
	s0 =	sld [smem:$0x3FA4]  }
0x30: {  	s3 =	sld [smem:$0x3FA7]  }
0x31: {  	[smem:$0x3FB0] =	sst s10  }
0x32: {  	s10 =	sld [smem:$0x3FAE];
	_ =	sdelay $0x3  }
0x33: {  	p0 =	seq.s32 s10, $0x1;
	s10 =	sld [smem:$0x3FB0];
	_ =	sdelay $0x3  }
0x34: {  	[smem:$0x3FB0] =	sst s10  }
0x35: {  	s10 =	sld [smem:$0x3FAF];
	_ =	sdelay $0x3  }
0x36: {  	p1 =	seq.s32 s10, $0x1;
	s10 =	sld [smem:$0x3FB0];
	_ =	sdelay $0x3  }
0x37: {  	[smem:$0x3FB0] =	sst s10  }
0x38: {  	s10 =	sld [smem:$0x3FB1]  }
0x39: {  	_ = 	snop;
	(pc) =	sbr.ind lr, $3  }
0x3a: {  	_ = 	snop  }
0x3b: {  	_ = 	snop  }
0x3c: {  	p2 =	seq.s32 s10, $0x1;
	s10 =	sld [smem:$0x3FB0]  }
0x3d: {  	_ =	shalt  }
0x3e: {  	_ =	shalt  }
0x3f: {  	_ =	shalt  }
0x40: {  	_ =	shalt  }
0x41: {  	_ =	shalt  }
0x42: {  	_ =	shalt  }
0x43: {  	_ =	shalt  }
0x44: {  	_ =	shalt  }
0x45: {  	_ =	shalt  }
0x46: {  	_ =	shalt  }
0x47: {  	_ =	shalt  }
0x48: {  	_ =	shalt  }
0x49: {  	_ =	shalt  }
0x4a: {  	_ =	shalt  }
0x4b: {  	_ =	shalt  }
0x4c: {  	_ =	shalt  }
0x4d: {  	_ =	shalt  }
0x4e: {  	_ =	shalt  }
0x4f: {  	_ =	shalt  }
0x50: {  	_ =	shalt  }
0x51: {  	_ =	shalt  }
0x52: {  	_ =	shalt  }
0x53: {  	_ =	shalt  }
0x54: {  	_ =	shalt  }
0x55: {  	_ =	shalt  }
0x56: {  	_ =	shalt  }
0x57: {  	_ =	shalt  }
0x58: {  	_ =	shalt  }
0x59: {  	_ =	shalt  }
0x5a: {  	_ =	shalt  }
0x5b: {  	_ =	shalt  }
0x5c: {  	_ =	shalt  }
0x5d: {  	_ =	shalt  }
0x5e: {  	_ =	shalt  }
0x5f: {  	_ =	shalt  }
0x60: {  	_ =	shalt  }
0x61: {  	_ =	shalt  }
0x62: {  	_ =	shalt  }
0x63: {  	_ =	shalt  }
0x64: {  	_ =	shalt  }
0x65: {  	_ =	shalt  }
0x66: {  	_ =	shalt  }
0x67: {  	_ =	shalt  }
0x68: {  	_ =	shalt  }
0x69: {  	_ =	shalt  }
0x6a: {  	_ =	shalt  }
0x6b: {  	_ =	shalt  }
0x6c: {  	_ =	shalt  }
0x6d: {  	_ =	shalt  }
0x6e: {  	_ =	shalt  }
0x6f: {  	_ =	shalt  }
0x70: {  	_ =	shalt  }
0x71: {  	_ =	shalt  }
0x72: {  	_ =	shalt  }
0x73: {  	_ =	shalt  }
0x74: {  	_ =	shalt  }
0x75: {  	_ =	shalt  }
0x76: {  	_ =	shalt  }
0x77: {  	_ =	shalt  }
0x78: {  	_ =	shalt  }
0x79: {  	_ =	shalt  }
0x7a: {  	_ =	shalt  }
0x7b: {  	_ =	shalt  }
0x7c: {  	_ =	shalt  }
0x7d: {  	_ =	shalt  }
0x7e: {  	_ =	shalt  }
0x7f: {  	_ =	shalt  }
0x80: {  	_ =	shalt  }
0x81: {  	_ =	shalt  }
0x82: {  	_ =	shalt  }
0x83: {  	_ =	shalt  }
0x84: {  	_ =	shalt  }
0x85: {  	_ =	shalt  }
0x86: {  	_ =	shalt  }
0x87: {  	_ =	shalt  }
.Lfunc_end0:
.L_simem_size_0:
called_computation.3_lowered:
.L_overlay_start_0:
0x88: {  	s2 =	sld [smem:$0x3FD9]  }
0x89: {  	s3 =	sld [smem:$0x3FFE];
	_ =	sdelay $0x1  }
0x8a: {  	s1 =	srdreg.scid  }
0x8b: {  	s0 =	sand.u32 $0x1, s1  }
0x8c: {  	s14 =	sshll.u32 s0, $0xA;
	s2 =	sadd.s32 s3, s2  }
0x8d: {  	s2 =	sadd.s32 s2, s14  }
0x8e: {  	[smem:$0x3FBC] =	sst s2  }
0x8f: {  	_ = 	snop  }
0x90: {  	s2 =	sld [smem:$0x3FD0];
	_ =	sdelay $0x2  }
0x91: {  	s15 =	simm.s32 $0xA;
	s4 =	simm.s32 $0x10  }
0x92: {  	[smem:s4], [sflag:s15] =	dma.local [hbm:s2], $0x1  }
0x93: {  	_ =	swait.eq [sflag:s15], $0x1  }
0x94: {  	[sflag:s15] =	ssyncset.done $0x0  }
0x95: {  	s16 =	sld [smem:$0x10];
	[sflag:s15] =	ssyncadd.s32 $0xFFFFFFFF  }
0x96: {  	s17 =	sld [smem:$0x11];
	(tm) =	ssettm $0x1  }
0x97: {  	s18 =	sld [smem:$0x3FFB];
	_ =	sdelay $0x3  }
0x98: {  	_ =	strace s18  }
0x99: {  	s4 =	sld [smem:$0x3FFC];
	_ =	sdelay $0x3  }
0x9a: {  	_ =	strace s4  }
0x9b: {  	s4 =	sld [smem:$0x3FFD];
	_ =	sdelay $0x3  }
0x9c: {  	_ =	strace s4  }
0x9d: {  	_ =	strace $0x8FFFFFFF  }
0x9e: {  	s19 =	sld [smem:$0x3FDB];
	_ =	sdelay $0x1  }
0x9f: {  	s5 =	simm.s32 $_scs_section_size  }
0xa0: {  	s6 =	simm.s32 $_size__tile_overlayer_lowered;
	s7 =	simm.s32 $_tile_overlayer_lowered  }
0xa1: {  	s22 =	simm.s32 $0x1BFF;
	s21 =	sshll.u32 s7, $0x1;
	s4 =	sadd.s32 s5, s19  }
0xa2: {  	s8 =	simm.s32 $0x0;
	s20 =	sshll.u32 s6, $0x1;
	s6 =	sadd.s32 s21, s4  }
0xa3: {  	[timem:s8], [sflag:s22] =	dma.local [hbm:s6], s20  }
0xa4: {  	_ =	swait.ge [sflag:s22], s20  }
0xa5: {  	s5 =	ssub.s32 $0x0, s20;
	[sflag:s22] =	ssyncset.done $0x0  }
0xa6: {  	[sflag:s22] =	ssyncadd.s32 s5;
	_ =	sdelay $0x1  }
0xa7: {  	s23 =	simm.s32 $0x1B8B  }
0xa8: {  	_ =	swait.ge [sflag:s23], $0x1  }
0xa9: {  	[sflag:s23] =	ssyncset.done $0x0  }
0xaa: {  	s25 =	simm.s32 $0x1B8E;
	s24 =	sld [smem:$0x3FFE];
	[sflag:s23] =	ssyncadd.s32 $0xFFFFFFFF  }
0xab: {  	s26 =	simm.s32 $execute0_lowered;
	[smem:$0x3FD2] =	sst s25  }
0xac: {  	s6 =	sshll.u32 s26, $0x1;
	_ =	strace $0x8000004F;
	[dreg:$0x1] =	wrdreg $0xFFFFFFFF  }
0xad: {  	s28 =	simm.s32 $_size_execute0_lowered;
	s4 =	sadd.s32 s4, s6;
	[dreg:$0x0] =	wrdreg $0x0  }
0xae: {  	s6 =	sshll.u32 s28, $0x1;
	[dreg:$0x2] =	wrdreg s4  }
0xaf: {  	[dreg:$0x3] =	wrdreg s6  }
0xb0: {  	[dreg:$0x4] =	wrdreg $0xC0  }
0xb1: {  	_ =	task [dreg:s8], $0x5FFFF  }
0xb2: {  	[dreg:$0x1] =	wrdreg $0xFFFFFFFF  }
0xb3: {  	[dreg:$0x0] =	wrdreg $0x60  }
0xb4: {  	[dreg:$0x2] =	wrdreg s24  }
0xb5: {  	[dreg:$0x3] =	wrdreg s17  }
0xb6: {  	[dreg:$0x4] =	wrdreg s16  }
0xb7: {  	[dreg:$0x5] =	wrdreg $0x90000  }
0xb8: {  	[dreg:$0x6] =	wrdreg $0x9  }
0xb9: {  	_ =	task.clear_ibuf [dreg:s8], $0x7FFFF;
	_ =	strace $0x9000004F  }
0xba: {  	s29 =	simm.s32 $0x9;
	_ =	strace $0x80000051  }
0xbb: {  	_ =	swait.ge [sflag:s29], $0x1  }
0xbc: {  	[sflag:s29] =	ssyncadd.s32 $0xFFFFFFFF  }
0xbd: {  	_ =	strace $0x90000051  }
0xbe: {  	_ =	sfence  }
0xbf: {  	s30 =	sld [smem:$0x0];
	_ =	sdelay $0x2  }
0xc0: {  	s31 =	sshll.u32 s1, $0xD;
	s1 =	sshrl.u32 s1, $0x2  }
0xc1: {  	s3 =	sand.u32 $0x4000, s31;
	s1 =	sadd.s32 s1, s30  }
0xc2: {  	s0 =	sor.u32 s3, s0;
	s1 =	sshll.u32 s1, $0x11  }
0xc3: {  	s0 =	sor.u32 s1, s0  }
0xc4: {  	s0 =	sadd.s32 $0x8F2B, s0  }
0xc5: {  	[sflag:s0] =	ssyncadd.remote.s32 $0x1  }
0xc6: {  	_ =	sfence.sel $0xFFFF  }
0xc7: {  	[dreg:$0x0] =	wrdreg $0xFFFFFFFF;
	(pc) =	sbr.abs _section_cstart, $3  }
0xc8: {  	[dreg:$0x1] =	wrdreg $0xFFFFFFFF  }
0xc9: {  	_ =	task.clear_ibuf [dreg:s8], $0x2FFFF;
	_ =	strace $0x9FFFFFFF  }
0xca: {  	(tm) =	ssettm $0x7FFFFFFF  }
0xcb: {  	_ =	shalt  }
tec
execute0_lowered:
.L_overlay_start_1:
0x0: {  	(tag) =	ssettag $0x1  }
0x1: {  	s5 =	rddreg [dreg:$0x0]  }
0x2: {  	s7 =	rddreg [dreg:$0x1]  }
0x3: {  	s8 =	rddreg [dreg:$0x2]  }
0x4: {  	s0 =	srdreg.scid;
	s2 =	rddreg [dreg:$0x3];
	s3 =	simm.s32 $0x0  }
0x5: {  	s14 =	simm.s32 $0x5000;
	s15 =	simm.s32 $0x2;
	s16 =	simm.s32 $0x2800  }
0x6: {  	s17 =	simm.s32 $0x80;
	s4 =	sand.u32 $0x1, s0;
	s0 =	stileid.u32  }
0x7: {  	s18 =	simm.s32 $0x1;
	[smem:$0x7FF] =	sst s3;
	s6 =	smul.u32 $0x50000, s0  }
0x8: {  	s1 =	sshll.u32 s4, $0x4;
	s10 =	smul.u32 $0x140000, s4;
	s11 =	ssub.s32 $0x2, s4  }
0x9: {  	s12 =	smul.u32 $0x14000, s0;
	s4 =	sadd.s32 $0x5F800, s5;
	s19 =	sshll.u32 s0, $0x6  }
0xa: {  	s1 =	sor.u32 s0, s1;
	s30 =	sshrl.u32 s11, $0x1;
	s19 =	sor.u32 $0x1C02, s19  }
0xb: {  	s9 =	smul.u32 $0x500, s1;
	s1 =	rddreg [dreg:$0x4];
	_ =	strace $0x80000050  }
0xc: {  	s11 =	ssub.s32 s11, s30;
	s31 =	sshrl.u32 s6, $0x2;
	s10 =	sadd.s32 s12, s10  }
0xd: {  	s10 =	sshrl.u32 s10, $0x3;
	s13 =	sadd.s32 s9, s5;
	s5 =	sadd.s32 s31, s2  }
0xe: {  	s7 =	sadd.s32 s7, s9;
	s8 =	sadd.s32 s8, s10;
	s9 =	smax.u32 s11, $0x1  }
0xf: {  	s6 =	sadd.s32 $0x5800, s13;
	s10 =	sadd.s32 $0x4000, s5;
	s11 =	sadd.s32 $0x8000, s5  }
0x10: {  	v0 =	vimm.f32 $0.0e+00;
	s12 =	sadd.s32 $0xC000, s5;
	s13 =	sadd.s32 $0x10000, s5;
	s20 =	sshrl.u32 s5, $0x3  }
.LBB2_1:
0x11: {  	s21 =	simm.s32 $0x0;
	s22 =	simm.s32 $0x200  }
.LBB2_2:
0x12: {  	p0 =	sne.s32 s22, $0xFE00;
	[tilespmem:s21+$0x5070] =	vst v0  }
0x13: {  	[tilespmem:s21+$0x5000] =	vst v0  }
0x14: {  	[tilespmem:s21+$0x5010] =	vst v0  }
.Ltmp0:
0x15: {  	[tilespmem:s21+$0x5020] =	vst v0;
	(pc) =	sbr.rel @p0 .LBB2_2-.Ltmp0, $4  }
0x16: {  	[tilespmem:s21+$0x5030] =	vst v0  }
0x17: {  	[tilespmem:s21+$0x5040] =	vst v0  }
0x18: {  	[tilespmem:s21+$0x5050] =	vst v0  }
0x19: {  	[tilespmem:s21+$0x5060] =	vst v0;
	s21 =	sshra.s32 s22, $0x2;
	s22 =	sadd.s32 $0x200, s22  }
0x1a: {  	[tilespmem:s21+$0x5070] =	vst v0  }
0x1b: {  	[tilespmem:s21+$0x5000] =	vst v0  }
0x1c: {  	[tilespmem:s21+$0x5010] =	vst v0  }
0x1d: {  	[tilespmem:s21+$0x5020] =	vst v0  }
0x1e: {  	[tilespmem:s21+$0x5030] =	vst v0  }
0x1f: {  	[tilespmem:s21+$0x5040] =	vst v0  }
0x20: {  	[tilespmem:s21+$0x5050] =	vst v0  }
0x21: {  	[tilespmem:s21+$0x5060] =	vst v0  }
0x22: {  	[spmem:s5] =	stream.linear.scatter [tilespmem:s14], [sflag:$0x2], $0x4000, $0x38;
	[tilespmem:$0x1D000] =	vst v63  }
0x23: {  	_ =	swait.ge [sflag:s15], $0x4000  }
0x24: {  	[sflag:s15] =	ssyncset.done $0x0  }
0x25: {  	[sflag:s15] =	ssyncadd.s32 $0xFFFFC000  }
0x26: {  	[spmem:s10] =	stream.linear.scatter [tilespmem:s14], [sflag:$0x2], $0x4000, $0x38;
	[tilespmem:$0x1D000] =	vst v63  }
0x27: {  	_ =	swait.ge [sflag:s15], $0x4000  }
0x28: {  	[sflag:s15] =	ssyncset.done $0x0  }
0x29: {  	[sflag:s15] =	ssyncadd.s32 $0xFFFFC000  }
0x2a: {  	[spmem:s11] =	stream.linear.scatter [tilespmem:s14], [sflag:$0x2], $0x4000, $0x38;
	[tilespmem:$0x1D000] =	vst v63  }
0x2b: {  	_ =	swait.ge [sflag:s15], $0x4000  }
0x2c: {  	[sflag:s15] =	ssyncset.done $0x0  }
0x2d: {  	[sflag:s15] =	ssyncadd.s32 $0xFFFFC000  }
0x2e: {  	[spmem:s12] =	stream.linear.scatter [tilespmem:s14], [sflag:$0x2], $0x4000, $0x38;
	[tilespmem:$0x1D000] =	vst v63  }
0x2f: {  	_ =	swait.ge [sflag:s15], $0x4000  }
0x30: {  	[sflag:s15] =	ssyncset.done $0x0  }
0x31: {  	[sflag:s15] =	ssyncadd.s32 $0xFFFFC000  }
0x32: {  	[spmem:s13] =	stream.linear.scatter [tilespmem:s14], [sflag:$0x2], $0x4000, $0x38;
	[tilespmem:$0x1D000] =	vst v63  }
0x33: {  	_ =	swait.ge [sflag:s15], $0x4000  }
0x34: {  	[sflag:s15] =	ssyncset.done $0x0  }
0x35: {  	s29 =	simm.s32 $0x0;
	[sflag:s15] =	ssyncadd.s32 $0xFFFFC000  }
0x36: {  	[tilespmem:s29], [sflag:$0x2] =	stream.linear.gather [hbm4b:s6+s29], $0x2800, $0x38;
	[tilespmem:$0x1D000] =	vst v63  }
0x37: {  	_ =	swait.ge [sflag:s15], $0x2800  }
0x38: {  	[sflag:s15] =	ssyncset.done $0x0  }
0x39: {  	[sflag:s15] =	ssyncadd.s32 $0xFFFFD800  }
0x3a: {  	[tilespmem:s16], [sflag:$0x2] =	stream.linear.gather [hbm4b:s7+s29], $0x2800, $0x38;
	[tilespmem:$0x1D000] =	vst v63  }
0x3b: {  	_ =	swait.ge [sflag:s15], $0x2800  }
0x3c: {  	[sflag:s15] =	ssyncset.done $0x0  }
0x3d: {  	[sflag:s15] =	ssyncadd.s32 $0xFFFFD800  }
0x3e: {  	s30 =	simm.s32 $0x0;
	[bflag:$0x0] =	sbarrier.arrive $0xFFFF  }
0x3f: {  	[tilespmem:s14], [sflag:$0x1] =	stream.indirect.gather [hbm4b:s4+s17], $0x80, s30, s17, $0xb8;
	[tilespmem:$0x1D000] =	vst v63  }
0x40: {  	_ =	swait.ge [sflag:s18], $0x4000  }
0x41: {  	[sflag:s18] =	ssyncset.done $0x0  }
0x42: {  	s31 =	simm.s32 $0x2800;
	[sflag:s18] =	ssyncadd.s32 $0xFFFFC000  }
0x43: {  	[spmem:s2] =	stream.indirect.scatter.add.f32 [tilespmem:s14], [sflag:$0x2], $0x80, s31, s17, $0xb8;
	[tilespmem:$0x1D000] =	vst v63  }
0x44: {  	_ =	swait.ge [sflag:s15], $0x4000  }
0x45: {  	s21 =	simm.s32 $0x200;
	s22 =	simm.s32 $0x400;
	[sflag:s15] =	ssyncset.done $0x0  }
.LBB2_4:
0x46: {  	s23 =	sshra.s32 s21, $0x2  }
0x47: {  	[sflag:s15] =	ssyncadd.s32 $0xFFFFC000;
	s21 =	smov.u32 s22;
	s24 =	sadd.s32 $0x200, s22  }
0x48: {  	[tilespmem:s14], [sflag:$0x1] =	stream.indirect.gather [hbm4b:s4+s17], $0x80, s23, s17, $0xb8;
	[tilespmem:$0x1D000] =	vst v63  }
0x49: {  	p0 =	sne.s32 s22, $0x9E00;
	_ =	swait.ge [sflag:s18], $0x4000  }
.Ltmp1:
0x4a: {  	[sflag:s18] =	ssyncset.done $0x0;
	(pc) =	sbr.rel @p0 .LBB2_4-.Ltmp1, $4  }
0x4b: {  	s22 =	sadd.s32 $0x2800, s23;
	[sflag:s18] =	ssyncadd.s32 $0xFFFFC000  }
0x4c: {  	[spmem:s2] =	stream.indirect.scatter.add.f32 [tilespmem:s14], [sflag:$0x2], $0x80, s22, s17, $0xb8;
	[tilespmem:$0x1D000] =	vst v63  }
0x4d: {  	_ =	swait.ge [sflag:s15], $0x4000  }
0x4e: {  	s22 =	smov.u32 s24;
	[sflag:s15] =	ssyncset.done $0x0  }
0x4f: {  	s21 =	sshra.s32 s21, $0x2;
	[sflag:s15] =	ssyncadd.s32 $0xFFFFC000  }
0x50: {  	[tilespmem:s14], [sflag:$0x1] =	stream.indirect.gather [hbm4b:s4+s17], $0x80, s21, s17, $0xb8;
	[tilespmem:$0x1D000] =	vst v63  }
0x51: {  	_ =	swait.ge [sflag:s18], $0x4000  }
0x52: {  	[sflag:s18] =	ssyncset.done $0x0  }
0x53: {  	s21 =	sadd.s32 $0x2800, s21;
	[sflag:s18] =	ssyncadd.s32 $0xFFFFC000  }
0x54: {  	[spmem:s2] =	stream.indirect.scatter.add.f32 [tilespmem:s14], [sflag:$0x2], $0x80, s21, s17, $0xb8;
	[tilespmem:$0x1D000] =	vst v63  }
0x55: {  	_ =	swait.ge [sflag:s15], $0x4000  }
0x56: {  	s3 =	sadd.s32 $0x1, s3;
	[sflag:s15] =	ssyncset.done $0x0  }
0x57: {  	p0 =	sne.s32 s3, s9;
	[sflag:s15] =	ssyncadd.s32 $0xFFFFC000  }
.Ltmp2:
0x58: {  	[bflag:$0x0] =	sbarrier.arrive $0xFFFF;
	(pc) =	sbr.rel @p0 .LBB2_1-.Ltmp2, $4  }
0x59: {  	[hbm:s8], [sflag:s19] =	dma.local [spmem:s20], $0x2800  }
0x5a: {  	_ =	swait.ge [sflag:s15], $0x2800  }
0x5b: {  	[sflag:s15] =	ssyncset.done $0x0  }
0x5c: {  	[sflag:s15] =	ssyncadd.s32 $0xFFFFD800  }
0x5d: {  	_ =	sfence.sel $0x180000  }
0x5e: {  	[bflag:$0x0] =	sbarrier.arrive $0xFFFF  }
0x5f: {  	p0 =	sne.s32 s0, $0x0;
	_ =	strace $0x90000050  }
0x60: {  	s0 =	sadd.s32 @!p0 $0x100000, s1;
	[bflag:$0x2] =	sbarrier.arrive $0xFFFF  }
0x61: {  	[sflag:s0] =	ssyncadd.tile.s32 @!p0 $0x1;
	_ =	shalt  }
.Lfunc_end2:
_tile_overlayer_lowered:
.L_overlay_start_2:
0x62: {  	(tag) =	ssettag $0x2  }
0x63: {  	s0 =	rddreg [dreg:$0x0];
	s2 =	stileid.u32  }
0x64: {  	s1 =	rddreg [dreg:$0x1];
	p0 =	sne.s32 s2, $0x0  }
0x65: {  	s3 =	rddreg [dreg:$0x2];
	[bflag:$0x3] =	sbarrier.arrive $0xFFFF;
	s2 =	simm.s32 @!p0 $0x1C02  }
0x66: {  	[timem:s3], [sflag:s2] =	dma.local @!p0 [hbm:s0], s1  }
0x67: {  	s0 =	simm.s32 @!p0 $0x2  }
0x68: {  	_ =	swait.ge @!p0 [sflag:s0], s1  }
0x69: {  	s1 =	ssub.s32 @!p0 $0x0, s1;
	[sflag:s0] =	ssyncset.done @!p0 $0x0  }
0x6a: {  	[sflag:s0] =	ssyncadd.s32 @!p0 s1  }
0x6b: {  	[bflag:$0x3] =	sbarrier.arrive $0xFFFF  }
0x6c: {  	_ =	shalt  }

// kernel: kernel.25.cloned.1.call-start
scs
__scs_entry_jumppad:
0x0: {  	(pc) =	sbr.rel $0x88, $3  }
0x1: {  	(tag) =	ssettag $0x0;
	lr =	simm.s32 $0x1  }
0x2: {  	[smem:$0x3F95] =	sst lr;
	_ =	strace $0xD0000000  }
0x3: {  	_ = 	snop  }
0x4: {  	_ = 	snop  }
0x5: {  	_ = 	snop  }
0x6: {  	_ = 	snop  }
0x7: {  	_ = 	snop  }
__scs_overlays_trampoline_lowered:
0x8: {  	[smem:$0x3FA4] =	sst s0  }
0x9: {  	[smem:$0x3FA5] =	sst s1  }
0xa: {  	[smem:$0x3FA6] =	sst s2  }
0xb: {  	[smem:$0x3FA7] =	sst s3  }
0xc: {  	[smem:$0x3FA8] =	sst s4  }
0xd: {  	[smem:$0x3FA9] =	sst s5  }
0xe: {  	[smem:$0x3FAA] =	sst s6  }
0xf: {  	[smem:$0x3FAB] =	sst s7  }
0x10: {  	[smem:$0x3FAC] =	sst s8  }
0x11: {  	[smem:$0x3FAD] =	sst s9;
	s0 =	simm.s32 @!p0 $0x0  }
0x12: {  	s1 =	sld [smem:$0x3F93];
	s0 =	simm.s32 @p0 $0x1  }
0x13: {  	[smem:$0x3FAE] =	sst s0;
	s0 =	simm.s32 @!p1 $0x0  }
0x14: {  	s2 =	sld [smem:$0x3F92];
	s0 =	simm.s32 @p1 $0x1  }
0x15: {  	[smem:$0x3FAF] =	sst s0;
	s0 =	simm.s32 @!p2 $0x0  }
0x16: {  	s3 =	sld [smem:$0x3FDB];
	s0 =	simm.s32 @p2 $0x1  }
0x17: {  	s4 =	simm.s32 $0x1BF5;
	[smem:$0x3FB1] =	sst s0  }
0x18: {  	s0 =	sld [smem:$0x3F94];
	_ =	swait.ge [sflag:s4], $0x0  }
0x19: {  	s7 =	sld [smem:$0x3F95]  }
0x1a: {  	s8 =	sadd.s32 $0xFFFFE003, lr  }
0x1b: {  	s9 =	sadd.s32 $0xFFFFFEF7, lr;
	s5 =	simm.s32 $0xFFFFFFFF;
	p2 =	slt.u32 s8, $0xFFFFF086  }
0x1c: {  	p1 =	slt.u32 s9, $0xF7A;
	s5 =	simm.s32 @!p2 $0x0  }
0x1d: {  	s5 =	simm.s32 @p1 $0x1;
	p0 =	seq.s32 s7, s2  }
0x1e: {  	s7 =	smul.u32 @!p0 $0xF7A, s2;
	p2 =	seq.s32 @!p0 s5, $0x0  }
0x1f: {  	s9 =	smul.u32 $0xF7A, s1;
	s8 =	simm.s32 @!p0 $0x1BF5;
	p2 =	por !p2, p0  }
0x20: {  	[sflag:s8] =	ssyncset.s32 @!p0 $0xFFFFF086;
	s6 =	sadd.s32 @!p0 s3, s7;
	s7 =	simm.s32 @!p0 $0x108  }
0x21: {  	s3 =	sadd.s32 s3, s9;
	s6 =	sadd.s32 @!p0 $0x88, s6;
	s7 =	simm.s32 @p2 $0x1082  }
0x22: {  	[simem:s7], [sflag:s8] =	dma.local @!p0 [hbm:s6], $0xF7A  }
0x23: {  	s9 =	sor.u32 $0xD0000000, s2;
	s6 =	simm.s32 $0x108;
	_ =	swait.ge @!p0 [sflag:s8], $0x0  }
0x24: {  	s3 =	sadd.s32 $0x88, s3;
	s6 =	simm.s32 @!p1 $0x1082;
	[sflag:s4] =	ssyncset.s32 $0xFFFFF086  }
0x25: {  	[simem:s6], [sflag:s4] =	dma.local [hbm:s3], $0xF7A  }
0x26: {  	[smem:$0x3F95] =	sst s1;
	(tag) =	ssettag s2;
	_ =	strace s9  }
0x27: {  	s1 =	sld [smem:$0x3FA5]  }
0x28: {  	s2 =	sld [smem:$0x3FA6]  }
0x29: {  	s4 =	sld [smem:$0x3FA8]  }
0x2a: {  	p0 =	seq.s32 s5, $0x0;
	s5 =	sld [smem:$0x3FA9]  }
0x2b: {  	s6 =	sld [smem:$0x3FAA]  }
0x2c: {  	s7 =	sld [smem:$0x3FAB]  }
0x2d: {  	s3 =	simm.s32 $0x108;
	s8 =	sld [smem:$0x3FAC]  }
0x2e: {  	s3 =	simm.s32 @!p0 $0x1082;
	s9 =	sld [smem:$0x3FAD]  }
0x2f: {  	lr =	sadd.s32 s0, s3;
	s0 =	sld [smem:$0x3FA4]  }
0x30: {  	s3 =	sld [smem:$0x3FA7]  }
0x31: {  	[smem:$0x3FB0] =	sst s10  }
0x32: {  	s10 =	sld [smem:$0x3FAE];
	_ =	sdelay $0x3  }
0x33: {  	p0 =	seq.s32 s10, $0x1;
	s10 =	sld [smem:$0x3FB0];
	_ =	sdelay $0x3  }
0x34: {  	[smem:$0x3FB0] =	sst s10  }
0x35: {  	s10 =	sld [smem:$0x3FAF];
	_ =	sdelay $0x3  }
0x36: {  	p1 =	seq.s32 s10, $0x1;
	s10 =	sld [smem:$0x3FB0];
	_ =	sdelay $0x3  }
0x37: {  	[smem:$0x3FB0] =	sst s10  }
0x38: {  	s10 =	sld [smem:$0x3FB1]  }
0x39: {  	_ = 	snop;
	(pc) =	sbr.ind lr, $3  }
0x3a: {  	_ = 	snop  }
0x3b: {  	_ = 	snop  }
0x3c: {  	p2 =	seq.s32 s10, $0x1;
	s10 =	sld [smem:$0x3FB0]  }
0x3d: {  	_ =	shalt  }
0x3e: {  	_ =	shalt  }
0x3f: {  	_ =	shalt  }
0x40: {  	_ =	shalt  }
0x41: {  	_ =	shalt  }
0x42: {  	_ =	shalt  }
0x43: {  	_ =	shalt  }
0x44: {  	_ =	shalt  }
0x45: {  	_ =	shalt  }
0x46: {  	_ =	shalt  }
0x47: {  	_ =	shalt  }
0x48: {  	_ =	shalt  }
0x49: {  	_ =	shalt  }
0x4a: {  	_ =	shalt  }
0x4b: {  	_ =	shalt  }
0x4c: {  	_ =	shalt  }
0x4d: {  	_ =	shalt  }
0x4e: {  	_ =	shalt  }
0x4f: {  	_ =	shalt  }
0x50: {  	_ =	shalt  }
0x51: {  	_ =	shalt  }
0x52: {  	_ =	shalt  }
0x53: {  	_ =	shalt  }
0x54: {  	_ =	shalt  }
0x55: {  	_ =	shalt  }
0x56: {  	_ =	shalt  }
0x57: {  	_ =	shalt  }
0x58: {  	_ =	shalt  }
0x59: {  	_ =	shalt  }
0x5a: {  	_ =	shalt  }
0x5b: {  	_ =	shalt  }
0x5c: {  	_ =	shalt  }
0x5d: {  	_ =	shalt  }
0x5e: {  	_ =	shalt  }
0x5f: {  	_ =	shalt  }
0x60: {  	_ =	shalt  }
0x61: {  	_ =	shalt  }
0x62: {  	_ =	shalt  }
0x63: {  	_ =	shalt  }
0x64: {  	_ =	shalt  }
0x65: {  	_ =	shalt  }
0x66: {  	_ =	shalt  }
0x67: {  	_ =	shalt  }
0x68: {  	_ =	shalt  }
0x69: {  	_ =	shalt  }
0x6a: {  	_ =	shalt  }
0x6b: {  	_ =	shalt  }
0x6c: {  	_ =	shalt  }
0x6d: {  	_ =	shalt  }
0x6e: {  	_ =	shalt  }
0x6f: {  	_ =	shalt  }
0x70: {  	_ =	shalt  }
0x71: {  	_ =	shalt  }
0x72: {  	_ =	shalt  }
0x73: {  	_ =	shalt  }
0x74: {  	_ =	shalt  }
0x75: {  	_ =	shalt  }
0x76: {  	_ =	shalt  }
0x77: {  	_ =	shalt  }
0x78: {  	_ =	shalt  }
0x79: {  	_ =	shalt  }
0x7a: {  	_ =	shalt  }
0x7b: {  	_ =	shalt  }
0x7c: {  	_ =	shalt  }
0x7d: {  	_ =	shalt  }
0x7e: {  	_ =	shalt  }
0x7f: {  	_ =	shalt  }
0x80: {  	_ =	shalt  }
0x81: {  	_ =	shalt  }
0x82: {  	_ =	shalt  }
0x83: {  	_ =	shalt  }
0x84: {  	_ =	shalt  }
0x85: {  	_ =	shalt  }
0x86: {  	_ =	shalt  }
0x87: {  	_ =	shalt  }
.Lfunc_end0:
.L_simem_size_0:
called_computation.4_lowered:
.L_overlay_start_0:
0x88: {  	s2 =	sld [smem:$0x3FD9]  }
0x89: {  	s3 =	sld [smem:$0x3FFE];
	_ =	sdelay $0x1  }
0x8a: {  	s1 =	srdreg.scid  }
0x8b: {  	s0 =	sand.u32 $0x1, s1  }
0x8c: {  	s14 =	sshll.u32 s0, $0xA;
	s2 =	sadd.s32 s3, s2  }
0x8d: {  	s2 =	sadd.s32 s2, s14  }
0x8e: {  	[smem:$0x3FBC] =	sst s2  }
0x8f: {  	_ = 	snop  }
0x90: {  	s2 =	sld [smem:$0x3FD0];
	_ =	sdelay $0x2  }
0x91: {  	s15 =	simm.s32 $0xA;
	s4 =	simm.s32 $0x10  }
0x92: {  	[smem:s4], [sflag:s15] =	dma.local [hbm:s2], $0x1  }
0x93: {  	_ =	swait.eq [sflag:s15], $0x1  }
0x94: {  	[sflag:s15] =	ssyncset.done $0x0  }
0x95: {  	[sflag:s15] =	ssyncadd.s32 $0xFFFFFFFF  }
0x96: {  	s16 =	sld [smem:$0x11];
	(tm) =	ssettm $0x1  }
0x97: {  	s17 =	sld [smem:$0x3FFB];
	_ =	sdelay $0x3  }
0x98: {  	_ =	strace s17  }
0x99: {  	s3 =	sld [smem:$0x3FFC];
	_ =	sdelay $0x3  }
0x9a: {  	_ =	strace s3  }
0x9b: {  	s3 =	sld [smem:$0x3FFD];
	_ =	sdelay $0x3  }
0x9c: {  	_ =	strace s3  }
0x9d: {  	_ =	strace $0x8FFFFFFF  }
0x9e: {  	s18 =	sld [smem:$0x3FDB];
	_ =	sdelay $0x1  }
0x9f: {  	s19 =	simm.s32 $_scs_section_size  }
0xa0: {  	s5 =	simm.s32 $_size__tile_overlayer_lowered;
	s6 =	simm.s32 $_tile_overlayer_lowered  }
0xa1: {  	s22 =	simm.s32 $0x1BFF;
	s21 =	sshll.u32 s6, $0x1;
	s3 =	sadd.s32 s19, s18  }
0xa2: {  	s7 =	simm.s32 $0x0;
	s20 =	sshll.u32 s5, $0x1;
	s5 =	sadd.s32 s21, s3  }
0xa3: {  	[timem:s7], [sflag:s22] =	dma.local [hbm:s5], s20  }
0xa4: {  	_ =	swait.ge [sflag:s22], s20  }
0xa5: {  	s4 =	ssub.s32 $0x0, s20;
	[sflag:s22] =	ssyncset.done $0x0  }
0xa6: {  	[sflag:s22] =	ssyncadd.s32 s4;
	_ =	sdelay $0x1  }
0xa7: {  	s23 =	simm.s32 $0x1B8B  }
0xa8: {  	_ =	swait.ge [sflag:s23], $0x1  }
0xa9: {  	[sflag:s23] =	ssyncset.done $0x0  }
0xaa: {  	s25 =	simm.s32 $0x1B8E;
	s24 =	sld [smem:$0x3FFE];
	[sflag:s23] =	ssyncadd.s32 $0xFFFFFFFF  }
0xab: {  	s26 =	simm.s32 $execute0_lowered;
	[smem:$0x3FD2] =	sst s25  }
0xac: {  	s5 =	sshll.u32 s26, $0x1;
	_ =	strace $0x80000052;
	[dreg:$0x1] =	wrdreg $0xFFFFFFFF  }
0xad: {  	s28 =	simm.s32 $_size_execute0_lowered;
	s3 =	sadd.s32 s3, s5;
	[dreg:$0x0] =	wrdreg $0x0  }
0xae: {  	s5 =	sshll.u32 s28, $0x1;
	[dreg:$0x2] =	wrdreg s3  }
0xaf: {  	[dreg:$0x3] =	wrdreg s5  }
0xb0: {  	[dreg:$0x4] =	wrdreg $0xC0  }
0xb1: {  	_ =	task [dreg:s7], $0x5FFFF  }
0xb2: {  	[dreg:$0x1] =	wrdreg $0xFFFFFFFF  }
0xb3: {  	[dreg:$0x0] =	wrdreg $0x60  }
0xb4: {  	[dreg:$0x2] =	wrdreg s24  }
0xb5: {  	[dreg:$0x3] =	wrdreg s16  }
0xb6: {  	[dreg:$0x4] =	wrdreg $0x90000  }
0xb7: {  	[dreg:$0x5] =	wrdreg $0x9  }
0xb8: {  	_ =	task.clear_ibuf [dreg:s7], $0x6FFFF;
	_ =	strace $0x90000052  }
0xb9: {  	s29 =	simm.s32 $0x9;
	_ =	strace $0x80000054  }
0xba: {  	_ =	swait.ge [sflag:s29], $0x1  }
0xbb: {  	[sflag:s29] =	ssyncadd.s32 $0xFFFFFFFF  }
0xbc: {  	_ =	strace $0x90000054  }
0xbd: {  	_ =	sfence  }
0xbe: {  	s30 =	sld [smem:$0x0];
	_ =	sdelay $0x2  }
0xbf: {  	s31 =	sshll.u32 s1, $0xD;
	s1 =	sshrl.u32 s1, $0x2  }
0xc0: {  	s3 =	sand.u32 $0x4000, s31;
	s1 =	sadd.s32 s1, s30  }
0xc1: {  	s0 =	sor.u32 s3, s0;
	s1 =	sshll.u32 s1, $0x11  }
0xc2: {  	s0 =	sor.u32 s1, s0  }
0xc3: {  	s0 =	sadd.s32 $0x8F2B, s0  }
0xc4: {  	[sflag:s0] =	ssyncadd.remote.s32 $0x1  }
0xc5: {  	_ =	sfence.sel $0xFFFF  }
0xc6: {  	[dreg:$0x0] =	wrdreg $0xFFFFFFFF;
	(pc) =	sbr.abs _section_cstart, $3  }
0xc7: {  	[dreg:$0x1] =	wrdreg $0xFFFFFFFF  }
0xc8: {  	_ =	task.clear_ibuf [dreg:s7], $0x2FFFF;
	_ =	strace $0x9FFFFFFF  }
0xc9: {  	(tm) =	ssettm $0x7FFFFFFF  }
tec
execute0_lowered:
.L_overlay_start_1:
0x0: {  	(tag) =	ssettag $0x1  }
0x1: {  	s5 =	rddreg [dreg:$0x0]  }
0x2: {  	s7 =	rddreg [dreg:$0x1]  }
0x3: {  	s1 =	rddreg [dreg:$0x2]  }
0x4: {  	s2 =	srdreg.scid;
	s0 =	rddreg [dreg:$0x3];
	s3 =	simm.s32 $0x0  }
0x5: {  	s14 =	simm.s32 $0x5000;
	s15 =	simm.s32 $0x2;
	s16 =	simm.s32 $0x2800  }
0x6: {  	s17 =	simm.s32 $0x80;
	s6 =	sand.u32 $0x1, s2;
	s2 =	stileid.u32  }
0x7: {  	s18 =	simm.s32 $0x1;
	[smem:$0x7FF] =	sst s3;
	s8 =	smul.u32 $0x140000, s6  }
0x8: {  	s4 =	sshll.u32 s6, $0x4;
	s9 =	smul.u32 $0x14000, s2;
	_ =	strace $0x80000053  }
0x9: {  	s30 =	smul.u32 $0x50000, s2;
	s6 =	ssub.s32 $0x2, s6;
	s19 =	sshll.u32 s2, $0x6  }
0xa: {  	s4 =	sor.u32 s2, s4;
	s31 =	sshrl.u32 s6, $0x1;
	s19 =	sor.u32 $0x1C02, s19  }
0xb: {  	s10 =	smul.u32 $0x500, s4;
	s4 =	sadd.s32 $0x5F800, s5;
	s8 =	sadd.s32 s9, s8  }
0xc: {  	s9 =	sshrl.u32 s30, $0x2;
	s12 =	ssub.s32 s6, s31;
	s8 =	sshrl.u32 s8, $0x3  }
0xd: {  	s11 =	sadd.s32 s10, s5;
	s8 =	sadd.s32 s8, s5;
	s5 =	sadd.s32 s9, s1  }
0xe: {  	s7 =	sadd.s32 s7, s10;
	s9 =	smax.u32 s12, $0x1;
	s6 =	sadd.s32 $0x5800, s11  }
0xf: {  	s8 =	sadd.s32 $0x87800, s8;
	s10 =	sadd.s32 $0x4000, s5;
	s11 =	sadd.s32 $0x8000, s5  }
0x10: {  	v0 =	vimm.f32 $0.0e+00;
	s12 =	sadd.s32 $0xC000, s5;
	s13 =	sadd.s32 $0x10000, s5;
	s20 =	sshrl.u32 s5, $0x3  }
.LBB2_1:
0x11: {  	s21 =	simm.s32 $0x0;
	s22 =	simm.s32 $0x200  }
.LBB2_2:
0x12: {  	p0 =	sne.s32 s22, $0xFE00;
	[tilespmem:s21+$0x5070] =	vst v0  }
0x13: {  	[tilespmem:s21+$0x5000] =	vst v0  }
0x14: {  	[tilespmem:s21+$0x5010] =	vst v0  }
.Ltmp0:
0x15: {  	[tilespmem:s21+$0x5020] =	vst v0;
	(pc) =	sbr.rel @p0 .LBB2_2-.Ltmp0, $4  }
0x16: {  	[tilespmem:s21+$0x5030] =	vst v0  }
0x17: {  	[tilespmem:s21+$0x5040] =	vst v0  }
0x18: {  	[tilespmem:s21+$0x5050] =	vst v0  }
0x19: {  	[tilespmem:s21+$0x5060] =	vst v0;
	s21 =	sshra.s32 s22, $0x2;
	s22 =	sadd.s32 $0x200, s22  }
0x1a: {  	[tilespmem:s21+$0x5070] =	vst v0  }
0x1b: {  	[tilespmem:s21+$0x5000] =	vst v0  }
0x1c: {  	[tilespmem:s21+$0x5010] =	vst v0  }
0x1d: {  	[tilespmem:s21+$0x5020] =	vst v0  }
0x1e: {  	[tilespmem:s21+$0x5030] =	vst v0  }
0x1f: {  	[tilespmem:s21+$0x5040] =	vst v0  }
0x20: {  	[tilespmem:s21+$0x5050] =	vst v0  }
0x21: {  	[tilespmem:s21+$0x5060] =	vst v0  }
0x22: {  	[spmem:s5] =	stream.linear.scatter [tilespmem:s14], [sflag:$0x2], $0x4000, $0x38;
	[tilespmem:$0x1D000] =	vst v63  }
0x23: {  	_ =	swait.ge [sflag:s15], $0x4000  }
0x24: {  	[sflag:s15] =	ssyncset.done $0x0  }
0x25: {  	[sflag:s15] =	ssyncadd.s32 $0xFFFFC000  }
0x26: {  	[spmem:s10] =	stream.linear.scatter [tilespmem:s14], [sflag:$0x2], $0x4000, $0x38;
	[tilespmem:$0x1D000] =	vst v63  }
0x27: {  	_ =	swait.ge [sflag:s15], $0x4000  }
0x28: {  	[sflag:s15] =	ssyncset.done $0x0  }
0x29: {  	[sflag:s15] =	ssyncadd.s32 $0xFFFFC000  }
0x2a: {  	[spmem:s11] =	stream.linear.scatter [tilespmem:s14], [sflag:$0x2], $0x4000, $0x38;
	[tilespmem:$0x1D000] =	vst v63  }
0x2b: {  	_ =	swait.ge [sflag:s15], $0x4000  }
0x2c: {  	[sflag:s15] =	ssyncset.done $0x0  }
0x2d: {  	[sflag:s15] =	ssyncadd.s32 $0xFFFFC000  }
0x2e: {  	[spmem:s12] =	stream.linear.scatter [tilespmem:s14], [sflag:$0x2], $0x4000, $0x38;
	[tilespmem:$0x1D000] =	vst v63  }
0x2f: {  	_ =	swait.ge [sflag:s15], $0x4000  }
0x30: {  	[sflag:s15] =	ssyncset.done $0x0  }
0x31: {  	[sflag:s15] =	ssyncadd.s32 $0xFFFFC000  }
0x32: {  	[spmem:s13] =	stream.linear.scatter [tilespmem:s14], [sflag:$0x2], $0x4000, $0x38;
	[tilespmem:$0x1D000] =	vst v63  }
0x33: {  	_ =	swait.ge [sflag:s15], $0x4000  }
0x34: {  	[sflag:s15] =	ssyncset.done $0x0  }
0x35: {  	s29 =	simm.s32 $0x0;
	[sflag:s15] =	ssyncadd.s32 $0xFFFFC000  }
0x36: {  	[tilespmem:s29], [sflag:$0x2] =	stream.linear.gather [hbm4b:s6+s29], $0x2800, $0x38;
	[tilespmem:$0x1D000] =	vst v63  }
0x37: {  	_ =	swait.ge [sflag:s15], $0x2800  }
0x38: {  	[sflag:s15] =	ssyncset.done $0x0  }
0x39: {  	[sflag:s15] =	ssyncadd.s32 $0xFFFFD800  }
0x3a: {  	[tilespmem:s16], [sflag:$0x2] =	stream.linear.gather [hbm4b:s7+s29], $0x2800, $0x38;
	[tilespmem:$0x1D000] =	vst v63  }
0x3b: {  	_ =	swait.ge [sflag:s15], $0x2800  }
0x3c: {  	[sflag:s15] =	ssyncset.done $0x0  }
0x3d: {  	[sflag:s15] =	ssyncadd.s32 $0xFFFFD800  }
0x3e: {  	s30 =	simm.s32 $0x0;
	[bflag:$0x0] =	sbarrier.arrive $0xFFFF  }
0x3f: {  	[tilespmem:s14], [sflag:$0x1] =	stream.indirect.gather [hbm4b:s4+s17], $0x80, s30, s17, $0xb8;
	[tilespmem:$0x1D000] =	vst v63  }
0x40: {  	_ =	swait.ge [sflag:s18], $0x4000  }
0x41: {  	[sflag:s18] =	ssyncset.done $0x0  }
0x42: {  	s31 =	simm.s32 $0x2800;
	[sflag:s18] =	ssyncadd.s32 $0xFFFFC000  }
0x43: {  	[spmem:s1] =	stream.indirect.scatter.add.f32 [tilespmem:s14], [sflag:$0x2], $0x80, s31, s17, $0xb8;
	[tilespmem:$0x1D000] =	vst v63  }
0x44: {  	_ =	swait.ge [sflag:s15], $0x4000  }
0x45: {  	s21 =	simm.s32 $0x200;
	s22 =	simm.s32 $0x400;
	[sflag:s15] =	ssyncset.done $0x0  }
.LBB2_4:
0x46: {  	s23 =	sshra.s32 s21, $0x2  }
0x47: {  	[sflag:s15] =	ssyncadd.s32 $0xFFFFC000;
	s21 =	smov.u32 s22;
	s24 =	sadd.s32 $0x200, s22  }
0x48: {  	[tilespmem:s14], [sflag:$0x1] =	stream.indirect.gather [hbm4b:s4+s17], $0x80, s23, s17, $0xb8;
	[tilespmem:$0x1D000] =	vst v63  }
0x49: {  	p0 =	sne.s32 s22, $0x9E00;
	_ =	swait.ge [sflag:s18], $0x4000  }
.Ltmp1:
0x4a: {  	[sflag:s18] =	ssyncset.done $0x0;
	(pc) =	sbr.rel @p0 .LBB2_4-.Ltmp1, $4  }
0x4b: {  	s22 =	sadd.s32 $0x2800, s23;
	[sflag:s18] =	ssyncadd.s32 $0xFFFFC000  }
0x4c: {  	[spmem:s1] =	stream.indirect.scatter.add.f32 [tilespmem:s14], [sflag:$0x2], $0x80, s22, s17, $0xb8;
	[tilespmem:$0x1D000] =	vst v63  }
0x4d: {  	_ =	swait.ge [sflag:s15], $0x4000  }
0x4e: {  	s22 =	smov.u32 s24;
	[sflag:s15] =	ssyncset.done $0x0  }
0x4f: {  	s21 =	sshra.s32 s21, $0x2;
	[sflag:s15] =	ssyncadd.s32 $0xFFFFC000  }
0x50: {  	[tilespmem:s14], [sflag:$0x1] =	stream.indirect.gather [hbm4b:s4+s17], $0x80, s21, s17, $0xb8;
	[tilespmem:$0x1D000] =	vst v63  }
0x51: {  	_ =	swait.ge [sflag:s18], $0x4000  }
0x52: {  	[sflag:s18] =	ssyncset.done $0x0  }
0x53: {  	s21 =	sadd.s32 $0x2800, s21;
	[sflag:s18] =	ssyncadd.s32 $0xFFFFC000  }
0x54: {  	[spmem:s1] =	stream.indirect.scatter.add.f32 [tilespmem:s14], [sflag:$0x2], $0x80, s21, s17, $0xb8;
	[tilespmem:$0x1D000] =	vst v63  }
0x55: {  	_ =	swait.ge [sflag:s15], $0x4000  }
0x56: {  	s3 =	sadd.s32 $0x1, s3;
	[sflag:s15] =	ssyncset.done $0x0  }
0x57: {  	p0 =	sne.s32 s3, s9;
	[sflag:s15] =	ssyncadd.s32 $0xFFFFC000  }
.Ltmp2:
0x58: {  	[bflag:$0x0] =	sbarrier.arrive $0xFFFF;
	(pc) =	sbr.rel @p0 .LBB2_1-.Ltmp2, $4  }
0x59: {  	[hbm:s8], [sflag:s19] =	dma.local [spmem:s20], $0x2800  }
0x5a: {  	_ =	swait.ge [sflag:s15], $0x2800  }
0x5b: {  	[sflag:s15] =	ssyncset.done $0x0  }
0x5c: {  	[sflag:s15] =	ssyncadd.s32 $0xFFFFD800  }
0x5d: {  	_ =	sfence.sel $0x180000  }
0x5e: {  	[bflag:$0x0] =	sbarrier.arrive $0xFFFF  }
0x5f: {  	p0 =	sne.s32 s2, $0x0;
	_ =	strace $0x90000053  }
0x60: {  	s0 =	sadd.s32 @!p0 $0x100000, s0;
	[bflag:$0x2] =	sbarrier.arrive $0xFFFF  }
0x61: {  	[sflag:s0] =	ssyncadd.tile.s32 @!p0 $0x1;
	_ =	shalt  }
.Lfunc_end2:
_tile_overlayer_lowered:
.L_overlay_start_2:
0x62: {  	(tag) =	ssettag $0x2  }
0x63: {  	s0 =	rddreg [dreg:$0x0];
	s2 =	stileid.u32  }
0x64: {  	s1 =	rddreg [dreg:$0x1];
	p0 =	sne.s32 s2, $0x0  }
0x65: {  	s3 =	rddreg [dreg:$0x2];
	[bflag:$0x3] =	sbarrier.arrive $0xFFFF;
	s2 =	simm.s32 @!p0 $0x1C02  }
0x66: {  	[timem:s3], [sflag:s2] =	dma.local @!p0 [hbm:s0], s1  }
0x67: {  	s0 =	simm.s32 @!p0 $0x2  }
0x68: {  	_ =	swait.ge @!p0 [sflag:s0], s1  }
0x69: {  	s1 =	ssub.s32 @!p0 $0x0, s1;
	[sflag:s0] =	ssyncset.done @!p0 $0x0  }
0x6a: {  	[sflag:s0] =	ssyncadd.s32 @!p0 s1  }
0x6b: {  	[bflag:$0x3] =	sbarrier.arrive $0xFFFF  }
0x6c: {  	_ =	shalt  }

</sc_bundles>
